<compile_context>
chip_gen: v7x
topology: tpu7x:2x2x1
jax: 0.10.2.dev20260603
libtpu: 0.0.44.dev20260713+nightly
codegen_flags: <defaults>
</compile_context>

<pallas_src>
import functools

import jax
import jax.numpy as jnp
from jax import lax
from jax.experimental import pallas as pl
from jax.experimental.pallas import tpu as pltpu
from jax.experimental.pallas import tpu_sc as plsc


_B, _N, _IN, _HID, _OUT = 4, 10000, 128, 256, 128


def _sc_gather(emb2d, ns, nid1):
    mesh = plsc.VectorSubcoreMesh(core_axis_name="c", subcore_axis_name="s",
                                  num_cores=1)

    @functools.partial(
        pl.kernel,
        mesh=mesh,
        out_type=(
            jax.ShapeDtypeStruct((_B * 64, _IN), jnp.float32),
            jax.ShapeDtypeStruct((_B, _IN), jnp.float32),
        ),
        scratch_types=[
            pltpu.VMEM((16,), jnp.int32),
            pltpu.VMEM((16,), jnp.int32),
            pltpu.VMEM((16, _IN), jnp.float32),
            pltpu.VMEM((16,), jnp.int32),
            pltpu.SemaphoreType.DMA,
        ],
    )
    def k(emb_hbm, ns_hbm, nid_hbm, ne_hbm, ce_hbm,
          nsv, idx_v, rows_v, nid_v, sem0):
        wid = lax.axis_index("s")

        b = wid // 4
        part = wid % 4
        pltpu.sync_copy(ns_hbm.at[pl.ds(part * 16, 16)], nsv)
        idx_v[:] = nsv[:] + b * _N
        pltpu.async_copy(emb_hbm.at[idx_v], rows_v, sem0).wait()
        pltpu.sync_copy(rows_v, ne_hbm.at[pl.ds(wid * 16, 16)])

        @pl.when(wid == 0)
        def _():
            pltpu.sync_copy(nid_hbm, nid_v.at[pl.ds(0, 1)])
            nid = nid_v[:][0]
            iota16 = lax.iota(jnp.int32, 16)
            idx_v[:] = jnp.minimum(iota16, _B - 1) * _N + nid
            pltpu.async_copy(emb_hbm.at[idx_v], rows_v, sem0).wait()
            pltpu.sync_copy(rows_v.at[pl.ds(0, _B)], ce_hbm)

    return k(emb2d, ns, nid1)


def _leaky(x):
    return jnp.where(x >= 0, x, 0.3 * x)


def _tc_dense_body(ns_ref, nid_ref, w_hbm, nsv_ref, ne_ref, ce_ref, q_ref,
                   qb_ref, wk_ref, wb_ref, o_ref, wrows_v, sem):
    nid = nid_ref[0]
    col0 = pl.multiple_of((nid // 128) * 128, 128)
    lane = nid - col0
    for i in range(64):
        row0 = pl.multiple_of((ns_ref[i] // 8) * 8, 8)
        pltpu.make_async_copy(
            w_hbm.at[pl.ds(row0, 8), pl.ds(col0, 128)],
            wrows_v.at[i],
            sem,
        ).start()

    q = q_ref[:]
    qb = qb_ref[:]
    hs = []
    for b in range(_B):
        ne_b = ne_ref[b * 64:(b + 1) * 64, :]
        hs.append(_leaky(jnp.dot(ne_b, q,
                                 preferred_element_type=jnp.float32,
                                 precision=lax.Precision.HIGHEST)
                         + qb[None, :]))

    for i in range(64):
        pltpu.make_async_copy(
            w_hbm.at[pl.ds(0, 8), pl.ds(col0, 128)],
            wrows_v.at[i],
            sem,
        ).wait()
    subl = nsv_ref[:] % 8
    sel = ((lax.broadcasted_iota(jnp.int32, (64, 8, 128), 1)
            == subl[:, None, None])
           & (lax.broadcasted_iota(jnp.int32, (64, 8, 128), 2) == lane))
    w64 = jnp.sum(jnp.where(sel, wrows_v[:], 0.0), axis=(1, 2))
    denom = jnp.sum(w64) + 1e-6

    ws_rows = [jnp.sum(h * w64[:, None], axis=0, keepdims=True) / denom
               for h in hs]
    wsm = jnp.concatenate(ws_rows, axis=0)
    cc = jnp.concatenate([ce_ref[:], wsm], axis=1)
    h2 = _leaky(jnp.dot(cc, wk_ref[:],
                        preferred_element_type=jnp.float32,
                        precision=lax.Precision.HIGHEST) + wb_ref[:][None, :])
    nrm = jnp.sqrt(jnp.sum(h2 * h2, axis=1, keepdims=True)) + 1e-6
    o_ref[:] = h2 / nrm


def _tc_dense(ns, nid1, weights, ne, ce, Q_kernel, Q_bias, W_kernel, W_bias):
    vmem = pl.BlockSpec(memory_space=pltpu.MemorySpace.VMEM)
    return pl.pallas_call(
        _tc_dense_body,
        in_specs=[
            pl.BlockSpec(memory_space=pltpu.MemorySpace.SMEM),
            pl.BlockSpec(memory_space=pltpu.MemorySpace.SMEM),
            pl.BlockSpec(memory_space=pltpu.MemorySpace.HBM),
            vmem, vmem, vmem, vmem, vmem, vmem, vmem,
        ],
        out_specs=vmem,
        out_shape=jax.ShapeDtypeStruct((_B, _OUT), jnp.float32),
        scratch_shapes=[
            pltpu.VMEM((64, 8, 128), jnp.float32),
            pltpu.SemaphoreType.DMA,
        ],
    )(ns, nid1, weights, ns, ne, ce, Q_kernel, Q_bias, W_kernel, W_bias)


def kernel(embeddings, weights, Q_kernel, Q_bias, W_kernel, W_bias,
           neighbor_set, node_id):
    B, N, IN = embeddings.shape
    ns = neighbor_set.astype(jnp.int32)
    nid1 = jnp.asarray(node_id, jnp.int32).reshape(1)
    emb2d = embeddings.reshape(B * N, IN)
    ne, ce = _sc_gather(emb2d, ns, nid1)
    return _tc_dense(ns, nid1, weights, ne, ce,
                     Q_kernel, Q_bias, W_kernel, W_bias)

# --- scband reference (transcript-rebuilt; emitter-appended) ---
"""Pipeline reference for scband-convolve-67053029425400 (READ-ONLY COPY).

The authoritative reference and input builder live on the scoring server;
editing this copy changes nothing except your own understanding.
"""

import jax, jax.numpy as jnp
import numpy as np


def leaky_relu(x, alpha=0.3):
    return jnp.where(x >= 0, x, alpha * x)


def setup_inputs(seed: int = 0) -> dict:
    key = jax.random.key(seed)
    k1, k2, k3, k4, k5, k6, k7 = jax.random.split(key, 7)
    B, N, IN, HID, OUT = 4, 10000, 128, 256, 128
    embeddings = jax.random.normal(k1, (B, N, IN), dtype=jnp.float32)
    weights = jax.random.uniform(k2, (N, N), dtype=jnp.float32)
    neighbor_set = jax.random.randint(k3, (64,), 0, N, dtype=jnp.int64) if jax.config.jax_enable_x64 else jax.random.randint(k3, (64,), 0, N, dtype=jnp.int32)
    node_id = 5000
    Q_kernel = jax.random.normal(k4, (IN, HID), dtype=jnp.float32) * (1.0 / np.sqrt(IN))
    Q_bias = jnp.zeros((HID,), dtype=jnp.float32)
    W_kernel = jax.random.normal(k5, (IN + HID, OUT), dtype=jnp.float32) * (1.0 / np.sqrt(IN + HID))
    W_bias = jnp.zeros((OUT,), dtype=jnp.float32)
    return {
        "embeddings": embeddings,
        "weights": weights,
        "Q_kernel": Q_kernel,
        "Q_bias": Q_bias,
        "W_kernel": W_kernel,
        "W_bias": W_bias,
        "neighbor_set": neighbor_set,
        "node_id": node_id,
    }


def reference(embeddings, weights, Q_kernel, Q_bias, W_kernel, W_bias, neighbor_set, node_id):
    # gather neighbor embeddings along node axis: [B, |N|, in]
    neighbor_embeddings = jnp.take(embeddings, neighbor_set, axis=1)
    # Q dense + LeakyReLU: [B, |N|, hidden]
    neighbor_hiddens = leaky_relu(neighbor_embeddings @ Q_kernel + Q_bias)
    # incoming edge weights: column node_id of adjacency -> [n_nodes, 1]
    incoming_weights = jnp.take(weights, jnp.array([node_id]), axis=1)
    # gather neighbor rows: [|N|, 1] -> [1, |N|, 1]
    neighbor_weights = jnp.take(incoming_weights, neighbor_set, axis=0)
    neighbor_weights = jnp.expand_dims(neighbor_weights, 0)
    # weighted mean over neighbors: [B, hidden]
    weighted_sum_hidden = jnp.sum(neighbor_hiddens * neighbor_weights, axis=1) / (
        jnp.sum(neighbor_weights, axis=1) + 1e-06
    )
    # center node embedding: [B, in]
    node_embedding = jnp.squeeze(jnp.take(embeddings, jnp.array([node_id]), axis=1), axis=1)
    concated_hidden = jnp.concatenate([node_embedding, weighted_sum_hidden], axis=-1)
    hidden_new = leaky_relu(concated_hidden @ W_kernel + W_bias)
    normalized = hidden_new / (jnp.linalg.norm(hidden_new, axis=1, keepdims=True) + 1e-06)
    return normalized

if __name__ == "__main__":
    import jax
    _d = setup_inputs()
    print(jax.jit(kernel)(*tuple(_d.values())))

</pallas_src>

<mosaic_0001>
#map = affine_map<(d0, d1) -> (0, 0)>
#map1 = affine_map<(d0, d1) -> (0)>
module attributes {stable_mosaic.version = 14 : i64} {
  func.func @k(%arg0: i32, %arg1: i32, %arg2: memref<40000x128xf32, #tpu.memory_space<hbm>>, %arg3: memref<64xi32, #tpu.memory_space<hbm>>, %arg4: memref<1xi32, #tpu.memory_space<hbm>>, %arg5: memref<256x128xf32, #tpu.memory_space<hbm>>, %arg6: memref<4x128xf32, #tpu.memory_space<hbm>>, %arg7: memref<16xi32, #tpu.memory_space<vmem>>, %arg8: memref<16xi32, #tpu.memory_space<vmem>>, %arg9: memref<16x128xf32, #tpu.memory_space<vmem>>, %arg10: memref<16xi32, #tpu.memory_space<vmem>>, %arg11: memref<!tpu.dma_semaphore, #tpu.memory_space<semaphore_mem>>) attributes {dimension_semantics = [#tpu.dimension_semantics<core_parallel>, #tpu.dimension_semantics<subcore_parallel>], iteration_bounds = array<i64: 1, 16>, scalar_prefetch = 0 : i64, scratch_operands = 5 : i64, tpu.core_type = #tpu.core_type<sc_vector_subcore>, window_params = [{transform_indices = #map}, {transform_indices = #map1}, {transform_indices = #map1}, {transform_indices = #map}, {transform_indices = #map}]} {
    %jit3A = arith.constant 4 : i32
    %div3A = arith.divsi %arg1, %jit3A : i32
    %sign3A = arith.constant 0 : i32
    %sign3A_0 = arith.cmpi sgt, %arg1, %sign3A : i32
    %sign3A_1 = arith.extui %sign3A_0 : i1 to i32
    %sign3A_2 = arith.constant 0 : i32
    %sign3A_3 = arith.cmpi slt, %arg1, %sign3A_2 : i32
    %sign3A_4 = arith.extui %sign3A_3 : i1 to i32
    %sign3A_5 = arith.subi %sign3A_1, %sign3A_4 : i32
    %sign3A_6 = arith.constant 0 : i32
    %sign3A_7 = arith.cmpi sgt, %jit3A, %sign3A_6 : i32
    %sign3A_8 = arith.extui %sign3A_7 : i1 to i32
    %sign3A_9 = arith.constant 0 : i32
    %sign3A_10 = arith.cmpi slt, %jit3A, %sign3A_9 : i32
    %sign3A_11 = arith.extui %sign3A_10 : i1 to i32
    %sign3A_12 = arith.subi %sign3A_8, %sign3A_11 : i32
    %ne3A = arith.cmpi ne, %sign3A_5, %sign3A_12 : i32
    %rem3A = arith.remsi %arg1, %jit3A : i32
    %ne3A_13 = arith.constant 0 : i32
    %ne3A_14 = arith.cmpi ne, %rem3A, %ne3A_13 : i32
    %and3A = arith.andi %ne3A, %ne3A_14 : i1
    %sub3A = arith.constant 1 : i32
    %sub3A_15 = arith.subi %div3A, %sub3A : i32
    %select_n3A = arith.select %and3A, %sub3A_15, %div3A : i32
    %jit3A_16 = arith.constant 4 : i32
    %eq3A = arith.constant 0 : i32
    %eq3A_17 = arith.cmpi eq, %jit3A_16, %eq3A : i32
    %jit3A_18 = arith.constant 1 : i32
    %select_n3A_19 = arith.select %eq3A_17, %jit3A_18, %jit3A_16 : i32
    %rem3A_20 = arith.remsi %arg1, %select_n3A_19 : i32
    %ne3A_21 = arith.constant 0 : i32
    %ne3A_22 = arith.cmpi ne, %rem3A_20, %ne3A_21 : i32
    %lt3A = arith.constant 0 : i32
    %lt3A_23 = arith.cmpi slt, %rem3A_20, %lt3A : i32
    %lt3A_24 = arith.constant 0 : i32
    %lt3A_25 = arith.cmpi slt, %select_n3A_19, %lt3A_24 : i32
    %ne3A_26 = arith.xori %lt3A_23, %lt3A_25 : i1
    %and3A_27 = arith.andi %ne3A_26, %ne3A_22 : i1
    %add3A = arith.addi %rem3A_20, %select_n3A_19 : i32
    %select_n3A_28 = arith.select %and3A_27, %add3A, %rem3A_20 : i32
    %mul3A = arith.constant 16 : i32
    %mul3A_29 = arith.muli %select_n3A_28, %mul3A : i32
    "tpu.region"() ({
      %run_scoped3A = tpu.sem_alloc : memref<!tpu.dma_semaphore, #tpu.memory_space<semaphore_mem>>
      %dma_start3A_48 = tpu.memref_slice %arg3[%mul3A_29] : memref<64xi32, #tpu.memory_space<hbm>> -> memref<16xi32, #tpu.memory_space<hbm>>
      %dma_start3A_49 = tpu.memref_slice %arg3[%mul3A_29] : memref<64xi32, #tpu.memory_space<hbm>> -> memref<16xi32, #tpu.memory_space<hbm>>
      tpu.enqueue_dma source(%dma_start3A_49 : memref<16xi32, #tpu.memory_space<hbm>>) target(%arg7 : memref<16xi32, #tpu.memory_space<vmem>>) target_semaphore(%run_scoped3A : memref<!tpu.dma_semaphore, #tpu.memory_space<semaphore_mem>>)
      %dma_wait3A_50 = tpu.memref_slice %arg3[%mul3A_29] : memref<64xi32, #tpu.memory_space<hbm>> -> memref<16xi32, #tpu.memory_space<hbm>>
      %dma_wait3A_51 = tpu.memref_slice %arg3[%mul3A_29] : memref<64xi32, #tpu.memory_space<hbm>> -> memref<16xi32, #tpu.memory_space<hbm>>
      tpu.wait_dma2 semaphore(%run_scoped3A : memref<!tpu.dma_semaphore, #tpu.memory_space<semaphore_mem>>) src(%dma_wait3A_51 : memref<16xi32, #tpu.memory_space<hbm>>) dst(%arg7 : memref<16xi32, #tpu.memory_space<vmem>>)
      tpu.yield
    }) : () -> ()
    %get3A = arith.constant 0 : index
    %get3A_30 = tpu.vector_load %arg7[%get3A] {strides = array<i32>} : memref<16xi32, #tpu.memory_space<vmem>>, vector<16xi32>,
    %get3A_31 = vector.shape_cast %get3A_30 : vector<16xi32> to vector<16xi32>
    %mul3A_32 = arith.constant 10000 : i32
    %mul3A_33 = arith.muli %select_n3A, %mul3A_32 : i32
    %add3A_34 = vector.broadcast %mul3A_33 : i32 to vector<16xi32>
    %add3A_35 = arith.addi %get3A_31, %add3A_34 : vector<16xi32>
    %swap3A = arith.constant 0 : index
    %swap3A_36 = tpu.vector_load %arg8[%swap3A] {strides = array<i32>} : memref<16xi32, #tpu.memory_space<vmem>>, vector<16xi32>,
    %swap3A_37 = vector.shape_cast %swap3A_36 : vector<16xi32> to vector<16xi32>
    %swap3A_38 = vector.shape_cast %add3A_35 : vector<16xi32> to vector<16xi32>
    tpu.vector_store %arg8[%swap3A], %swap3A_38 {strides = array<i32>} : memref<16xi32, #tpu.memory_space<vmem>>, vector<16xi32>,
    %dma_start3A = arith.constant 0 : i32
    %dma_start3A_39 = arith.constant 0 : i32
    %dma_start3A_40 = tpu.memref_slice %arg2[%dma_start3A, %dma_start3A_39] : memref<40000x128xf32, #tpu.memory_space<hbm>> -> memref<40000x128xf32, #tpu.memory_space<hbm>>
    tpu.enqueue_indirect_dma source(%dma_start3A_40 : memref<40000x128xf32, #tpu.memory_space<hbm>>) target(%arg9 : memref<16x128xf32, #tpu.memory_space<vmem>>) offsets(%arg8 : memref<16xi32, #tpu.memory_space<vmem>>) semaphore(%arg11 : memref<!tpu.dma_semaphore, #tpu.memory_space<semaphore_mem>>)
    %dma_wait3A = arith.constant 0 : i32
    %dma_wait3A_41 = arith.constant 0 : i32
    %dma_wait3A_42 = tpu.memref_slice %arg2[%dma_wait3A, %dma_wait3A_41] : memref<40000x128xf32, #tpu.memory_space<hbm>> -> memref<40000x128xf32, #tpu.memory_space<hbm>>
    tpu.wait_indirect_dma semaphore(%arg11 : memref<!tpu.dma_semaphore, #tpu.memory_space<semaphore_mem>>) src(%dma_wait3A_42 : memref<40000x128xf32, #tpu.memory_space<hbm>>) dst(%arg9 : memref<16x128xf32, #tpu.memory_space<vmem>>)
    %mul3A_43 = arith.constant 16 : i32
    %mul3A_44 = arith.muli %arg1, %mul3A_43 : i32
    "tpu.region"() ({
      %run_scoped3A = tpu.sem_alloc : memref<!tpu.dma_semaphore, #tpu.memory_space<semaphore_mem>>
      %dma_start3A_48 = arith.constant 0 : i32
      %dma_start3A_49 = tpu.memref_slice %arg5[%mul3A_44, %dma_start3A_48] : memref<256x128xf32, #tpu.memory_space<hbm>> -> memref<16x128xf32, #tpu.memory_space<hbm>>
      %dma_start3A_50 = arith.constant 0 : i32
      %dma_start3A_51 = tpu.memref_slice %arg5[%mul3A_44, %dma_start3A_50] : memref<256x128xf32, #tpu.memory_space<hbm>> -> memref<16x128xf32, #tpu.memory_space<hbm>>
      tpu.enqueue_dma source(%arg9 : memref<16x128xf32, #tpu.memory_space<vmem>>) target(%dma_start3A_51 : memref<16x128xf32, #tpu.memory_space<hbm>>) target_semaphore(%run_scoped3A : memref<!tpu.dma_semaphore, #tpu.memory_space<semaphore_mem>>)
      %dma_wait3A_52 = arith.constant 0 : i32
      %dma_wait3A_53 = tpu.memref_slice %arg5[%mul3A_44, %dma_wait3A_52] : memref<256x128xf32, #tpu.memory_space<hbm>> -> memref<16x128xf32, #tpu.memory_space<hbm>>
      %dma_wait3A_54 = arith.constant 0 : i32
      %dma_wait3A_55 = tpu.memref_slice %arg5[%mul3A_44, %dma_wait3A_54] : memref<256x128xf32, #tpu.memory_space<hbm>> -> memref<16x128xf32, #tpu.memory_space<hbm>>
      tpu.wait_dma2 semaphore(%run_scoped3A : memref<!tpu.dma_semaphore, #tpu.memory_space<semaphore_mem>>) src(%arg9 : memref<16x128xf32, #tpu.memory_space<vmem>>) dst(%dma_wait3A_55 : memref<16x128xf32, #tpu.memory_space<hbm>>)
      tpu.yield
    }) : () -> ()
    %eq3A_45 = arith.constant 0 : i32
    %eq3A_46 = arith.cmpi eq, %arg1, %eq3A_45 : i32
    %convert_element_type3A = arith.extui %eq3A_46 : i1 to i32
    %cond3A = arith.constant 0 : i32
    %cond3A_47 = arith.cmpi ne, %convert_element_type3A, %cond3A : i32
    scf.if %cond3A_47 {
      "tpu.region"() ({
        %run_scoped3A = tpu.sem_alloc : memref<!tpu.dma_semaphore, #tpu.memory_space<semaphore_mem>>
        %dma_start3A_68 = arith.constant 0 : i32
        %dma_start3A_69 = tpu.memref_slice %arg10[%dma_start3A_68] : memref<16xi32, #tpu.memory_space<vmem>> -> memref<1xi32, #tpu.memory_space<vmem>>
        %dma_start3A_70 = arith.constant 0 : i32
        %dma_start3A_71 = tpu.memref_slice %arg10[%dma_start3A_70] : memref<16xi32, #tpu.memory_space<vmem>> -> memref<1xi32, #tpu.memory_space<vmem>>
        tpu.enqueue_dma source(%arg4 : memref<1xi32, #tpu.memory_space<hbm>>) target(%dma_start3A_71 : memref<1xi32, #tpu.memory_space<vmem>>) target_semaphore(%run_scoped3A : memref<!tpu.dma_semaphore, #tpu.memory_space<semaphore_mem>>)
        %dma_wait3A_72 = arith.constant 0 : i32
        %dma_wait3A_73 = tpu.memref_slice %arg10[%dma_wait3A_72] : memref<16xi32, #tpu.memory_space<vmem>> -> memref<1xi32, #tpu.memory_space<vmem>>
        %dma_wait3A_74 = arith.constant 0 : i32
        %dma_wait3A_75 = tpu.memref_slice %arg10[%dma_wait3A_74] : memref<16xi32, #tpu.memory_space<vmem>> -> memref<1xi32, #tpu.memory_space<vmem>>
        tpu.wait_dma2 semaphore(%run_scoped3A : memref<!tpu.dma_semaphore, #tpu.memory_space<semaphore_mem>>) src(%arg4 : memref<1xi32, #tpu.memory_space<hbm>>) dst(%dma_wait3A_75 : memref<1xi32, #tpu.memory_space<vmem>>)
        tpu.yield
      }) : () -> ()
      %get3A_48 = arith.constant 0 : index
      %get3A_49 = tpu.vector_load %arg10[%get3A_48] {strides = array<i32>} : memref<16xi32, #tpu.memory_space<vmem>>, vector<16xi32>,
      %get3A_50 = vector.shape_cast %get3A_49 : vector<16xi32> to vector<16xi32>
      %slice3A = vector.extract_strided_slice %get3A_50 {offsets = [0], sizes = [1], strides = [1]} : vector<16xi32> to vector<1xi32>
      %squeeze3A = vector.extract %slice3A[0] : i32 from vector<1xi32>
      %iota3A = tpu.iota {dimensions = array<i32: 0>} : vector<16xi32>
      %min3A = arith.constant 3 : i32
      %min3A_51 = vector.broadcast %min3A : i32 to vector<16xi32>
      %min3A_52 = arith.minsi %iota3A, %min3A_51 : vector<16xi32>
      %mul3A_53 = arith.constant 10000 : i32
      %mul3A_54 = vector.broadcast %mul3A_53 : i32 to vector<16xi32>
      %mul3A_55 = arith.muli %min3A_52, %mul3A_54 : vector<16xi32>
      %add3A_56 = vector.broadcast %squeeze3A : i32 to vector<16xi32>
      %add3A_57 = arith.addi %mul3A_55, %add3A_56 : vector<16xi32>
      %swap3A_58 = arith.constant 0 : index
      %swap3A_59 = tpu.vector_load %arg8[%swap3A_58] {strides = array<i32>} : memref<16xi32, #tpu.memory_space<vmem>>, vector<16xi32>,
      %swap3A_60 = vector.shape_cast %swap3A_59 : vector<16xi32> to vector<16xi32>
      %swap3A_61 = vector.shape_cast %add3A_57 : vector<16xi32> to vector<16xi32>
      tpu.vector_store %arg8[%swap3A_58], %swap3A_61 {strides = array<i32>} : memref<16xi32, #tpu.memory_space<vmem>>, vector<16xi32>,
      %dma_start3A_62 = arith.constant 0 : i32
      %dma_start3A_63 = arith.constant 0 : i32
      %dma_start3A_64 = tpu.memref_slice %arg2[%dma_start3A_62, %dma_start3A_63] : memref<40000x128xf32, #tpu.memory_space<hbm>> -> memref<40000x128xf32, #tpu.memory_space<hbm>>
      tpu.enqueue_indirect_dma source(%dma_start3A_64 : memref<40000x128xf32, #tpu.memory_space<hbm>>) target(%arg9 : memref<16x128xf32, #tpu.memory_space<vmem>>) offsets(%arg8 : memref<16xi32, #tpu.memory_space<vmem>>) semaphore(%arg11 : memref<!tpu.dma_semaphore, #tpu.memory_space<semaphore_mem>>)
      %dma_wait3A_65 = arith.constant 0 : i32
      %dma_wait3A_66 = arith.constant 0 : i32
      %dma_wait3A_67 = tpu.memref_slice %arg2[%dma_wait3A_65, %dma_wait3A_66] : memref<40000x128xf32, #tpu.memory_space<hbm>> -> memref<40000x128xf32, #tpu.memory_space<hbm>>
      tpu.wait_indirect_dma semaphore(%arg11 : memref<!tpu.dma_semaphore, #tpu.memory_space<semaphore_mem>>) src(%dma_wait3A_67 : memref<40000x128xf32, #tpu.memory_space<hbm>>) dst(%arg9 : memref<16x128xf32, #tpu.memory_space<vmem>>)
      "tpu.region"() ({
        %run_scoped3A = tpu.sem_alloc : memref<!tpu.dma_semaphore, #tpu.memory_space<semaphore_mem>>
        %dma_start3A_68 = arith.constant 0 : i32
        %dma_start3A_69 = arith.constant 0 : i32
        %dma_start3A_70 = tpu.memref_slice %arg9[%dma_start3A_68, %dma_start3A_69] : memref<16x128xf32, #tpu.memory_space<vmem>> -> memref<4x128xf32, #tpu.memory_space<vmem>>
        %dma_start3A_71 = arith.constant 0 : i32
        %dma_start3A_72 = arith.constant 0 : i32
        %dma_start3A_73 = tpu.memref_slice %arg9[%dma_start3A_71, %dma_start3A_72] : memref<16x128xf32, #tpu.memory_space<vmem>> -> memref<4x128xf32, #tpu.memory_space<vmem>>
        tpu.enqueue_dma source(%dma_start3A_73 : memref<4x128xf32, #tpu.memory_space<vmem>>) target(%arg6 : memref<4x128xf32, #tpu.memory_space<hbm>>) target_semaphore(%run_scoped3A : memref<!tpu.dma_semaphore, #tpu.memory_space<semaphore_mem>>)
        %dma_wait3A_74 = arith.constant 0 : i32
        %dma_wait3A_75 = arith.constant 0 : i32
        %dma_wait3A_76 = tpu.memref_slice %arg9[%dma_wait3A_74, %dma_wait3A_75] : memref<16x128xf32, #tpu.memory_space<vmem>> -> memref<4x128xf32, #tpu.memory_space<vmem>>
        %dma_wait3A_77 = arith.constant 0 : i32
        %dma_wait3A_78 = arith.constant 0 : i32
        %dma_wait3A_79 = tpu.memref_slice %arg9[%dma_wait3A_77, %dma_wait3A_78] : memref<16x128xf32, #tpu.memory_space<vmem>> -> memref<4x128xf32, #tpu.memory_space<vmem>>
        tpu.wait_dma2 semaphore(%run_scoped3A : memref<!tpu.dma_semaphore, #tpu.memory_space<semaphore_mem>>) src(%dma_wait3A_79 : memref<4x128xf32, #tpu.memory_space<vmem>>) dst(%arg6 : memref<4x128xf32, #tpu.memory_space<hbm>>)
        tpu.yield
      }) : () -> ()
    } else {
    }
    return
  }
}

module attributes {stable_mosaic.version = 14 : i64} {
  func.func @_tc_dense_body(%arg0: memref<64xi32, #tpu.memory_space<smem>>, %arg1: memref<1xi32, #tpu.memory_space<smem>>, %arg2: memref<10000x10000xf32, #tpu.memory_space<hbm>>, %arg3: memref<64xi32, #tpu.memory_space<vmem>>, %arg4: memref<256x128xf32, #tpu.memory_space<vmem>>, %arg5: memref<4x128xf32, #tpu.memory_space<vmem>>, %arg6: memref<128x256xf32, #tpu.memory_space<vmem>>, %arg7: memref<256xf32, #tpu.memory_space<vmem>>, %arg8: memref<384x128xf32, #tpu.memory_space<vmem>>, %arg9: memref<128xf32, #tpu.memory_space<vmem>>, %arg10: memref<4x128xf32, #tpu.memory_space<vmem>>, %arg11: memref<64x8x128xf32, #tpu.memory_space<vmem>>, %arg12: memref<!tpu.dma_semaphore, #tpu.memory_space<semaphore_mem>>) attributes {dimension_semantics = [], scalar_prefetch = 0 : i64, scratch_operands = 2 : i64, tpu.core_type = #tpu.core_type<tc>} {
    %get3A = arith.constant 0 : index
    %get3A_0 = memref.load %arg1[%get3A] : memref<1xi32, #tpu.memory_space<smem>>
    %jit3A = arith.constant 128 : i32
    %div3A = arith.divsi %get3A_0, %jit3A : i32
    %sign3A = arith.constant 0 : i32
    %sign3A_1 = arith.cmpi sgt, %get3A_0, %sign3A : i32
    %sign3A_2 = arith.extui %sign3A_1 : i1 to i32
    %sign3A_3 = arith.constant 0 : i32
    %sign3A_4 = arith.cmpi slt, %get3A_0, %sign3A_3 : i32
    %sign3A_5 = arith.extui %sign3A_4 : i1 to i32
    %sign3A_6 = arith.subi %sign3A_2, %sign3A_5 : i32
    %sign3A_7 = arith.constant 0 : i32
    %sign3A_8 = arith.cmpi sgt, %jit3A, %sign3A_7 : i32
    %sign3A_9 = arith.extui %sign3A_8 : i1 to i32
    %sign3A_10 = arith.constant 0 : i32
    %sign3A_11 = arith.cmpi slt, %jit3A, %sign3A_10 : i32
    %sign3A_12 = arith.extui %sign3A_11 : i1 to i32
    %sign3A_13 = arith.subi %sign3A_9, %sign3A_12 : i32
    %ne3A = arith.cmpi ne, %sign3A_6, %sign3A_13 : i32
    %rem3A = arith.remsi %get3A_0, %jit3A : i32
    %ne3A_14 = arith.constant 0 : i32
    %ne3A_15 = arith.cmpi ne, %rem3A, %ne3A_14 : i32
    %and3A = arith.andi %ne3A, %ne3A_15 : i1
    %sub3A = arith.constant 1 : i32
    %sub3A_16 = arith.subi %div3A, %sub3A : i32
    %select_n3A = arith.select %and3A, %sub3A_16, %div3A : i32
    %mul3A = arith.constant 128 : i32
    %mul3A_17 = arith.muli %select_n3A, %mul3A : i32
    %multiple_of3A = tpu.assume_multiple %mul3A_17, 128 : i32
    %sub3A_18 = arith.subi %get3A_0, %multiple_of3A : i32
    %get3A_19 = arith.constant 0 : index
    %get3A_20 = memref.load %arg0[%get3A_19] : memref<64xi32, #tpu.memory_space<smem>>
    %jit3A_21 = arith.constant 8 : i32
    %div3A_22 = arith.divsi %get3A_20, %jit3A_21 : i32
    %sign3A_23 = arith.constant 0 : i32
    %sign3A_24 = arith.cmpi sgt, %get3A_20, %sign3A_23 : i32
    %sign3A_25 = arith.extui %sign3A_24 : i1 to i32
    %sign3A_26 = arith.constant 0 : i32
    %sign3A_27 = arith.cmpi slt, %get3A_20, %sign3A_26 : i32
    %sign3A_28 = arith.extui %sign3A_27 : i1 to i32
    %sign3A_29 = arith.subi %sign3A_25, %sign3A_28 : i32
    %sign3A_30 = arith.constant 0 : i32
    %sign3A_31 = arith.cmpi sgt, %jit3A_21, %sign3A_30 : i32
    %sign3A_32 = arith.extui %sign3A_31 : i1 to i32
    %sign3A_33 = arith.constant 0 : i32
    %sign3A_34 = arith.cmpi slt, %jit3A_21, %sign3A_33 : i32
    %sign3A_35 = arith.extui %sign3A_34 : i1 to i32
    %sign3A_36 = arith.subi %sign3A_32, %sign3A_35 : i32
    %ne3A_37 = arith.cmpi ne, %sign3A_29, %sign3A_36 : i32
    %rem3A_38 = arith.remsi %get3A_20, %jit3A_21 : i32
    %ne3A_39 = arith.constant 0 : i32
    %ne3A_40 = arith.cmpi ne, %rem3A_38, %ne3A_39 : i32
    %and3A_41 = arith.andi %ne3A_37, %ne3A_40 : i1
    %sub3A_42 = arith.constant 1 : i32
    %sub3A_43 = arith.subi %div3A_22, %sub3A_42 : i32
    %select_n3A_44 = arith.select %and3A_41, %sub3A_43, %div3A_22 : i32
    %mul3A_45 = arith.constant 8 : i32
    %mul3A_46 = arith.muli %select_n3A_44, %mul3A_45 : i32
    %multiple_of3A_47 = tpu.assume_multiple %mul3A_46, 8 : i32
    %dma_start3A = arith.constant 0 : i32
    %dma_start3A_48 = arith.constant 0 : i32
    %dma_start3A_49 = arith.constant 0 : i32
    %dma_start3A_50 = tpu.memref_slice %arg11[%dma_start3A, %dma_start3A_48, %dma_start3A_49] : memref<64x8x128xf32, #tpu.memory_space<vmem>> -> memref<1x8x128xf32, #tpu.memory_space<vmem>>
    %dma_start3A_51 = tpu.memref_squeeze %dma_start3A_50 : memref<1x8x128xf32, #tpu.memory_space<vmem>> -> memref<8x128xf32, #tpu.memory_space<vmem>>
    %dma_start3A_52 = tpu.memref_slice %arg2[%multiple_of3A_47, %multiple_of3A] : memref<10000x10000xf32, #tpu.memory_space<hbm>> -> memref<8x128xf32, #tpu.memory_space<hbm>>
    tpu.enqueue_dma source(%dma_start3A_52 : memref<8x128xf32, #tpu.memory_space<hbm>>) target(%dma_start3A_51 : memref<8x128xf32, #tpu.memory_space<vmem>>) target_semaphore(%arg12 : memref<!tpu.dma_semaphore, #tpu.memory_space<semaphore_mem>>)
    %get3A_53 = arith.constant 1 : index
    %get3A_54 = memref.load %arg0[%get3A_53] : memref<64xi32, #tpu.memory_space<smem>>
    %jit3A_55 = arith.constant 8 : i32
    %div3A_56 = arith.divsi %get3A_54, %jit3A_55 : i32
    %sign3A_57 = arith.constant 0 : i32
    %sign3A_58 = arith.cmpi sgt, %get3A_54, %sign3A_57 : i32
    %sign3A_59 = arith.extui %sign3A_58 : i1 to i32
    %sign3A_60 = arith.constant 0 : i32
    %sign3A_61 = arith.cmpi slt, %get3A_54, %sign3A_60 : i32
    %sign3A_62 = arith.extui %sign3A_61 : i1 to i32
    %sign3A_63 = arith.subi %sign3A_59, %sign3A_62 : i32
    %sign3A_64 = arith.constant 0 : i32
    %sign3A_65 = arith.cmpi sgt, %jit3A_55, %sign3A_64 : i32
    %sign3A_66 = arith.extui %sign3A_65 : i1 to i32
    %sign3A_67 = arith.constant 0 : i32
    %sign3A_68 = arith.cmpi slt, %jit3A_55, %sign3A_67 : i32
    %sign3A_69 = arith.extui %sign3A_68 : i1 to i32
    %sign3A_70 = arith.subi %sign3A_66, %sign3A_69 : i32
    %ne3A_71 = arith.cmpi ne, %sign3A_63, %sign3A_70 : i32
    %rem3A_72 = arith.remsi %get3A_54, %jit3A_55 : i32
    %ne3A_73 = arith.constant 0 : i32
    %ne3A_74 = arith.cmpi ne, %rem3A_72, %ne3A_73 : i32
    %and3A_75 = arith.andi %ne3A_71, %ne3A_74 : i1
    %sub3A_76 = arith.constant 1 : i32
    %sub3A_77 = arith.subi %div3A_56, %sub3A_76 : i32
    %select_n3A_78 = arith.select %and3A_75, %sub3A_77, %div3A_56 : i32
    %mul3A_79 = arith.constant 8 : i32
    %mul3A_80 = arith.muli %select_n3A_78, %mul3A_79 : i32
    %multiple_of3A_81 = tpu.assume_multiple %mul3A_80, 8 : i32
    %dma_start3A_82 = arith.constant 1 : i32
    %dma_start3A_83 = arith.constant 0 : i32
    %dma_start3A_84 = arith.constant 0 : i32
    %dma_start3A_85 = tpu.memref_slice %arg11[%dma_start3A_82, %dma_start3A_83, %dma_start3A_84] : memref<64x8x128xf32, #tpu.memory_space<vmem>> -> memref<1x8x128xf32, #tpu.memory_space<vmem>>
    %dma_start3A_86 = tpu.memref_squeeze %dma_start3A_85 : memref<1x8x128xf32, #tpu.memory_space<vmem>> -> memref<8x128xf32, #tpu.memory_space<vmem>>
    %dma_start3A_87 = tpu.memref_slice %arg2[%multiple_of3A_81, %multiple_of3A] : memref<10000x10000xf32, #tpu.memory_space<hbm>> -> memref<8x128xf32, #tpu.memory_space<hbm>>
    tpu.enqueue_dma source(%dma_start3A_87 : memref<8x128xf32, #tpu.memory_space<hbm>>) target(%dma_start3A_86 : memref<8x128xf32, #tpu.memory_space<vmem>>) target_semaphore(%arg12 : memref<!tpu.dma_semaphore, #tpu.memory_space<semaphore_mem>>)
    %get3A_88 = arith.constant 2 : index
    %get3A_89 = memref.load %arg0[%get3A_88] : memref<64xi32, #tpu.memory_space<smem>>
    %jit3A_90 = arith.constant 8 : i32
    %div3A_91 = arith.divsi %get3A_89, %jit3A_90 : i32
    %sign3A_92 = arith.constant 0 : i32
    %sign3A_93 = arith.cmpi sgt, %get3A_89, %sign3A_92 : i32
    %sign3A_94 = arith.extui %sign3A_93 : i1 to i32
    %sign3A_95 = arith.constant 0 : i32
    %sign3A_96 = arith.cmpi slt, %get3A_89, %sign3A_95 : i32
    %sign3A_97 = arith.extui %sign3A_96 : i1 to i32
    %sign3A_98 = arith.subi %sign3A_94, %sign3A_97 : i32
    %sign3A_99 = arith.constant 0 : i32
    %sign3A_100 = arith.cmpi sgt, %jit3A_90, %sign3A_99 : i32
    %sign3A_101 = arith.extui %sign3A_100 : i1 to i32
    %sign3A_102 = arith.constant 0 : i32
    %sign3A_103 = arith.cmpi slt, %jit3A_90, %sign3A_102 : i32
    %sign3A_104 = arith.extui %sign3A_103 : i1 to i32
    %sign3A_105 = arith.subi %sign3A_101, %sign3A_104 : i32
    %ne3A_106 = arith.cmpi ne, %sign3A_98, %sign3A_105 : i32
    %rem3A_107 = arith.remsi %get3A_89, %jit3A_90 : i32
    %ne3A_108 = arith.constant 0 : i32
    %ne3A_109 = arith.cmpi ne, %rem3A_107, %ne3A_108 : i32
    %and3A_110 = arith.andi %ne3A_106, %ne3A_109 : i1
    %sub3A_111 = arith.constant 1 : i32
    %sub3A_112 = arith.subi %div3A_91, %sub3A_111 : i32
    %select_n3A_113 = arith.select %and3A_110, %sub3A_112, %div3A_91 : i32
    %mul3A_114 = arith.constant 8 : i32
    %mul3A_115 = arith.muli %select_n3A_113, %mul3A_114 : i32
    %multiple_of3A_116 = tpu.assume_multiple %mul3A_115, 8 : i32
    %dma_start3A_117 = arith.constant 2 : i32
    %dma_start3A_118 = arith.constant 0 : i32
    %dma_start3A_119 = arith.constant 0 : i32
    %dma_start3A_120 = tpu.memref_slice %arg11[%dma_start3A_117, %dma_start3A_118, %dma_start3A_119] : memref<64x8x128xf32, #tpu.memory_space<vmem>> -> memref<1x8x128xf32, #tpu.memory_space<vmem>>
    %dma_start3A_121 = tpu.memref_squeeze %dma_start3A_120 : memref<1x8x128xf32, #tpu.memory_space<vmem>> -> memref<8x128xf32, #tpu.memory_space<vmem>>
    %dma_start3A_122 = tpu.memref_slice %arg2[%multiple_of3A_116, %multiple_of3A] : memref<10000x10000xf32, #tpu.memory_space<hbm>> -> memref<8x128xf32, #tpu.memory_space<hbm>>
    tpu.enqueue_dma source(%dma_start3A_122 : memref<8x128xf32, #tpu.memory_space<hbm>>) target(%dma_start3A_121 : memref<8x128xf32, #tpu.memory_space<vmem>>) target_semaphore(%arg12 : memref<!tpu.dma_semaphore, #tpu.memory_space<semaphore_mem>>)
    %get3A_123 = arith.constant 3 : index
    %get3A_124 = memref.load %arg0[%get3A_123] : memref<64xi32, #tpu.memory_space<smem>>
    %jit3A_125 = arith.constant 8 : i32
    %div3A_126 = arith.divsi %get3A_124, %jit3A_125 : i32
    %sign3A_127 = arith.constant 0 : i32
    %sign3A_128 = arith.cmpi sgt, %get3A_124, %sign3A_127 : i32
    %sign3A_129 = arith.extui %sign3A_128 : i1 to i32
    %sign3A_130 = arith.constant 0 : i32
    %sign3A_131 = arith.cmpi slt, %get3A_124, %sign3A_130 : i32
    %sign3A_132 = arith.extui %sign3A_131 : i1 to i32
    %sign3A_133 = arith.subi %sign3A_129, %sign3A_132 : i32
    %sign3A_134 = arith.constant 0 : i32
    %sign3A_135 = arith.cmpi sgt, %jit3A_125, %sign3A_134 : i32
    %sign3A_136 = arith.extui %sign3A_135 : i1 to i32
    %sign3A_137 = arith.constant 0 : i32
    %sign3A_138 = arith.cmpi slt, %jit3A_125, %sign3A_137 : i32
    %sign3A_139 = arith.extui %sign3A_138 : i1 to i32
    %sign3A_140 = arith.subi %sign3A_136, %sign3A_139 : i32
    %ne3A_141 = arith.cmpi ne, %sign3A_133, %sign3A_140 : i32
    %rem3A_142 = arith.remsi %get3A_124, %jit3A_125 : i32
    %ne3A_143 = arith.constant 0 : i32
    %ne3A_144 = arith.cmpi ne, %rem3A_142, %ne3A_143 : i32
    %and3A_145 = arith.andi %ne3A_141, %ne3A_144 : i1
    %sub3A_146 = arith.constant 1 : i32
    %sub3A_147 = arith.subi %div3A_126, %sub3A_146 : i32
    %select_n3A_148 = arith.select %and3A_145, %sub3A_147, %div3A_126 : i32
    %mul3A_149 = arith.constant 8 : i32
    %mul3A_150 = arith.muli %select_n3A_148, %mul3A_149 : i32
    %multiple_of3A_151 = tpu.assume_multiple %mul3A_150, 8 : i32
    %dma_start3A_152 = arith.constant 3 : i32
    %dma_start3A_153 = arith.constant 0 : i32
    %dma_start3A_154 = arith.constant 0 : i32
    %dma_start3A_155 = tpu.memref_slice %arg11[%dma_start3A_152, %dma_start3A_153, %dma_start3A_154] : memref<64x8x128xf32, #tpu.memory_space<vmem>> -> memref<1x8x128xf32, #tpu.memory_space<vmem>>
    %dma_start3A_156 = tpu.memref_squeeze %dma_start3A_155 : memref<1x8x128xf32, #tpu.memory_space<vmem>> -> memref<8x128xf32, #tpu.memory_space<vmem>>
    %dma_start3A_157 = tpu.memref_slice %arg2[%multiple_of3A_151, %multiple_of3A] : memref<10000x10000xf32, #tpu.memory_space<hbm>> -> memref<8x128xf32, #tpu.memory_space<hbm>>
    tpu.enqueue_dma source(%dma_start3A_157 : memref<8x128xf32, #tpu.memory_space<hbm>>) target(%dma_start3A_156 : memref<8x128xf32, #tpu.memory_space<vmem>>) target_semaphore(%arg12 : memref<!tpu.dma_semaphore, #tpu.memory_space<semaphore_mem>>)
    %get3A_158 = arith.constant 4 : index
    %get3A_159 = memref.load %arg0[%get3A_158] : memref<64xi32, #tpu.memory_space<smem>>
    %jit3A_160 = arith.constant 8 : i32
    %div3A_161 = arith.divsi %get3A_159, %jit3A_160 : i32
    %sign3A_162 = arith.constant 0 : i32
    %sign3A_163 = arith.cmpi sgt, %get3A_159, %sign3A_162 : i32
    %sign3A_164 = arith.extui %sign3A_163 : i1 to i32
    %sign3A_165 = arith.constant 0 : i32
    %sign3A_166 = arith.cmpi slt, %get3A_159, %sign3A_165 : i32
    %sign3A_167 = arith.extui %sign3A_166 : i1 to i32
    %sign3A_168 = arith.subi %sign3A_164, %sign3A_167 : i32
    %sign3A_169 = arith.constant 0 : i32
    %sign3A_170 = arith.cmpi sgt, %jit3A_160, %sign3A_169 : i32
    %sign3A_171 = arith.extui %sign3A_170 : i1 to i32
    %sign3A_172 = arith.constant 0 : i32
    %sign3A_173 = arith.cmpi slt, %jit3A_160, %sign3A_172 : i32
    %sign3A_174 = arith.extui %sign3A_173 : i1 to i32
    %sign3A_175 = arith.subi %sign3A_171, %sign3A_174 : i32
    %ne3A_176 = arith.cmpi ne, %sign3A_168, %sign3A_175 : i32
    %rem3A_177 = arith.remsi %get3A_159, %jit3A_160 : i32
    %ne3A_178 = arith.constant 0 : i32
    %ne3A_179 = arith.cmpi ne, %rem3A_177, %ne3A_178 : i32
    %and3A_180 = arith.andi %ne3A_176, %ne3A_179 : i1
    %sub3A_181 = arith.constant 1 : i32
    %sub3A_182 = arith.subi %div3A_161, %sub3A_181 : i32
    %select_n3A_183 = arith.select %and3A_180, %sub3A_182, %div3A_161 : i32
    %mul3A_184 = arith.constant 8 : i32
    %mul3A_185 = arith.muli %select_n3A_183, %mul3A_184 : i32
    %multiple_of3A_186 = tpu.assume_multiple %mul3A_185, 8 : i32
    %dma_start3A_187 = arith.constant 4 : i32
    %dma_start3A_188 = arith.constant 0 : i32
    %dma_start3A_189 = arith.constant 0 : i32
    %dma_start3A_190 = tpu.memref_slice %arg11[%dma_start3A_187, %dma_start3A_188, %dma_start3A_189] : memref<64x8x128xf32, #tpu.memory_space<vmem>> -> memref<1x8x128xf32, #tpu.memory_space<vmem>>
    %dma_start3A_191 = tpu.memref_squeeze %dma_start3A_190 : memref<1x8x128xf32, #tpu.memory_space<vmem>> -> memref<8x128xf32, #tpu.memory_space<vmem>>
    %dma_start3A_192 = tpu.memref_slice %arg2[%multiple_of3A_186, %multiple_of3A] : memref<10000x10000xf32, #tpu.memory_space<hbm>> -> memref<8x128xf32, #tpu.memory_space<hbm>>
    tpu.enqueue_dma source(%dma_start3A_192 : memref<8x128xf32, #tpu.memory_space<hbm>>) target(%dma_start3A_191 : memref<8x128xf32, #tpu.memory_space<vmem>>) target_semaphore(%arg12 : memref<!tpu.dma_semaphore, #tpu.memory_space<semaphore_mem>>)
    %get3A_193 = arith.constant 5 : index
    %get3A_194 = memref.load %arg0[%get3A_193] : memref<64xi32, #tpu.memory_space<smem>>
    %jit3A_195 = arith.constant 8 : i32
    %div3A_196 = arith.divsi %get3A_194, %jit3A_195 : i32
    %sign3A_197 = arith.constant 0 : i32
    %sign3A_198 = arith.cmpi sgt, %get3A_194, %sign3A_197 : i32
    %sign3A_199 = arith.extui %sign3A_198 : i1 to i32
    %sign3A_200 = arith.constant 0 : i32
    %sign3A_201 = arith.cmpi slt, %get3A_194, %sign3A_200 : i32
    %sign3A_202 = arith.extui %sign3A_201 : i1 to i32
    %sign3A_203 = arith.subi %sign3A_199, %sign3A_202 : i32
    %sign3A_204 = arith.constant 0 : i32
    %sign3A_205 = arith.cmpi sgt, %jit3A_195, %sign3A_204 : i32
    %sign3A_206 = arith.extui %sign3A_205 : i1 to i32
    %sign3A_207 = arith.constant 0 : i32
    %sign3A_208 = arith.cmpi slt, %jit3A_195, %sign3A_207 : i32
    %sign3A_209 = arith.extui %sign3A_208 : i1 to i32
    %sign3A_210 = arith.subi %sign3A_206, %sign3A_209 : i32
    %ne3A_211 = arith.cmpi ne, %sign3A_203, %sign3A_210 : i32
    %rem3A_212 = arith.remsi %get3A_194, %jit3A_195 : i32
    %ne3A_213 = arith.constant 0 : i32
    %ne3A_214 = arith.cmpi ne, %rem3A_212, %ne3A_213 : i32
    %and3A_215 = arith.andi %ne3A_211, %ne3A_214 : i1
    %sub3A_216 = arith.constant 1 : i32
    %sub3A_217 = arith.subi %div3A_196, %sub3A_216 : i32
    %select_n3A_218 = arith.select %and3A_215, %sub3A_217, %div3A_196 : i32
    %mul3A_219 = arith.constant 8 : i32
    %mul3A_220 = arith.muli %select_n3A_218, %mul3A_219 : i32
    %multiple_of3A_221 = tpu.assume_multiple %mul3A_220, 8 : i32
    %dma_start3A_222 = arith.constant 5 : i32
    %dma_start3A_223 = arith.constant 0 : i32
    %dma_start3A_224 = arith.constant 0 : i32
    %dma_start3A_225 = tpu.memref_slice %arg11[%dma_start3A_222, %dma_start3A_223, %dma_start3A_224] : memref<64x8x128xf32, #tpu.memory_space<vmem>> -> memref<1x8x128xf32, #tpu.memory_space<vmem>>
    %dma_start3A_226 = tpu.memref_squeeze %dma_start3A_225 : memref<1x8x128xf32, #tpu.memory_space<vmem>> -> memref<8x128xf32, #tpu.memory_space<vmem>>
    %dma_start3A_227 = tpu.memref_slice %arg2[%multiple_of3A_221, %multiple_of3A] : memref<10000x10000xf32, #tpu.memory_space<hbm>> -> memref<8x128xf32, #tpu.memory_space<hbm>>
    tpu.enqueue_dma source(%dma_start3A_227 : memref<8x128xf32, #tpu.memory_space<hbm>>) target(%dma_start3A_226 : memref<8x128xf32, #tpu.memory_space<vmem>>) target_semaphore(%arg12 : memref<!tpu.dma_semaphore, #tpu.memory_space<semaphore_mem>>)
    %get3A_228 = arith.constant 6 : index
    %get3A_229 = memref.load %arg0[%get3A_228] : memref<64xi32, #tpu.memory_space<smem>>
    %jit3A_230 = arith.constant 8 : i32
    %div3A_231 = arith.divsi %get3A_229, %jit3A_230 : i32
    %sign3A_232 = arith.constant 0 : i32
    %sign3A_233 = arith.cmpi sgt, %get3A_229, %sign3A_232 : i32
    %sign3A_234 = arith.extui %sign3A_233 : i1 to i32
    %sign3A_235 = arith.constant 0 : i32
    %sign3A_236 = arith.cmpi slt, %get3A_229, %sign3A_235 : i32
    %sign3A_237 = arith.extui %sign3A_236 : i1 to i32
    %sign3A_238 = arith.subi %sign3A_234, %sign3A_237 : i32
    %sign3A_239 = arith.constant 0 : i32
    %sign3A_240 = arith.cmpi sgt, %jit3A_230, %sign3A_239 : i32
    %sign3A_241 = arith.extui %sign3A_240 : i1 to i32
    %sign3A_242 = arith.constant 0 : i32
    %sign3A_243 = arith.cmpi slt, %jit3A_230, %sign3A_242 : i32
    %sign3A_244 = arith.extui %sign3A_243 : i1 to i32
    %sign3A_245 = arith.subi %sign3A_241, %sign3A_244 : i32
    %ne3A_246 = arith.cmpi ne, %sign3A_238, %sign3A_245 : i32
    %rem3A_247 = arith.remsi %get3A_229, %jit3A_230 : i32
    %ne3A_248 = arith.constant 0 : i32
    %ne3A_249 = arith.cmpi ne, %rem3A_247, %ne3A_248 : i32
    %and3A_250 = arith.andi %ne3A_246, %ne3A_249 : i1
    %sub3A_251 = arith.constant 1 : i32
    %sub3A_252 = arith.subi %div3A_231, %sub3A_251 : i32
    %select_n3A_253 = arith.select %and3A_250, %sub3A_252, %div3A_231 : i32
    %mul3A_254 = arith.constant 8 : i32
    %mul3A_255 = arith.muli %select_n3A_253, %mul3A_254 : i32
    %multiple_of3A_256 = tpu.assume_multiple %mul3A_255, 8 : i32
    %dma_start3A_257 = arith.constant 6 : i32
    %dma_start3A_258 = arith.constant 0 : i32
    %dma_start3A_259 = arith.constant 0 : i32
    %dma_start3A_260 = tpu.memref_slice %arg11[%dma_start3A_257, %dma_start3A_258, %dma_start3A_259] : memref<64x8x128xf32, #tpu.memory_space<vmem>> -> memref<1x8x128xf32, #tpu.memory_space<vmem>>
    %dma_start3A_261 = tpu.memref_squeeze %dma_start3A_260 : memref<1x8x128xf32, #tpu.memory_space<vmem>> -> memref<8x128xf32, #tpu.memory_space<vmem>>
    %dma_start3A_262 = tpu.memref_slice %arg2[%multiple_of3A_256, %multiple_of3A] : memref<10000x10000xf32, #tpu.memory_space<hbm>> -> memref<8x128xf32, #tpu.memory_space<hbm>>
    tpu.enqueue_dma source(%dma_start3A_262 : memref<8x128xf32, #tpu.memory_space<hbm>>) target(%dma_start3A_261 : memref<8x128xf32, #tpu.memory_space<vmem>>) target_semaphore(%arg12 : memref<!tpu.dma_semaphore, #tpu.memory_space<semaphore_mem>>)
    %get3A_263 = arith.constant 7 : index
    %get3A_264 = memref.load %arg0[%get3A_263] : memref<64xi32, #tpu.memory_space<smem>>
    %jit3A_265 = arith.constant 8 : i32
    %div3A_266 = arith.divsi %get3A_264, %jit3A_265 : i32
    %sign3A_267 = arith.constant 0 : i32
    %sign3A_268 = arith.cmpi sgt, %get3A_264, %sign3A_267 : i32
    %sign3A_269 = arith.extui %sign3A_268 : i1 to i32
    %sign3A_270 = arith.constant 0 : i32
    %sign3A_271 = arith.cmpi slt, %get3A_264, %sign3A_270 : i32
    %sign3A_272 = arith.extui %sign3A_271 : i1 to i32
    %sign3A_273 = arith.subi %sign3A_269, %sign3A_272 : i32
    %sign3A_274 = arith.constant 0 : i32
    %sign3A_275 = arith.cmpi sgt, %jit3A_265, %sign3A_274 : i32
    %sign3A_276 = arith.extui %sign3A_275 : i1 to i32
    %sign3A_277 = arith.constant 0 : i32
    %sign3A_278 = arith.cmpi slt, %jit3A_265, %sign3A_277 : i32
    %sign3A_279 = arith.extui %sign3A_278 : i1 to i32
    %sign3A_280 = arith.subi %sign3A_276, %sign3A_279 : i32
    %ne3A_281 = arith.cmpi ne, %sign3A_273, %sign3A_280 : i32
    %rem3A_282 = arith.remsi %get3A_264, %jit3A_265 : i32
    %ne3A_283 = arith.constant 0 : i32
    %ne3A_284 = arith.cmpi ne, %rem3A_282, %ne3A_283 : i32
    %and3A_285 = arith.andi %ne3A_281, %ne3A_284 : i1
    %sub3A_286 = arith.constant 1 : i32
    %sub3A_287 = arith.subi %div3A_266, %sub3A_286 : i32
    %select_n3A_288 = arith.select %and3A_285, %sub3A_287, %div3A_266 : i32
    %mul3A_289 = arith.constant 8 : i32
    %mul3A_290 = arith.muli %select_n3A_288, %mul3A_289 : i32
    %multiple_of3A_291 = tpu.assume_multiple %mul3A_290, 8 : i32
    %dma_start3A_292 = arith.constant 7 : i32
    %dma_start3A_293 = arith.constant 0 : i32
    %dma_start3A_294 = arith.constant 0 : i32
    %dma_start3A_295 = tpu.memref_slice %arg11[%dma_start3A_292, %dma_start3A_293, %dma_start3A_294] : memref<64x8x128xf32, #tpu.memory_space<vmem>> -> memref<1x8x128xf32, #tpu.memory_space<vmem>>
    %dma_start3A_296 = tpu.memref_squeeze %dma_start3A_295 : memref<1x8x128xf32, #tpu.memory_space<vmem>> -> memref<8x128xf32, #tpu.memory_space<vmem>>
    %dma_start3A_297 = tpu.memref_slice %arg2[%multiple_of3A_291, %multiple_of3A] : memref<10000x10000xf32, #tpu.memory_space<hbm>> -> memref<8x128xf32, #tpu.memory_space<hbm>>
    tpu.enqueue_dma source(%dma_start3A_297 : memref<8x128xf32, #tpu.memory_space<hbm>>) target(%dma_start3A_296 : memref<8x128xf32, #tpu.memory_space<vmem>>) target_semaphore(%arg12 : memref<!tpu.dma_semaphore, #tpu.memory_space<semaphore_mem>>)
    %get3A_298 = arith.constant 8 : index
    %get3A_299 = memref.load %arg0[%get3A_298] : memref<64xi32, #tpu.memory_space<smem>>
    %jit3A_300 = arith.constant 8 : i32
    %div3A_301 = arith.divsi %get3A_299, %jit3A_300 : i32
    %sign3A_302 = arith.constant 0 : i32
    %sign3A_303 = arith.cmpi sgt, %get3A_299, %sign3A_302 : i32
    %sign3A_304 = arith.extui %sign3A_303 : i1 to i32
    %sign3A_305 = arith.constant 0 : i32
    %sign3A_306 = arith.cmpi slt, %get3A_299, %sign3A_305 : i32
    %sign3A_307 = arith.extui %sign3A_306 : i1 to i32
    %sign3A_308 = arith.subi %sign3A_304, %sign3A_307 : i32
    %sign3A_309 = arith.constant 0 : i32
    %sign3A_310 = arith.cmpi sgt, %jit3A_300, %sign3A_309 : i32
    %sign3A_311 = arith.extui %sign3A_310 : i1 to i32
    %sign3A_312 = arith.constant 0 : i32
    %sign3A_313 = arith.cmpi slt, %jit3A_300, %sign3A_312 : i32
    %sign3A_314 = arith.extui %sign3A_313 : i1 to i32
    %sign3A_315 = arith.subi %sign3A_311, %sign3A_314 : i32
    %ne3A_316 = arith.cmpi ne, %sign3A_308, %sign3A_315 : i32
    %rem3A_317 = arith.remsi %get3A_299, %jit3A_300 : i32
    %ne3A_318 = arith.constant 0 : i32
    %ne3A_319 = arith.cmpi ne, %rem3A_317, %ne3A_318 : i32
    %and3A_320 = arith.andi %ne3A_316, %ne3A_319 : i1
    %sub3A_321 = arith.constant 1 : i32
    %sub3A_322 = arith.subi %div3A_301, %sub3A_321 : i32
    %select_n3A_323 = arith.select %and3A_320, %sub3A_322, %div3A_301 : i32
    %mul3A_324 = arith.constant 8 : i32
    %mul3A_325 = arith.muli %select_n3A_323, %mul3A_324 : i32
    %multiple_of3A_326 = tpu.assume_multiple %mul3A_325, 8 : i32
    %dma_start3A_327 = arith.constant 8 : i32
    %dma_start3A_328 = arith.constant 0 : i32
    %dma_start3A_329 = arith.constant 0 : i32
    %dma_start3A_330 = tpu.memref_slice %arg11[%dma_start3A_327, %dma_start3A_328, %dma_start3A_329] : memref<64x8x128xf32, #tpu.memory_space<vmem>> -> memref<1x8x128xf32, #tpu.memory_space<vmem>>
    %dma_start3A_331 = tpu.memref_squeeze %dma_start3A_330 : memref<1x8x128xf32, #tpu.memory_space<vmem>> -> memref<8x128xf32, #tpu.memory_space<vmem>>
    %dma_start3A_332 = tpu.memref_slice %arg2[%multiple_of3A_326, %multiple_of3A] : memref<10000x10000xf32, #tpu.memory_space<hbm>> -> memref<8x128xf32, #tpu.memory_space<hbm>>
    tpu.enqueue_dma source(%dma_start3A_332 : memref<8x128xf32, #tpu.memory_space<hbm>>) target(%dma_start3A_331 : memref<8x128xf32, #tpu.memory_space<vmem>>) target_semaphore(%arg12 : memref<!tpu.dma_semaphore, #tpu.memory_space<semaphore_mem>>)
    %get3A_333 = arith.constant 9 : index
    %get3A_334 = memref.load %arg0[%get3A_333] : memref<64xi32, #tpu.memory_space<smem>>
    %jit3A_335 = arith.constant 8 : i32
    %div3A_336 = arith.divsi %get3A_334, %jit3A_335 : i32
    %sign3A_337 = arith.constant 0 : i32
    %sign3A_338 = arith.cmpi sgt, %get3A_334, %sign3A_337 : i32
    %sign3A_339 = arith.extui %sign3A_338 : i1 to i32
    %sign3A_340 = arith.constant 0 : i32
    %sign3A_341 = arith.cmpi slt, %get3A_334, %sign3A_340 : i32
    %sign3A_342 = arith.extui %sign3A_341 : i1 to i32
    %sign3A_343 = arith.subi %sign3A_339, %sign3A_342 : i32
    %sign3A_344 = arith.constant 0 : i32
    %sign3A_345 = arith.cmpi sgt, %jit3A_335, %sign3A_344 : i32
    %sign3A_346 = arith.extui %sign3A_345 : i1 to i32
    %sign3A_347 = arith.constant 0 : i32
    %sign3A_348 = arith.cmpi slt, %jit3A_335, %sign3A_347 : i32
    %sign3A_349 = arith.extui %sign3A_348 : i1 to i32
    %sign3A_350 = arith.subi %sign3A_346, %sign3A_349 : i32
    %ne3A_351 = arith.cmpi ne, %sign3A_343, %sign3A_350 : i32
    %rem3A_352 = arith.remsi %get3A_334, %jit3A_335 : i32
    %ne3A_353 = arith.constant 0 : i32
    %ne3A_354 = arith.cmpi ne, %rem3A_352, %ne3A_353 : i32
    %and3A_355 = arith.andi %ne3A_351, %ne3A_354 : i1
    %sub3A_356 = arith.constant 1 : i32
    %sub3A_357 = arith.subi %div3A_336, %sub3A_356 : i32
    %select_n3A_358 = arith.select %and3A_355, %sub3A_357, %div3A_336 : i32
    %mul3A_359 = arith.constant 8 : i32
    %mul3A_360 = arith.muli %select_n3A_358, %mul3A_359 : i32
    %multiple_of3A_361 = tpu.assume_multiple %mul3A_360, 8 : i32
    %dma_start3A_362 = arith.constant 9 : i32
    %dma_start3A_363 = arith.constant 0 : i32
    %dma_start3A_364 = arith.constant 0 : i32
    %dma_start3A_365 = tpu.memref_slice %arg11[%dma_start3A_362, %dma_start3A_363, %dma_start3A_364] : memref<64x8x128xf32, #tpu.memory_space<vmem>> -> memref<1x8x128xf32, #tpu.memory_space<vmem>>
    %dma_start3A_366 = tpu.memref_squeeze %dma_start3A_365 : memref<1x8x128xf32, #tpu.memory_space<vmem>> -> memref<8x128xf32, #tpu.memory_space<vmem>>
    %dma_start3A_367 = tpu.memref_slice %arg2[%multiple_of3A_361, %multiple_of3A] : memref<10000x10000xf32, #tpu.memory_space<hbm>> -> memref<8x128xf32, #tpu.memory_space<hbm>>
    tpu.enqueue_dma source(%dma_start3A_367 : memref<8x128xf32, #tpu.memory_space<hbm>>) target(%dma_start3A_366 : memref<8x128xf32, #tpu.memory_space<vmem>>) target_semaphore(%arg12 : memref<!tpu.dma_semaphore, #tpu.memory_space<semaphore_mem>>)
    %get3A_368 = arith.constant 10 : index
    %get3A_369 = memref.load %arg0[%get3A_368] : memref<64xi32, #tpu.memory_space<smem>>
    %jit3A_370 = arith.constant 8 : i32
    %div3A_371 = arith.divsi %get3A_369, %jit3A_370 : i32
    %sign3A_372 = arith.constant 0 : i32
    %sign3A_373 = arith.cmpi sgt, %get3A_369, %sign3A_372 : i32
    %sign3A_374 = arith.extui %sign3A_373 : i1 to i32
    %sign3A_375 = arith.constant 0 : i32
    %sign3A_376 = arith.cmpi slt, %get3A_369, %sign3A_375 : i32
    %sign3A_377 = arith.extui %sign3A_376 : i1 to i32
    %sign3A_378 = arith.subi %sign3A_374, %sign3A_377 : i32
    %sign3A_379 = arith.constant 0 : i32
    %sign3A_380 = arith.cmpi sgt, %jit3A_370, %sign3A_379 : i32
    %sign3A_381 = arith.extui %sign3A_380 : i1 to i32
    %sign3A_382 = arith.constant 0 : i32
    %sign3A_383 = arith.cmpi slt, %jit3A_370, %sign3A_382 : i32
    %sign3A_384 = arith.extui %sign3A_383 : i1 to i32
    %sign3A_385 = arith.subi %sign3A_381, %sign3A_384 : i32
    %ne3A_386 = arith.cmpi ne, %sign3A_378, %sign3A_385 : i32
    %rem3A_387 = arith.remsi %get3A_369, %jit3A_370 : i32
    %ne3A_388 = arith.constant 0 : i32
    %ne3A_389 = arith.cmpi ne, %rem3A_387, %ne3A_388 : i32
    %and3A_390 = arith.andi %ne3A_386, %ne3A_389 : i1
    %sub3A_391 = arith.constant 1 : i32
    %sub3A_392 = arith.subi %div3A_371, %sub3A_391 : i32
    %select_n3A_393 = arith.select %and3A_390, %sub3A_392, %div3A_371 : i32
    %mul3A_394 = arith.constant 8 : i32
    %mul3A_395 = arith.muli %select_n3A_393, %mul3A_394 : i32
    %multiple_of3A_396 = tpu.assume_multiple %mul3A_395, 8 : i32
    %dma_start3A_397 = arith.constant 10 : i32
    %dma_start3A_398 = arith.constant 0 : i32
    %dma_start3A_399 = arith.constant 0 : i32
    %dma_start3A_400 = tpu.memref_slice %arg11[%dma_start3A_397, %dma_start3A_398, %dma_start3A_399] : memref<64x8x128xf32, #tpu.memory_space<vmem>> -> memref<1x8x128xf32, #tpu.memory_space<vmem>>
    %dma_start3A_401 = tpu.memref_squeeze %dma_start3A_400 : memref<1x8x128xf32, #tpu.memory_space<vmem>> -> memref<8x128xf32, #tpu.memory_space<vmem>>
    %dma_start3A_402 = tpu.memref_slice %arg2[%multiple_of3A_396, %multiple_of3A] : memref<10000x10000xf32, #tpu.memory_space<hbm>> -> memref<8x128xf32, #tpu.memory_space<hbm>>
    tpu.enqueue_dma source(%dma_start3A_402 : memref<8x128xf32, #tpu.memory_space<hbm>>) target(%dma_start3A_401 : memref<8x128xf32, #tpu.memory_space<vmem>>) target_semaphore(%arg12 : memref<!tpu.dma_semaphore, #tpu.memory_space<semaphore_mem>>)
    %get3A_403 = arith.constant 11 : index
    %get3A_404 = memref.load %arg0[%get3A_403] : memref<64xi32, #tpu.memory_space<smem>>
    %jit3A_405 = arith.constant 8 : i32
    %div3A_406 = arith.divsi %get3A_404, %jit3A_405 : i32
    %sign3A_407 = arith.constant 0 : i32
    %sign3A_408 = arith.cmpi sgt, %get3A_404, %sign3A_407 : i32
    %sign3A_409 = arith.extui %sign3A_408 : i1 to i32
    %sign3A_410 = arith.constant 0 : i32
    %sign3A_411 = arith.cmpi slt, %get3A_404, %sign3A_410 : i32
    %sign3A_412 = arith.extui %sign3A_411 : i1 to i32
    %sign3A_413 = arith.subi %sign3A_409, %sign3A_412 : i32
    %sign3A_414 = arith.constant 0 : i32
    %sign3A_415 = arith.cmpi sgt, %jit3A_405, %sign3A_414 : i32
    %sign3A_416 = arith.extui %sign3A_415 : i1 to i32
    %sign3A_417 = arith.constant 0 : i32
    %sign3A_418 = arith.cmpi slt, %jit3A_405, %sign3A_417 : i32
    %sign3A_419 = arith.extui %sign3A_418 : i1 to i32
    %sign3A_420 = arith.subi %sign3A_416, %sign3A_419 : i32
    %ne3A_421 = arith.cmpi ne, %sign3A_413, %sign3A_420 : i32
    %rem3A_422 = arith.remsi %get3A_404, %jit3A_405 : i32
    %ne3A_423 = arith.constant 0 : i32
    %ne3A_424 = arith.cmpi ne, %rem3A_422, %ne3A_423 : i32
    %and3A_425 = arith.andi %ne3A_421, %ne3A_424 : i1
    %sub3A_426 = arith.constant 1 : i32
    %sub3A_427 = arith.subi %div3A_406, %sub3A_426 : i32
    %select_n3A_428 = arith.select %and3A_425, %sub3A_427, %div3A_406 : i32
    %mul3A_429 = arith.constant 8 : i32
    %mul3A_430 = arith.muli %select_n3A_428, %mul3A_429 : i32
    %multiple_of3A_431 = tpu.assume_multiple %mul3A_430, 8 : i32
    %dma_start3A_432 = arith.constant 11 : i32
    %dma_start3A_433 = arith.constant 0 : i32
    %dma_start3A_434 = arith.constant 0 : i32
    %dma_start3A_435 = tpu.memref_slice %arg11[%dma_start3A_432, %dma_start3A_433, %dma_start3A_434] : memref<64x8x128xf32, #tpu.memory_space<vmem>> -> memref<1x8x128xf32, #tpu.memory_space<vmem>>
    %dma_start3A_436 = tpu.memref_squeeze %dma_start3A_435 : memref<1x8x128xf32, #tpu.memory_space<vmem>> -> memref<8x128xf32, #tpu.memory_space<vmem>>
    %dma_start3A_437 = tpu.memref_slice %arg2[%multiple_of3A_431, %multiple_of3A] : memref<10000x10000xf32, #tpu.memory_space<hbm>> -> memref<8x128xf32, #tpu.memory_space<hbm>>
    tpu.enqueue_dma source(%dma_start3A_437 : memref<8x128xf32, #tpu.memory_space<hbm>>) target(%dma_start3A_436 : memref<8x128xf32, #tpu.memory_space<vmem>>) target_semaphore(%arg12 : memref<!tpu.dma_semaphore, #tpu.memory_space<semaphore_mem>>)
    %get3A_438 = arith.constant 12 : index
    %get3A_439 = memref.load %arg0[%get3A_438] : memref<64xi32, #tpu.memory_space<smem>>
    %jit3A_440 = arith.constant 8 : i32
    %div3A_441 = arith.divsi %get3A_439, %jit3A_440 : i32
    %sign3A_442 = arith.constant 0 : i32
    %sign3A_443 = arith.cmpi sgt, %get3A_439, %sign3A_442 : i32
    %sign3A_444 = arith.extui %sign3A_443 : i1 to i32
    %sign3A_445 = arith.constant 0 : i32
    %sign3A_446 = arith.cmpi slt, %get3A_439, %sign3A_445 : i32
    %sign3A_447 = arith.extui %sign3A_446 : i1 to i32
    %sign3A_448 = arith.subi %sign3A_444, %sign3A_447 : i32
    %sign3A_449 = arith.constant 0 : i32
    %sign3A_450 = arith.cmpi sgt, %jit3A_440, %sign3A_449 : i32
    %sign3A_451 = arith.extui %sign3A_450 : i1 to i32
    %sign3A_452 = arith.constant 0 : i32
    %sign3A_453 = arith.cmpi slt, %jit3A_440, %sign3A_452 : i32
    %sign3A_454 = arith.extui %sign3A_453 : i1 to i32
    %sign3A_455 = arith.subi %sign3A_451, %sign3A_454 : i32
    %ne3A_456 = arith.cmpi ne, %sign3A_448, %sign3A_455 : i32
    %rem3A_457 = arith.remsi %get3A_439, %jit3A_440 : i32
    %ne3A_458 = arith.constant 0 : i32
    %ne3A_459 = arith.cmpi ne, %rem3A_457, %ne3A_458 : i32
    %and3A_460 = arith.andi %ne3A_456, %ne3A_459 : i1
    %sub3A_461 = arith.constant 1 : i32
    %sub3A_462 = arith.subi %div3A_441, %sub3A_461 : i32
    %select_n3A_463 = arith.select %and3A_460, %sub3A_462, %div3A_441 : i32
    %mul3A_464 = arith.constant 8 : i32
    %mul3A_465 = arith.muli %select_n3A_463, %mul3A_464 : i32
    %multiple_of3A_466 = tpu.assume_multiple %mul3A_465, 8 : i32
    %dma_start3A_467 = arith.constant 12 : i32
    %dma_start3A_468 = arith.constant 0 : i32
    %dma_start3A_469 = arith.constant 0 : i32
    %dma_start3A_470 = tpu.memref_slice %arg11[%dma_start3A_467, %dma_start3A_468, %dma_start3A_469] : memref<64x8x128xf32, #tpu.memory_space<vmem>> -> memref<1x8x128xf32, #tpu.memory_space<vmem>>
    %dma_start3A_471 = tpu.memref_squeeze %dma_start3A_470 : memref<1x8x128xf32, #tpu.memory_space<vmem>> -> memref<8x128xf32, #tpu.memory_space<vmem>>
    %dma_start3A_472 = tpu.memref_slice %arg2[%multiple_of3A_466, %multiple_of3A] : memref<10000x10000xf32, #tpu.memory_space<hbm>> -> memref<8x128xf32, #tpu.memory_space<hbm>>
    tpu.enqueue_dma source(%dma_start3A_472 : memref<8x128xf32, #tpu.memory_space<hbm>>) target(%dma_start3A_471 : memref<8x128xf32, #tpu.memory_space<vmem>>) target_semaphore(%arg12 : memref<!tpu.dma_semaphore, #tpu.memory_space<semaphore_mem>>)
    %get3A_473 = arith.constant 13 : index
    %get3A_474 = memref.load %arg0[%get3A_473] : memref<64xi32, #tpu.memory_space<smem>>
    %jit3A_475 = arith.constant 8 : i32
    %div3A_476 = arith.divsi %get3A_474, %jit3A_475 : i32
    %sign3A_477 = arith.constant 0 : i32
    %sign3A_478 = arith.cmpi sgt, %get3A_474, %sign3A_477 : i32
    %sign3A_479 = arith.extui %sign3A_478 : i1 to i32
    %sign3A_480 = arith.constant 0 : i32
    %sign3A_481 = arith.cmpi slt, %get3A_474, %sign3A_480 : i32
    %sign3A_482 = arith.extui %sign3A_481 : i1 to i32
    %sign3A_483 = arith.subi %sign3A_479, %sign3A_482 : i32
    %sign3A_484 = arith.constant 0 : i32
    %sign3A_485 = arith.cmpi sgt, %jit3A_475, %sign3A_484 : i32
    %sign3A_486 = arith.extui %sign3A_485 : i1 to i32
    %sign3A_487 = arith.constant 0 : i32
    %sign3A_488 = arith.cmpi slt, %jit3A_475, %sign3A_487 : i32
    %sign3A_489 = arith.extui %sign3A_488 : i1 to i32
    %sign3A_490 = arith.subi %sign3A_486, %sign3A_489 : i32
    %ne3A_491 = arith.cmpi ne, %sign3A_483, %sign3A_490 : i32
    %rem3A_492 = arith.remsi %get3A_474, %jit3A_475 : i32
    %ne3A_493 = arith.constant 0 : i32
    %ne3A_494 = arith.cmpi ne, %rem3A_492, %ne3A_493 : i32
    %and3A_495 = arith.andi %ne3A_491, %ne3A_494 : i1
    %sub3A_496 = arith.constant 1 : i32
    %sub3A_497 = arith.subi %div3A_476, %sub3A_496 : i32
    %select_n3A_498 = arith.select %and3A_495, %sub3A_497, %div3A_476 : i32
    %mul3A_499 = arith.constant 8 : i32
    %mul3A_500 = arith.muli %select_n3A_498, %mul3A_499 : i32
    %multiple_of3A_501 = tpu.assume_multiple %mul3A_500, 8 : i32
    %dma_start3A_502 = arith.constant 13 : i32
    %dma_start3A_503 = arith.constant 0 : i32
    %dma_start3A_504 = arith.constant 0 : i32
    %dma_start3A_505 = tpu.memref_slice %arg11[%dma_start3A_502, %dma_start3A_503, %dma_start3A_504] : memref<64x8x128xf32, #tpu.memory_space<vmem>> -> memref<1x8x128xf32, #tpu.memory_space<vmem>>
    %dma_start3A_506 = tpu.memref_squeeze %dma_start3A_505 : memref<1x8x128xf32, #tpu.memory_space<vmem>> -> memref<8x128xf32, #tpu.memory_space<vmem>>
    %dma_start3A_507 = tpu.memref_slice %arg2[%multiple_of3A_501, %multiple_of3A] : memref<10000x10000xf32, #tpu.memory_space<hbm>> -> memref<8x128xf32, #tpu.memory_space<hbm>>
    tpu.enqueue_dma source(%dma_start3A_507 : memref<8x128xf32, #tpu.memory_space<hbm>>) target(%dma_start3A_506 : memref<8x128xf32, #tpu.memory_space<vmem>>) target_semaphore(%arg12 : memref<!tpu.dma_semaphore, #tpu.memory_space<semaphore_mem>>)
    %get3A_508 = arith.constant 14 : index
    %get3A_509 = memref.load %arg0[%get3A_508] : memref<64xi32, #tpu.memory_space<smem>>
    %jit3A_510 = arith.constant 8 : i32
    %div3A_511 = arith.divsi %get3A_509, %jit3A_510 : i32
    %sign3A_512 = arith.constant 0 : i32
    %sign3A_513 = arith.cmpi sgt, %get3A_509, %sign3A_512 : i32
    %sign3A_514 = arith.extui %sign3A_513 : i1 to i32
    %sign3A_515 = arith.constant 0 : i32
    %sign3A_516 = arith.cmpi slt, %get3A_509, %sign3A_515 : i32
    %sign3A_517 = arith.extui %sign3A_516 : i1 to i32
    %sign3A_518 = arith.subi %sign3A_514, %sign3A_517 : i32
    %sign3A_519 = arith.constant 0 : i32
    %sign3A_520 = arith.cmpi sgt, %jit3A_510, %sign3A_519 : i32
    %sign3A_521 = arith.extui %sign3A_520 : i1 to i32
    %sign3A_522 = arith.constant 0 : i32
    %sign3A_523 = arith.cmpi slt, %jit3A_510, %sign3A_522 : i32
    %sign3A_524 = arith.extui %sign3A_523 : i1 to i32
    %sign3A_525 = arith.subi %sign3A_521, %sign3A_524 : i32
    %ne3A_526 = arith.cmpi ne, %sign3A_518, %sign3A_525 : i32
    %rem3A_527 = arith.remsi %get3A_509, %jit3A_510 : i32
    %ne3A_528 = arith.constant 0 : i32
    %ne3A_529 = arith.cmpi ne, %rem3A_527, %ne3A_528 : i32
    %and3A_530 = arith.andi %ne3A_526, %ne3A_529 : i1
    %sub3A_531 = arith.constant 1 : i32
    %sub3A_532 = arith.subi %div3A_511, %sub3A_531 : i32
    %select_n3A_533 = arith.select %and3A_530, %sub3A_532, %div3A_511 : i32
    %mul3A_534 = arith.constant 8 : i32
    %mul3A_535 = arith.muli %select_n3A_533, %mul3A_534 : i32
    %multiple_of3A_536 = tpu.assume_multiple %mul3A_535, 8 : i32
    %dma_start3A_537 = arith.constant 14 : i32
    %dma_start3A_538 = arith.constant 0 : i32
    %dma_start3A_539 = arith.constant 0 : i32
    %dma_start3A_540 = tpu.memref_slice %arg11[%dma_start3A_537, %dma_start3A_538, %dma_start3A_539] : memref<64x8x128xf32, #tpu.memory_space<vmem>> -> memref<1x8x128xf32, #tpu.memory_space<vmem>>
    %dma_start3A_541 = tpu.memref_squeeze %dma_start3A_540 : memref<1x8x128xf32, #tpu.memory_space<vmem>> -> memref<8x128xf32, #tpu.memory_space<vmem>>
    %dma_start3A_542 = tpu.memref_slice %arg2[%multiple_of3A_536, %multiple_of3A] : memref<10000x10000xf32, #tpu.memory_space<hbm>> -> memref<8x128xf32, #tpu.memory_space<hbm>>
    tpu.enqueue_dma source(%dma_start3A_542 : memref<8x128xf32, #tpu.memory_space<hbm>>) target(%dma_start3A_541 : memref<8x128xf32, #tpu.memory_space<vmem>>) target_semaphore(%arg12 : memref<!tpu.dma_semaphore, #tpu.memory_space<semaphore_mem>>)
    %get3A_543 = arith.constant 15 : index
    %get3A_544 = memref.load %arg0[%get3A_543] : memref<64xi32, #tpu.memory_space<smem>>
    %jit3A_545 = arith.constant 8 : i32
    %div3A_546 = arith.divsi %get3A_544, %jit3A_545 : i32
    %sign3A_547 = arith.constant 0 : i32
    %sign3A_548 = arith.cmpi sgt, %get3A_544, %sign3A_547 : i32
    %sign3A_549 = arith.extui %sign3A_548 : i1 to i32
    %sign3A_550 = arith.constant 0 : i32
    %sign3A_551 = arith.cmpi slt, %get3A_544, %sign3A_550 : i32
    %sign3A_552 = arith.extui %sign3A_551 : i1 to i32
    %sign3A_553 = arith.subi %sign3A_549, %sign3A_552 : i32
    %sign3A_554 = arith.constant 0 : i32
    %sign3A_555 = arith.cmpi sgt, %jit3A_545, %sign3A_554 : i32
    %sign3A_556 = arith.extui %sign3A_555 : i1 to i32
    %sign3A_557 = arith.constant 0 : i32
    %sign3A_558 = arith.cmpi slt, %jit3A_545, %sign3A_557 : i32
    %sign3A_559 = arith.extui %sign3A_558 : i1 to i32
    %sign3A_560 = arith.subi %sign3A_556, %sign3A_559 : i32
    %ne3A_561 = arith.cmpi ne, %sign3A_553, %sign3A_560 : i32
    %rem3A_562 = arith.remsi %get3A_544, %jit3A_545 : i32
    %ne3A_563 = arith.constant 0 : i32
    %ne3A_564 = arith.cmpi ne, %rem3A_562, %ne3A_563 : i32
    %and3A_565 = arith.andi %ne3A_561, %ne3A_564 : i1
    %sub3A_566 = arith.constant 1 : i32
    %sub3A_567 = arith.subi %div3A_546, %sub3A_566 : i32
    %select_n3A_568 = arith.select %and3A_565, %sub3A_567, %div3A_546 : i32
    %mul3A_569 = arith.constant 8 : i32
    %mul3A_570 = arith.muli %select_n3A_568, %mul3A_569 : i32
    %multiple_of3A_571 = tpu.assume_multiple %mul3A_570, 8 : i32
    %dma_start3A_572 = arith.constant 15 : i32
    %dma_start3A_573 = arith.constant 0 : i32
    %dma_start3A_574 = arith.constant 0 : i32
    %dma_start3A_575 = tpu.memref_slice %arg11[%dma_start3A_572, %dma_start3A_573, %dma_start3A_574] : memref<64x8x128xf32, #tpu.memory_space<vmem>> -> memref<1x8x128xf32, #tpu.memory_space<vmem>>
    %dma_start3A_576 = tpu.memref_squeeze %dma_start3A_575 : memref<1x8x128xf32, #tpu.memory_space<vmem>> -> memref<8x128xf32, #tpu.memory_space<vmem>>
    %dma_start3A_577 = tpu.memref_slice %arg2[%multiple_of3A_571, %multiple_of3A] : memref<10000x10000xf32, #tpu.memory_space<hbm>> -> memref<8x128xf32, #tpu.memory_space<hbm>>
    tpu.enqueue_dma source(%dma_start3A_577 : memref<8x128xf32, #tpu.memory_space<hbm>>) target(%dma_start3A_576 : memref<8x128xf32, #tpu.memory_space<vmem>>) target_semaphore(%arg12 : memref<!tpu.dma_semaphore, #tpu.memory_space<semaphore_mem>>)
    %get3A_578 = arith.constant 16 : index
    %get3A_579 = memref.load %arg0[%get3A_578] : memref<64xi32, #tpu.memory_space<smem>>
    %jit3A_580 = arith.constant 8 : i32
    %div3A_581 = arith.divsi %get3A_579, %jit3A_580 : i32
    %sign3A_582 = arith.constant 0 : i32
    %sign3A_583 = arith.cmpi sgt, %get3A_579, %sign3A_582 : i32
    %sign3A_584 = arith.extui %sign3A_583 : i1 to i32
    %sign3A_585 = arith.constant 0 : i32
    %sign3A_586 = arith.cmpi slt, %get3A_579, %sign3A_585 : i32
    %sign3A_587 = arith.extui %sign3A_586 : i1 to i32
    %sign3A_588 = arith.subi %sign3A_584, %sign3A_587 : i32
    %sign3A_589 = arith.constant 0 : i32
    %sign3A_590 = arith.cmpi sgt, %jit3A_580, %sign3A_589 : i32
    %sign3A_591 = arith.extui %sign3A_590 : i1 to i32
    %sign3A_592 = arith.constant 0 : i32
    %sign3A_593 = arith.cmpi slt, %jit3A_580, %sign3A_592 : i32
    %sign3A_594 = arith.extui %sign3A_593 : i1 to i32
    %sign3A_595 = arith.subi %sign3A_591, %sign3A_594 : i32
    %ne3A_596 = arith.cmpi ne, %sign3A_588, %sign3A_595 : i32
    %rem3A_597 = arith.remsi %get3A_579, %jit3A_580 : i32
    %ne3A_598 = arith.constant 0 : i32
    %ne3A_599 = arith.cmpi ne, %rem3A_597, %ne3A_598 : i32
    %and3A_600 = arith.andi %ne3A_596, %ne3A_599 : i1
    %sub3A_601 = arith.constant 1 : i32
    %sub3A_602 = arith.subi %div3A_581, %sub3A_601 : i32
    %select_n3A_603 = arith.select %and3A_600, %sub3A_602, %div3A_581 : i32
    %mul3A_604 = arith.constant 8 : i32
    %mul3A_605 = arith.muli %select_n3A_603, %mul3A_604 : i32
    %multiple_of3A_606 = tpu.assume_multiple %mul3A_605, 8 : i32
    %dma_start3A_607 = arith.constant 16 : i32
    %dma_start3A_608 = arith.constant 0 : i32
    %dma_start3A_609 = arith.constant 0 : i32
    %dma_start3A_610 = tpu.memref_slice %arg11[%dma_start3A_607, %dma_start3A_608, %dma_start3A_609] : memref<64x8x128xf32, #tpu.memory_space<vmem>> -> memref<1x8x128xf32, #tpu.memory_space<vmem>>
    %dma_start3A_611 = tpu.memref_squeeze %dma_start3A_610 : memref<1x8x128xf32, #tpu.memory_space<vmem>> -> memref<8x128xf32, #tpu.memory_space<vmem>>
    %dma_start3A_612 = tpu.memref_slice %arg2[%multiple_of3A_606, %multiple_of3A] : memref<10000x10000xf32, #tpu.memory_space<hbm>> -> memref<8x128xf32, #tpu.memory_space<hbm>>
    tpu.enqueue_dma source(%dma_start3A_612 : memref<8x128xf32, #tpu.memory_space<hbm>>) target(%dma_start3A_611 : memref<8x128xf32, #tpu.memory_space<vmem>>) target_semaphore(%arg12 : memref<!tpu.dma_semaphore, #tpu.memory_space<semaphore_mem>>)
    %get3A_613 = arith.constant 17 : index
    %get3A_614 = memref.load %arg0[%get3A_613] : memref<64xi32, #tpu.memory_space<smem>>
    %jit3A_615 = arith.constant 8 : i32
    %div3A_616 = arith.divsi %get3A_614, %jit3A_615 : i32
    %sign3A_617 = arith.constant 0 : i32
    %sign3A_618 = arith.cmpi sgt, %get3A_614, %sign3A_617 : i32
    %sign3A_619 = arith.extui %sign3A_618 : i1 to i32
    %sign3A_620 = arith.constant 0 : i32
    %sign3A_621 = arith.cmpi slt, %get3A_614, %sign3A_620 : i32
    %sign3A_622 = arith.extui %sign3A_621 : i1 to i32
    %sign3A_623 = arith.subi %sign3A_619, %sign3A_622 : i32
    %sign3A_624 = arith.constant 0 : i32
    %sign3A_625 = arith.cmpi sgt, %jit3A_615, %sign3A_624 : i32
    %sign3A_626 = arith.extui %sign3A_625 : i1 to i32
    %sign3A_627 = arith.constant 0 : i32
    %sign3A_628 = arith.cmpi slt, %jit3A_615, %sign3A_627 : i32
    %sign3A_629 = arith.extui %sign3A_628 : i1 to i32
    %sign3A_630 = arith.subi %sign3A_626, %sign3A_629 : i32
    %ne3A_631 = arith.cmpi ne, %sign3A_623, %sign3A_630 : i32
    %rem3A_632 = arith.remsi %get3A_614, %jit3A_615 : i32
    %ne3A_633 = arith.constant 0 : i32
    %ne3A_634 = arith.cmpi ne, %rem3A_632, %ne3A_633 : i32
    %and3A_635 = arith.andi %ne3A_631, %ne3A_634 : i1
    %sub3A_636 = arith.constant 1 : i32
    %sub3A_637 = arith.subi %div3A_616, %sub3A_636 : i32
    %select_n3A_638 = arith.select %and3A_635, %sub3A_637, %div3A_616 : i32
    %mul3A_639 = arith.constant 8 : i32
    %mul3A_640 = arith.muli %select_n3A_638, %mul3A_639 : i32
    %multiple_of3A_641 = tpu.assume_multiple %mul3A_640, 8 : i32
    %dma_start3A_642 = arith.constant 17 : i32
    %dma_start3A_643 = arith.constant 0 : i32
    %dma_start3A_644 = arith.constant 0 : i32
    %dma_start3A_645 = tpu.memref_slice %arg11[%dma_start3A_642, %dma_start3A_643, %dma_start3A_644] : memref<64x8x128xf32, #tpu.memory_space<vmem>> -> memref<1x8x128xf32, #tpu.memory_space<vmem>>
    %dma_start3A_646 = tpu.memref_squeeze %dma_start3A_645 : memref<1x8x128xf32, #tpu.memory_space<vmem>> -> memref<8x128xf32, #tpu.memory_space<vmem>>
    %dma_start3A_647 = tpu.memref_slice %arg2[%multiple_of3A_641, %multiple_of3A] : memref<10000x10000xf32, #tpu.memory_space<hbm>> -> memref<8x128xf32, #tpu.memory_space<hbm>>
    tpu.enqueue_dma source(%dma_start3A_647 : memref<8x128xf32, #tpu.memory_space<hbm>>) target(%dma_start3A_646 : memref<8x128xf32, #tpu.memory_space<vmem>>) target_semaphore(%arg12 : memref<!tpu.dma_semaphore, #tpu.memory_space<semaphore_mem>>)
    %get3A_648 = arith.constant 18 : index
    %get3A_649 = memref.load %arg0[%get3A_648] : memref<64xi32, #tpu.memory_space<smem>>
    %jit3A_650 = arith.constant 8 : i32
    %div3A_651 = arith.divsi %get3A_649, %jit3A_650 : i32
    %sign3A_652 = arith.constant 0 : i32
    %sign3A_653 = arith.cmpi sgt, %get3A_649, %sign3A_652 : i32
    %sign3A_654 = arith.extui %sign3A_653 : i1 to i32
    %sign3A_655 = arith.constant 0 : i32
    %sign3A_656 = arith.cmpi slt, %get3A_649, %sign3A_655 : i32
    %sign3A_657 = arith.extui %sign3A_656 : i1 to i32
    %sign3A_658 = arith.subi %sign3A_654, %sign3A_657 : i32
    %sign3A_659 = arith.constant 0 : i32
    %sign3A_660 = arith.cmpi sgt, %jit3A_650, %sign3A_659 : i32
    %sign3A_661 = arith.extui %sign3A_660 : i1 to i32
    %sign3A_662 = arith.constant 0 : i32
    %sign3A_663 = arith.cmpi slt, %jit3A_650, %sign3A_662 : i32
    %sign3A_664 = arith.extui %sign3A_663 : i1 to i32
    %sign3A_665 = arith.subi %sign3A_661, %sign3A_664 : i32
    %ne3A_666 = arith.cmpi ne, %sign3A_658, %sign3A_665 : i32
    %rem3A_667 = arith.remsi %get3A_649, %jit3A_650 : i32
    %ne3A_668 = arith.constant 0 : i32
    %ne3A_669 = arith.cmpi ne, %rem3A_667, %ne3A_668 : i32
    %and3A_670 = arith.andi %ne3A_666, %ne3A_669 : i1
    %sub3A_671 = arith.constant 1 : i32
    %sub3A_672 = arith.subi %div3A_651, %sub3A_671 : i32
    %select_n3A_673 = arith.select %and3A_670, %sub3A_672, %div3A_651 : i32
    %mul3A_674 = arith.constant 8 : i32
    %mul3A_675 = arith.muli %select_n3A_673, %mul3A_674 : i32
    %multiple_of3A_676 = tpu.assume_multiple %mul3A_675, 8 : i32
    %dma_start3A_677 = arith.constant 18 : i32
    %dma_start3A_678 = arith.constant 0 : i32
    %dma_start3A_679 = arith.constant 0 : i32
    %dma_start3A_680 = tpu.memref_slice %arg11[%dma_start3A_677, %dma_start3A_678, %dma_start3A_679] : memref<64x8x128xf32, #tpu.memory_space<vmem>> -> memref<1x8x128xf32, #tpu.memory_space<vmem>>
    %dma_start3A_681 = tpu.memref_squeeze %dma_start3A_680 : memref<1x8x128xf32, #tpu.memory_space<vmem>> -> memref<8x128xf32, #tpu.memory_space<vmem>>
    %dma_start3A_682 = tpu.memref_slice %arg2[%multiple_of3A_676, %multiple_of3A] : memref<10000x10000xf32, #tpu.memory_space<hbm>> -> memref<8x128xf32, #tpu.memory_space<hbm>>
    tpu.enqueue_dma source(%dma_start3A_682 : memref<8x128xf32, #tpu.memory_space<hbm>>) target(%dma_start3A_681 : memref<8x128xf32, #tpu.memory_space<vmem>>) target_semaphore(%arg12 : memref<!tpu.dma_semaphore, #tpu.memory_space<semaphore_mem>>)
    %get3A_683 = arith.constant 19 : index
    %get3A_684 = memref.load %arg0[%get3A_683] : memref<64xi32, #tpu.memory_space<smem>>
    %jit3A_685 = arith.constant 8 : i32
    %div3A_686 = arith.divsi %get3A_684, %jit3A_685 : i32
    %sign3A_687 = arith.constant 0 : i32
    %sign3A_688 = arith.cmpi sgt, %get3A_684, %sign3A_687 : i32
    %sign3A_689 = arith.extui %sign3A_688 : i1 to i32
    %sign3A_690 = arith.constant 0 : i32
    %sign3A_691 = arith.cmpi slt, %get3A_684, %sign3A_690 : i32
    %sign3A_692 = arith.extui %sign3A_691 : i1 to i32
    %sign3A_693 = arith.subi %sign3A_689, %sign3A_692 : i32
    %sign3A_694 = arith.constant 0 : i32
    %sign3A_695 = arith.cmpi sgt, %jit3A_685, %sign3A_694 : i32
    %sign3A_696 = arith.extui %sign3A_695 : i1 to i32
    %sign3A_697 = arith.constant 0 : i32
    %sign3A_698 = arith.cmpi slt, %jit3A_685, %sign3A_697 : i32
    %sign3A_699 = arith.extui %sign3A_698 : i1 to i32
    %sign3A_700 = arith.subi %sign3A_696, %sign3A_699 : i32
    %ne3A_701 = arith.cmpi ne, %sign3A_693, %sign3A_700 : i32
    %rem3A_702 = arith.remsi %get3A_684, %jit3A_685 : i32
    %ne3A_703 = arith.constant 0 : i32
    %ne3A_704 = arith.cmpi ne, %rem3A_702, %ne3A_703 : i32
    %and3A_705 = arith.andi %ne3A_701, %ne3A_704 : i1
    %sub3A_706 = arith.constant 1 : i32
    %sub3A_707 = arith.subi %div3A_686, %sub3A_706 : i32
    %select_n3A_708 = arith.select %and3A_705, %sub3A_707, %div3A_686 : i32
    %mul3A_709 = arith.constant 8 : i32
    %mul3A_710 = arith.muli %select_n3A_708, %mul3A_709 : i32
    %multiple_of3A_711 = tpu.assume_multiple %mul3A_710, 8 : i32
    %dma_start3A_712 = arith.constant 19 : i32
    %dma_start3A_713 = arith.constant 0 : i32
    %dma_start3A_714 = arith.constant 0 : i32
    %dma_start3A_715 = tpu.memref_slice %arg11[%dma_start3A_712, %dma_start3A_713, %dma_start3A_714] : memref<64x8x128xf32, #tpu.memory_space<vmem>> -> memref<1x8x128xf32, #tpu.memory_space<vmem>>
    %dma_start3A_716 = tpu.memref_squeeze %dma_start3A_715 : memref<1x8x128xf32, #tpu.memory_space<vmem>> -> memref<8x128xf32, #tpu.memory_space<vmem>>
    %dma_start3A_717 = tpu.memref_slice %arg2[%multiple_of3A_711, %multiple_of3A] : memref<10000x10000xf32, #tpu.memory_space<hbm>> -> memref<8x128xf32, #tpu.memory_space<hbm>>
    tpu.enqueue_dma source(%dma_start3A_717 : memref<8x128xf32, #tpu.memory_space<hbm>>) target(%dma_start3A_716 : memref<8x128xf32, #tpu.memory_space<vmem>>) target_semaphore(%arg12 : memref<!tpu.dma_semaphore, #tpu.memory_space<semaphore_mem>>)
    %get3A_718 = arith.constant 20 : index
    %get3A_719 = memref.load %arg0[%get3A_718] : memref<64xi32, #tpu.memory_space<smem>>
    %jit3A_720 = arith.constant 8 : i32
    %div3A_721 = arith.divsi %get3A_719, %jit3A_720 : i32
    %sign3A_722 = arith.constant 0 : i32
    %sign3A_723 = arith.cmpi sgt, %get3A_719, %sign3A_722 : i32
    %sign3A_724 = arith.extui %sign3A_723 : i1 to i32
    %sign3A_725 = arith.constant 0 : i32
    %sign3A_726 = arith.cmpi slt, %get3A_719, %sign3A_725 : i32
    %sign3A_727 = arith.extui %sign3A_726 : i1 to i32
    %sign3A_728 = arith.subi %sign3A_724, %sign3A_727 : i32
    %sign3A_729 = arith.constant 0 : i32
    %sign3A_730 = arith.cmpi sgt, %jit3A_720, %sign3A_729 : i32
    %sign3A_731 = arith.extui %sign3A_730 : i1 to i32
    %sign3A_732 = arith.constant 0 : i32
    %sign3A_733 = arith.cmpi slt, %jit3A_720, %sign3A_732 : i32
    %sign3A_734 = arith.extui %sign3A_733 : i1 to i32
    %sign3A_735 = arith.subi %sign3A_731, %sign3A_734 : i32
    %ne3A_736 = arith.cmpi ne, %sign3A_728, %sign3A_735 : i32
    %rem3A_737 = arith.remsi %get3A_719, %jit3A_720 : i32
    %ne3A_738 = arith.constant 0 : i32
    %ne3A_739 = arith.cmpi ne, %rem3A_737, %ne3A_738 : i32
    %and3A_740 = arith.andi %ne3A_736, %ne3A_739 : i1
    %sub3A_741 = arith.constant 1 : i32
    %sub3A_742 = arith.subi %div3A_721, %sub3A_741 : i32
    %select_n3A_743 = arith.select %and3A_740, %sub3A_742, %div3A_721 : i32
    %mul3A_744 = arith.constant 8 : i32
    %mul3A_745 = arith.muli %select_n3A_743, %mul3A_744 : i32
    %multiple_of3A_746 = tpu.assume_multiple %mul3A_745, 8 : i32
    %dma_start3A_747 = arith.constant 20 : i32
    %dma_start3A_748 = arith.constant 0 : i32
    %dma_start3A_749 = arith.constant 0 : i32
    %dma_start3A_750 = tpu.memref_slice %arg11[%dma_start3A_747, %dma_start3A_748, %dma_start3A_749] : memref<64x8x128xf32, #tpu.memory_space<vmem>> -> memref<1x8x128xf32, #tpu.memory_space<vmem>>
    %dma_start3A_751 = tpu.memref_squeeze %dma_start3A_750 : memref<1x8x128xf32, #tpu.memory_space<vmem>> -> memref<8x128xf32, #tpu.memory_space<vmem>>
    %dma_start3A_752 = tpu.memref_slice %arg2[%multiple_of3A_746, %multiple_of3A] : memref<10000x10000xf32, #tpu.memory_space<hbm>> -> memref<8x128xf32, #tpu.memory_space<hbm>>
    tpu.enqueue_dma source(%dma_start3A_752 : memref<8x128xf32, #tpu.memory_space<hbm>>) target(%dma_start3A_751 : memref<8x128xf32, #tpu.memory_space<vmem>>) target_semaphore(%arg12 : memref<!tpu.dma_semaphore, #tpu.memory_space<semaphore_mem>>)
    %get3A_753 = arith.constant 21 : index
    %get3A_754 = memref.load %arg0[%get3A_753] : memref<64xi32, #tpu.memory_space<smem>>
    %jit3A_755 = arith.constant 8 : i32
    %div3A_756 = arith.divsi %get3A_754, %jit3A_755 : i32
    %sign3A_757 = arith.constant 0 : i32
    %sign3A_758 = arith.cmpi sgt, %get3A_754, %sign3A_757 : i32
    %sign3A_759 = arith.extui %sign3A_758 : i1 to i32
    %sign3A_760 = arith.constant 0 : i32
    %sign3A_761 = arith.cmpi slt, %get3A_754, %sign3A_760 : i32
    %sign3A_762 = arith.extui %sign3A_761 : i1 to i32
    %sign3A_763 = arith.subi %sign3A_759, %sign3A_762 : i32
    %sign3A_764 = arith.constant 0 : i32
    %sign3A_765 = arith.cmpi sgt, %jit3A_755, %sign3A_764 : i32
    %sign3A_766 = arith.extui %sign3A_765 : i1 to i32
    %sign3A_767 = arith.constant 0 : i32
    %sign3A_768 = arith.cmpi slt, %jit3A_755, %sign3A_767 : i32
    %sign3A_769 = arith.extui %sign3A_768 : i1 to i32
    %sign3A_770 = arith.subi %sign3A_766, %sign3A_769 : i32
    %ne3A_771 = arith.cmpi ne, %sign3A_763, %sign3A_770 : i32
    %rem3A_772 = arith.remsi %get3A_754, %jit3A_755 : i32
    %ne3A_773 = arith.constant 0 : i32
    %ne3A_774 = arith.cmpi ne, %rem3A_772, %ne3A_773 : i32
    %and3A_775 = arith.andi %ne3A_771, %ne3A_774 : i1
    %sub3A_776 = arith.constant 1 : i32
    %sub3A_777 = arith.subi %div3A_756, %sub3A_776 : i32
    %select_n3A_778 = arith.select %and3A_775, %sub3A_777, %div3A_756 : i32
    %mul3A_779 = arith.constant 8 : i32
    %mul3A_780 = arith.muli %select_n3A_778, %mul3A_779 : i32
    %multiple_of3A_781 = tpu.assume_multiple %mul3A_780, 8 : i32
    %dma_start3A_782 = arith.constant 21 : i32
    %dma_start3A_783 = arith.constant 0 : i32
    %dma_start3A_784 = arith.constant 0 : i32
    %dma_start3A_785 = tpu.memref_slice %arg11[%dma_start3A_782, %dma_start3A_783, %dma_start3A_784] : memref<64x8x128xf32, #tpu.memory_space<vmem>> -> memref<1x8x128xf32, #tpu.memory_space<vmem>>
    %dma_start3A_786 = tpu.memref_squeeze %dma_start3A_785 : memref<1x8x128xf32, #tpu.memory_space<vmem>> -> memref<8x128xf32, #tpu.memory_space<vmem>>
    %dma_start3A_787 = tpu.memref_slice %arg2[%multiple_of3A_781, %multiple_of3A] : memref<10000x10000xf32, #tpu.memory_space<hbm>> -> memref<8x128xf32, #tpu.memory_space<hbm>>
    tpu.enqueue_dma source(%dma_start3A_787 : memref<8x128xf32, #tpu.memory_space<hbm>>) target(%dma_start3A_786 : memref<8x128xf32, #tpu.memory_space<vmem>>) target_semaphore(%arg12 : memref<!tpu.dma_semaphore, #tpu.memory_space<semaphore_mem>>)
    %get3A_788 = arith.constant 22 : index
    %get3A_789 = memref.load %arg0[%get3A_788] : memref<64xi32, #tpu.memory_space<smem>>
    %jit3A_790 = arith.constant 8 : i32
    %div3A_791 = arith.divsi %get3A_789, %jit3A_790 : i32
    %sign3A_792 = arith.constant 0 : i32
    %sign3A_793 = arith.cmpi sgt, %get3A_789, %sign3A_792 : i32
    %sign3A_794 = arith.extui %sign3A_793 : i1 to i32
    %sign3A_795 = arith.constant 0 : i32
    %sign3A_796 = arith.cmpi slt, %get3A_789, %sign3A_795 : i32
    %sign3A_797 = arith.extui %sign3A_796 : i1 to i32
    %sign3A_798 = arith.subi %sign3A_794, %sign3A_797 : i32
    %sign3A_799 = arith.constant 0 : i32
    %sign3A_800 = arith.cmpi sgt, %jit3A_790, %sign3A_799 : i32
    %sign3A_801 = arith.extui %sign3A_800 : i1 to i32
    %sign3A_802 = arith.constant 0 : i32
    %sign3A_803 = arith.cmpi slt, %jit3A_790, %sign3A_802 : i32
    %sign3A_804 = arith.extui %sign3A_803 : i1 to i32
    %sign3A_805 = arith.subi %sign3A_801, %sign3A_804 : i32
    %ne3A_806 = arith.cmpi ne, %sign3A_798, %sign3A_805 : i32
    %rem3A_807 = arith.remsi %get3A_789, %jit3A_790 : i32
    %ne3A_808 = arith.constant 0 : i32
    %ne3A_809 = arith.cmpi ne, %rem3A_807, %ne3A_808 : i32
    %and3A_810 = arith.andi %ne3A_806, %ne3A_809 : i1
    %sub3A_811 = arith.constant 1 : i32
    %sub3A_812 = arith.subi %div3A_791, %sub3A_811 : i32
    %select_n3A_813 = arith.select %and3A_810, %sub3A_812, %div3A_791 : i32
    %mul3A_814 = arith.constant 8 : i32
    %mul3A_815 = arith.muli %select_n3A_813, %mul3A_814 : i32
    %multiple_of3A_816 = tpu.assume_multiple %mul3A_815, 8 : i32
    %dma_start3A_817 = arith.constant 22 : i32
    %dma_start3A_818 = arith.constant 0 : i32
    %dma_start3A_819 = arith.constant 0 : i32
    %dma_start3A_820 = tpu.memref_slice %arg11[%dma_start3A_817, %dma_start3A_818, %dma_start3A_819] : memref<64x8x128xf32, #tpu.memory_space<vmem>> -> memref<1x8x128xf32, #tpu.memory_space<vmem>>
    %dma_start3A_821 = tpu.memref_squeeze %dma_start3A_820 : memref<1x8x128xf32, #tpu.memory_space<vmem>> -> memref<8x128xf32, #tpu.memory_space<vmem>>
    %dma_start3A_822 = tpu.memref_slice %arg2[%multiple_of3A_816, %multiple_of3A] : memref<10000x10000xf32, #tpu.memory_space<hbm>> -> memref<8x128xf32, #tpu.memory_space<hbm>>
    tpu.enqueue_dma source(%dma_start3A_822 : memref<8x128xf32, #tpu.memory_space<hbm>>) target(%dma_start3A_821 : memref<8x128xf32, #tpu.memory_space<vmem>>) target_semaphore(%arg12 : memref<!tpu.dma_semaphore, #tpu.memory_space<semaphore_mem>>)
    %get3A_823 = arith.constant 23 : index
    %get3A_824 = memref.load %arg0[%get3A_823] : memref<64xi32, #tpu.memory_space<smem>>
    %jit3A_825 = arith.constant 8 : i32
    %div3A_826 = arith.divsi %get3A_824, %jit3A_825 : i32
    %sign3A_827 = arith.constant 0 : i32
    %sign3A_828 = arith.cmpi sgt, %get3A_824, %sign3A_827 : i32
    %sign3A_829 = arith.extui %sign3A_828 : i1 to i32
    %sign3A_830 = arith.constant 0 : i32
    %sign3A_831 = arith.cmpi slt, %get3A_824, %sign3A_830 : i32
    %sign3A_832 = arith.extui %sign3A_831 : i1 to i32
    %sign3A_833 = arith.subi %sign3A_829, %sign3A_832 : i32
    %sign3A_834 = arith.constant 0 : i32
    %sign3A_835 = arith.cmpi sgt, %jit3A_825, %sign3A_834 : i32
    %sign3A_836 = arith.extui %sign3A_835 : i1 to i32
    %sign3A_837 = arith.constant 0 : i32
    %sign3A_838 = arith.cmpi slt, %jit3A_825, %sign3A_837 : i32
    %sign3A_839 = arith.extui %sign3A_838 : i1 to i32
    %sign3A_840 = arith.subi %sign3A_836, %sign3A_839 : i32
    %ne3A_841 = arith.cmpi ne, %sign3A_833, %sign3A_840 : i32
    %rem3A_842 = arith.remsi %get3A_824, %jit3A_825 : i32
    %ne3A_843 = arith.constant 0 : i32
    %ne3A_844 = arith.cmpi ne, %rem3A_842, %ne3A_843 : i32
    %and3A_845 = arith.andi %ne3A_841, %ne3A_844 : i1
    %sub3A_846 = arith.constant 1 : i32
    %sub3A_847 = arith.subi %div3A_826, %sub3A_846 : i32
    %select_n3A_848 = arith.select %and3A_845, %sub3A_847, %div3A_826 : i32
    %mul3A_849 = arith.constant 8 : i32
    %mul3A_850 = arith.muli %select_n3A_848, %mul3A_849 : i32
    %multiple_of3A_851 = tpu.assume_multiple %mul3A_850, 8 : i32
    %dma_start3A_852 = arith.constant 23 : i32
    %dma_start3A_853 = arith.constant 0 : i32
    %dma_start3A_854 = arith.constant 0 : i32
    %dma_start3A_855 = tpu.memref_slice %arg11[%dma_start3A_852, %dma_start3A_853, %dma_start3A_854] : memref<64x8x128xf32, #tpu.memory_space<vmem>> -> memref<1x8x128xf32, #tpu.memory_space<vmem>>
    %dma_start3A_856 = tpu.memref_squeeze %dma_start3A_855 : memref<1x8x128xf32, #tpu.memory_space<vmem>> -> memref<8x128xf32, #tpu.memory_space<vmem>>
    %dma_start3A_857 = tpu.memref_slice %arg2[%multiple_of3A_851, %multiple_of3A] : memref<10000x10000xf32, #tpu.memory_space<hbm>> -> memref<8x128xf32, #tpu.memory_space<hbm>>
    tpu.enqueue_dma source(%dma_start3A_857 : memref<8x128xf32, #tpu.memory_space<hbm>>) target(%dma_start3A_856 : memref<8x128xf32, #tpu.memory_space<vmem>>) target_semaphore(%arg12 : memref<!tpu.dma_semaphore, #tpu.memory_space<semaphore_mem>>)
    %get3A_858 = arith.constant 24 : index
    %get3A_859 = memref.load %arg0[%get3A_858] : memref<64xi32, #tpu.memory_space<smem>>
    %jit3A_860 = arith.constant 8 : i32
    %div3A_861 = arith.divsi %get3A_859, %jit3A_860 : i32
    %sign3A_862 = arith.constant 0 : i32
    %sign3A_863 = arith.cmpi sgt, %get3A_859, %sign3A_862 : i32
    %sign3A_864 = arith.extui %sign3A_863 : i1 to i32
    %sign3A_865 = arith.constant 0 : i32
    %sign3A_866 = arith.cmpi slt, %get3A_859, %sign3A_865 : i32
    %sign3A_867 = arith.extui %sign3A_866 : i1 to i32
    %sign3A_868 = arith.subi %sign3A_864, %sign3A_867 : i32
    %sign3A_869 = arith.constant 0 : i32
    %sign3A_870 = arith.cmpi sgt, %jit3A_860, %sign3A_869 : i32
    %sign3A_871 = arith.extui %sign3A_870 : i1 to i32
    %sign3A_872 = arith.constant 0 : i32
    %sign3A_873 = arith.cmpi slt, %jit3A_860, %sign3A_872 : i32
    %sign3A_874 = arith.extui %sign3A_873 : i1 to i32
    %sign3A_875 = arith.subi %sign3A_871, %sign3A_874 : i32
    %ne3A_876 = arith.cmpi ne, %sign3A_868, %sign3A_875 : i32
    %rem3A_877 = arith.remsi %get3A_859, %jit3A_860 : i32
    %ne3A_878 = arith.constant 0 : i32
    %ne3A_879 = arith.cmpi ne, %rem3A_877, %ne3A_878 : i32
    %and3A_880 = arith.andi %ne3A_876, %ne3A_879 : i1
    %sub3A_881 = arith.constant 1 : i32
    %sub3A_882 = arith.subi %div3A_861, %sub3A_881 : i32
    %select_n3A_883 = arith.select %and3A_880, %sub3A_882, %div3A_861 : i32
    %mul3A_884 = arith.constant 8 : i32
    %mul3A_885 = arith.muli %select_n3A_883, %mul3A_884 : i32
    %multiple_of3A_886 = tpu.assume_multiple %mul3A_885, 8 : i32
    %dma_start3A_887 = arith.constant 24 : i32
    %dma_start3A_888 = arith.constant 0 : i32
    %dma_start3A_889 = arith.constant 0 : i32
    %dma_start3A_890 = tpu.memref_slice %arg11[%dma_start3A_887, %dma_start3A_888, %dma_start3A_889] : memref<64x8x128xf32, #tpu.memory_space<vmem>> -> memref<1x8x128xf32, #tpu.memory_space<vmem>>
    %dma_start3A_891 = tpu.memref_squeeze %dma_start3A_890 : memref<1x8x128xf32, #tpu.memory_space<vmem>> -> memref<8x128xf32, #tpu.memory_space<vmem>>
    %dma_start3A_892 = tpu.memref_slice %arg2[%multiple_of3A_886, %multiple_of3A] : memref<10000x10000xf32, #tpu.memory_space<hbm>> -> memref<8x128xf32, #tpu.memory_space<hbm>>
    tpu.enqueue_dma source(%dma_start3A_892 : memref<8x128xf32, #tpu.memory_space<hbm>>) target(%dma_start3A_891 : memref<8x128xf32, #tpu.memory_space<vmem>>) target_semaphore(%arg12 : memref<!tpu.dma_semaphore, #tpu.memory_space<semaphore_mem>>)
    %get3A_893 = arith.constant 25 : index
    %get3A_894 = memref.load %arg0[%get3A_893] : memref<64xi32, #tpu.memory_space<smem>>
    %jit3A_895 = arith.constant 8 : i32
    %div3A_896 = arith.divsi %get3A_894, %jit3A_895 : i32
    %sign3A_897 = arith.constant 0 : i32
    %sign3A_898 = arith.cmpi sgt, %get3A_894, %sign3A_897 : i32
    %sign3A_899 = arith.extui %sign3A_898 : i1 to i32
    %sign3A_900 = arith.constant 0 : i32
    %sign3A_901 = arith.cmpi slt, %get3A_894, %sign3A_900 : i32
    %sign3A_902 = arith.extui %sign3A_901 : i1 to i32
    %sign3A_903 = arith.subi %sign3A_899, %sign3A_902 : i32
    %sign3A_904 = arith.constant 0 : i32
    %sign3A_905 = arith.cmpi sgt, %jit3A_895, %sign3A_904 : i32
    %sign3A_906 = arith.extui %sign3A_905 : i1 to i32
    %sign3A_907 = arith.constant 0 : i32
    %sign3A_908 = arith.cmpi slt, %jit3A_895, %sign3A_907 : i32
    %sign3A_909 = arith.extui %sign3A_908 : i1 to i32
    %sign3A_910 = arith.subi %sign3A_906, %sign3A_909 : i32
    %ne3A_911 = arith.cmpi ne, %sign3A_903, %sign3A_910 : i32
    %rem3A_912 = arith.remsi %get3A_894, %jit3A_895 : i32
    %ne3A_913 = arith.constant 0 : i32
    %ne3A_914 = arith.cmpi ne, %rem3A_912, %ne3A_913 : i32
    %and3A_915 = arith.andi %ne3A_911, %ne3A_914 : i1
    %sub3A_916 = arith.constant 1 : i32
    %sub3A_917 = arith.subi %div3A_896, %sub3A_916 : i32
    %select_n3A_918 = arith.select %and3A_915, %sub3A_917, %div3A_896 : i32
    %mul3A_919 = arith.constant 8 : i32
    %mul3A_920 = arith.muli %select_n3A_918, %mul3A_919 : i32
    %multiple_of3A_921 = tpu.assume_multiple %mul3A_920, 8 : i32
    %dma_start3A_922 = arith.constant 25 : i32
    %dma_start3A_923 = arith.constant 0 : i32
    %dma_start3A_924 = arith.constant 0 : i32
    %dma_start3A_925 = tpu.memref_slice %arg11[%dma_start3A_922, %dma_start3A_923, %dma_start3A_924] : memref<64x8x128xf32, #tpu.memory_space<vmem>> -> memref<1x8x128xf32, #tpu.memory_space<vmem>>
    %dma_start3A_926 = tpu.memref_squeeze %dma_start3A_925 : memref<1x8x128xf32, #tpu.memory_space<vmem>> -> memref<8x128xf32, #tpu.memory_space<vmem>>
    %dma_start3A_927 = tpu.memref_slice %arg2[%multiple_of3A_921, %multiple_of3A] : memref<10000x10000xf32, #tpu.memory_space<hbm>> -> memref<8x128xf32, #tpu.memory_space<hbm>>
    tpu.enqueue_dma source(%dma_start3A_927 : memref<8x128xf32, #tpu.memory_space<hbm>>) target(%dma_start3A_926 : memref<8x128xf32, #tpu.memory_space<vmem>>) target_semaphore(%arg12 : memref<!tpu.dma_semaphore, #tpu.memory_space<semaphore_mem>>)
    %get3A_928 = arith.constant 26 : index
    %get3A_929 = memref.load %arg0[%get3A_928] : memref<64xi32, #tpu.memory_space<smem>>
    %jit3A_930 = arith.constant 8 : i32
    %div3A_931 = arith.divsi %get3A_929, %jit3A_930 : i32
    %sign3A_932 = arith.constant 0 : i32
    %sign3A_933 = arith.cmpi sgt, %get3A_929, %sign3A_932 : i32
    %sign3A_934 = arith.extui %sign3A_933 : i1 to i32
    %sign3A_935 = arith.constant 0 : i32
    %sign3A_936 = arith.cmpi slt, %get3A_929, %sign3A_935 : i32
    %sign3A_937 = arith.extui %sign3A_936 : i1 to i32
    %sign3A_938 = arith.subi %sign3A_934, %sign3A_937 : i32
    %sign3A_939 = arith.constant 0 : i32
    %sign3A_940 = arith.cmpi sgt, %jit3A_930, %sign3A_939 : i32
    %sign3A_941 = arith.extui %sign3A_940 : i1 to i32
    %sign3A_942 = arith.constant 0 : i32
    %sign3A_943 = arith.cmpi slt, %jit3A_930, %sign3A_942 : i32
    %sign3A_944 = arith.extui %sign3A_943 : i1 to i32
    %sign3A_945 = arith.subi %sign3A_941, %sign3A_944 : i32
    %ne3A_946 = arith.cmpi ne, %sign3A_938, %sign3A_945 : i32
    %rem3A_947 = arith.remsi %get3A_929, %jit3A_930 : i32
    %ne3A_948 = arith.constant 0 : i32
    %ne3A_949 = arith.cmpi ne, %rem3A_947, %ne3A_948 : i32
    %and3A_950 = arith.andi %ne3A_946, %ne3A_949 : i1
    %sub3A_951 = arith.constant 1 : i32
    %sub3A_952 = arith.subi %div3A_931, %sub3A_951 : i32
    %select_n3A_953 = arith.select %and3A_950, %sub3A_952, %div3A_931 : i32
    %mul3A_954 = arith.constant 8 : i32
    %mul3A_955 = arith.muli %select_n3A_953, %mul3A_954 : i32
    %multiple_of3A_956 = tpu.assume_multiple %mul3A_955, 8 : i32
    %dma_start3A_957 = arith.constant 26 : i32
    %dma_start3A_958 = arith.constant 0 : i32
    %dma_start3A_959 = arith.constant 0 : i32
    %dma_start3A_960 = tpu.memref_slice %arg11[%dma_start3A_957, %dma_start3A_958, %dma_start3A_959] : memref<64x8x128xf32, #tpu.memory_space<vmem>> -> memref<1x8x128xf32, #tpu.memory_space<vmem>>
    %dma_start3A_961 = tpu.memref_squeeze %dma_start3A_960 : memref<1x8x128xf32, #tpu.memory_space<vmem>> -> memref<8x128xf32, #tpu.memory_space<vmem>>
    %dma_start3A_962 = tpu.memref_slice %arg2[%multiple_of3A_956, %multiple_of3A] : memref<10000x10000xf32, #tpu.memory_space<hbm>> -> memref<8x128xf32, #tpu.memory_space<hbm>>
    tpu.enqueue_dma source(%dma_start3A_962 : memref<8x128xf32, #tpu.memory_space<hbm>>) target(%dma_start3A_961 : memref<8x128xf32, #tpu.memory_space<vmem>>) target_semaphore(%arg12 : memref<!tpu.dma_semaphore, #tpu.memory_space<semaphore_mem>>)
    %get3A_963 = arith.constant 27 : index
    %get3A_964 = memref.load %arg0[%get3A_963] : memref<64xi32, #tpu.memory_space<smem>>
    %jit3A_965 = arith.constant 8 : i32
    %div3A_966 = arith.divsi %get3A_964, %jit3A_965 : i32
    %sign3A_967 = arith.constant 0 : i32
    %sign3A_968 = arith.cmpi sgt, %get3A_964, %sign3A_967 : i32
    %sign3A_969 = arith.extui %sign3A_968 : i1 to i32
    %sign3A_970 = arith.constant 0 : i32
    %sign3A_971 = arith.cmpi slt, %get3A_964, %sign3A_970 : i32
    %sign3A_972 = arith.extui %sign3A_971 : i1 to i32
    %sign3A_973 = arith.subi %sign3A_969, %sign3A_972 : i32
    %sign3A_974 = arith.constant 0 : i32
    %sign3A_975 = arith.cmpi sgt, %jit3A_965, %sign3A_974 : i32
    %sign3A_976 = arith.extui %sign3A_975 : i1 to i32
    %sign3A_977 = arith.constant 0 : i32
    %sign3A_978 = arith.cmpi slt, %jit3A_965, %sign3A_977 : i32
    %sign3A_979 = arith.extui %sign3A_978 : i1 to i32
    %sign3A_980 = arith.subi %sign3A_976, %sign3A_979 : i32
    %ne3A_981 = arith.cmpi ne, %sign3A_973, %sign3A_980 : i32
    %rem3A_982 = arith.remsi %get3A_964, %jit3A_965 : i32
    %ne3A_983 = arith.constant 0 : i32
    %ne3A_984 = arith.cmpi ne, %rem3A_982, %ne3A_983 : i32
    %and3A_985 = arith.andi %ne3A_981, %ne3A_984 : i1
    %sub3A_986 = arith.constant 1 : i32
    %sub3A_987 = arith.subi %div3A_966, %sub3A_986 : i32
    %select_n3A_988 = arith.select %and3A_985, %sub3A_987, %div3A_966 : i32
    %mul3A_989 = arith.constant 8 : i32
    %mul3A_990 = arith.muli %select_n3A_988, %mul3A_989 : i32
    %multiple_of3A_991 = tpu.assume_multiple %mul3A_990, 8 : i32
    %dma_start3A_992 = arith.constant 27 : i32
    %dma_start3A_993 = arith.constant 0 : i32
    %dma_start3A_994 = arith.constant 0 : i32
    %dma_start3A_995 = tpu.memref_slice %arg11[%dma_start3A_992, %dma_start3A_993, %dma_start3A_994] : memref<64x8x128xf32, #tpu.memory_space<vmem>> -> memref<1x8x128xf32, #tpu.memory_space<vmem>>
    %dma_start3A_996 = tpu.memref_squeeze %dma_start3A_995 : memref<1x8x128xf32, #tpu.memory_space<vmem>> -> memref<8x128xf32, #tpu.memory_space<vmem>>
    %dma_start3A_997 = tpu.memref_slice %arg2[%multiple_of3A_991, %multiple_of3A] : memref<10000x10000xf32, #tpu.memory_space<hbm>> -> memref<8x128xf32, #tpu.memory_space<hbm>>
    tpu.enqueue_dma source(%dma_start3A_997 : memref<8x128xf32, #tpu.memory_space<hbm>>) target(%dma_start3A_996 : memref<8x128xf32, #tpu.memory_space<vmem>>) target_semaphore(%arg12 : memref<!tpu.dma_semaphore, #tpu.memory_space<semaphore_mem>>)
    %get3A_998 = arith.constant 28 : index
    %get3A_999 = memref.load %arg0[%get3A_998] : memref<64xi32, #tpu.memory_space<smem>>
    %jit3A_1000 = arith.constant 8 : i32
    %div3A_1001 = arith.divsi %get3A_999, %jit3A_1000 : i32
    %sign3A_1002 = arith.constant 0 : i32
    %sign3A_1003 = arith.cmpi sgt, %get3A_999, %sign3A_1002 : i32
    %sign3A_1004 = arith.extui %sign3A_1003 : i1 to i32
    %sign3A_1005 = arith.constant 0 : i32
    %sign3A_1006 = arith.cmpi slt, %get3A_999, %sign3A_1005 : i32
    %sign3A_1007 = arith.extui %sign3A_1006 : i1 to i32
    %sign3A_1008 = arith.subi %sign3A_1004, %sign3A_1007 : i32
    %sign3A_1009 = arith.constant 0 : i32
    %sign3A_1010 = arith.cmpi sgt, %jit3A_1000, %sign3A_1009 : i32
    %sign3A_1011 = arith.extui %sign3A_1010 : i1 to i32
    %sign3A_1012 = arith.constant 0 : i32
    %sign3A_1013 = arith.cmpi slt, %jit3A_1000, %sign3A_1012 : i32
    %sign3A_1014 = arith.extui %sign3A_1013 : i1 to i32
    %sign3A_1015 = arith.subi %sign3A_1011, %sign3A_1014 : i32
    %ne3A_1016 = arith.cmpi ne, %sign3A_1008, %sign3A_1015 : i32
    %rem3A_1017 = arith.remsi %get3A_999, %jit3A_1000 : i32
    %ne3A_1018 = arith.constant 0 : i32
    %ne3A_1019 = arith.cmpi ne, %rem3A_1017, %ne3A_1018 : i32
    %and3A_1020 = arith.andi %ne3A_1016, %ne3A_1019 : i1
    %sub3A_1021 = arith.constant 1 : i32
    %sub3A_1022 = arith.subi %div3A_1001, %sub3A_1021 : i32
    %select_n3A_1023 = arith.select %and3A_1020, %sub3A_1022, %div3A_1001 : i32
    %mul3A_1024 = arith.constant 8 : i32
    %mul3A_1025 = arith.muli %select_n3A_1023, %mul3A_1024 : i32
    %multiple_of3A_1026 = tpu.assume_multiple %mul3A_1025, 8 : i32
    %dma_start3A_1027 = arith.constant 28 : i32
    %dma_start3A_1028 = arith.constant 0 : i32
    %dma_start3A_1029 = arith.constant 0 : i32
    %dma_start3A_1030 = tpu.memref_slice %arg11[%dma_start3A_1027, %dma_start3A_1028, %dma_start3A_1029] : memref<64x8x128xf32, #tpu.memory_space<vmem>> -> memref<1x8x128xf32, #tpu.memory_space<vmem>>
    %dma_start3A_1031 = tpu.memref_squeeze %dma_start3A_1030 : memref<1x8x128xf32, #tpu.memory_space<vmem>> -> memref<8x128xf32, #tpu.memory_space<vmem>>
    %dma_start3A_1032 = tpu.memref_slice %arg2[%multiple_of3A_1026, %multiple_of3A] : memref<10000x10000xf32, #tpu.memory_space<hbm>> -> memref<8x128xf32, #tpu.memory_space<hbm>>
    tpu.enqueue_dma source(%dma_start3A_1032 : memref<8x128xf32, #tpu.memory_space<hbm>>) target(%dma_start3A_1031 : memref<8x128xf32, #tpu.memory_space<vmem>>) target_semaphore(%arg12 : memref<!tpu.dma_semaphore, #tpu.memory_space<semaphore_mem>>)
    %get3A_1033 = arith.constant 29 : index
    %get3A_1034 = memref.load %arg0[%get3A_1033] : memref<64xi32, #tpu.memory_space<smem>>
    %jit3A_1035 = arith.constant 8 : i32
    %div3A_1036 = arith.divsi %get3A_1034, %jit3A_1035 : i32
    %sign3A_1037 = arith.constant 0 : i32
    %sign3A_1038 = arith.cmpi sgt, %get3A_1034, %sign3A_1037 : i32
    %sign3A_1039 = arith.extui %sign3A_1038 : i1 to i32
    %sign3A_1040 = arith.constant 0 : i32
    %sign3A_1041 = arith.cmpi slt, %get3A_1034, %sign3A_1040 : i32
    %sign3A_1042 = arith.extui %sign3A_1041 : i1 to i32
    %sign3A_1043 = arith.subi %sign3A_1039, %sign3A_1042 : i32
    %sign3A_1044 = arith.constant 0 : i32
    %sign3A_1045 = arith.cmpi sgt, %jit3A_1035, %sign3A_1044 : i32
    %sign3A_1046 = arith.extui %sign3A_1045 : i1 to i32
    %sign3A_1047 = arith.constant 0 : i32
    %sign3A_1048 = arith.cmpi slt, %jit3A_1035, %sign3A_1047 : i32
    %sign3A_1049 = arith.extui %sign3A_1048 : i1 to i32
    %sign3A_1050 = arith.subi %sign3A_1046, %sign3A_1049 : i32
    %ne3A_1051 = arith.cmpi ne, %sign3A_1043, %sign3A_1050 : i32
    %rem3A_1052 = arith.remsi %get3A_1034, %jit3A_1035 : i32
    %ne3A_1053 = arith.constant 0 : i32
    %ne3A_1054 = arith.cmpi ne, %rem3A_1052, %ne3A_1053 : i32
    %and3A_1055 = arith.andi %ne3A_1051, %ne3A_1054 : i1
    %sub3A_1056 = arith.constant 1 : i32
    %sub3A_1057 = arith.subi %div3A_1036, %sub3A_1056 : i32
    %select_n3A_1058 = arith.select %and3A_1055, %sub3A_1057, %div3A_1036 : i32
    %mul3A_1059 = arith.constant 8 : i32
    %mul3A_1060 = arith.muli %select_n3A_1058, %mul3A_1059 : i32
    %multiple_of3A_1061 = tpu.assume_multiple %mul3A_1060, 8 : i32
    %dma_start3A_1062 = arith.constant 29 : i32
    %dma_start3A_1063 = arith.constant 0 : i32
    %dma_start3A_1064 = arith.constant 0 : i32
    %dma_start3A_1065 = tpu.memref_slice %arg11[%dma_start3A_1062, %dma_start3A_1063, %dma_start3A_1064] : memref<64x8x128xf32, #tpu.memory_space<vmem>> -> memref<1x8x128xf32, #tpu.memory_space<vmem>>
    %dma_start3A_1066 = tpu.memref_squeeze %dma_start3A_1065 : memref<1x8x128xf32, #tpu.memory_space<vmem>> -> memref<8x128xf32, #tpu.memory_space<vmem>>
    %dma_start3A_1067 = tpu.memref_slice %arg2[%multiple_of3A_1061, %multiple_of3A] : memref<10000x10000xf32, #tpu.memory_space<hbm>> -> memref<8x128xf32, #tpu.memory_space<hbm>>
    tpu.enqueue_dma source(%dma_start3A_1067 : memref<8x128xf32, #tpu.memory_space<hbm>>) target(%dma_start3A_1066 : memref<8x128xf32, #tpu.memory_space<vmem>>) target_semaphore(%arg12 : memref<!tpu.dma_semaphore, #tpu.memory_space<semaphore_mem>>)
    %get3A_1068 = arith.constant 30 : index
    %get3A_1069 = memref.load %arg0[%get3A_1068] : memref<64xi32, #tpu.memory_space<smem>>
    %jit3A_1070 = arith.constant 8 : i32
    %div3A_1071 = arith.divsi %get3A_1069, %jit3A_1070 : i32
    %sign3A_1072 = arith.constant 0 : i32
    %sign3A_1073 = arith.cmpi sgt, %get3A_1069, %sign3A_1072 : i32
    %sign3A_1074 = arith.extui %sign3A_1073 : i1 to i32
    %sign3A_1075 = arith.constant 0 : i32
    %sign3A_1076 = arith.cmpi slt, %get3A_1069, %sign3A_1075 : i32
    %sign3A_1077 = arith.extui %sign3A_1076 : i1 to i32
    %sign3A_1078 = arith.subi %sign3A_1074, %sign3A_1077 : i32
    %sign3A_1079 = arith.constant 0 : i32
    %sign3A_1080 = arith.cmpi sgt, %jit3A_1070, %sign3A_1079 : i32
    %sign3A_1081 = arith.extui %sign3A_1080 : i1 to i32
    %sign3A_1082 = arith.constant 0 : i32
    %sign3A_1083 = arith.cmpi slt, %jit3A_1070, %sign3A_1082 : i32
    %sign3A_1084 = arith.extui %sign3A_1083 : i1 to i32
    %sign3A_1085 = arith.subi %sign3A_1081, %sign3A_1084 : i32
    %ne3A_1086 = arith.cmpi ne, %sign3A_1078, %sign3A_1085 : i32
    %rem3A_1087 = arith.remsi %get3A_1069, %jit3A_1070 : i32
    %ne3A_1088 = arith.constant 0 : i32
    %ne3A_1089 = arith.cmpi ne, %rem3A_1087, %ne3A_1088 : i32
    %and3A_1090 = arith.andi %ne3A_1086, %ne3A_1089 : i1
    %sub3A_1091 = arith.constant 1 : i32
    %sub3A_1092 = arith.subi %div3A_1071, %sub3A_1091 : i32
    %select_n3A_1093 = arith.select %and3A_1090, %sub3A_1092, %div3A_1071 : i32
    %mul3A_1094 = arith.constant 8 : i32
    %mul3A_1095 = arith.muli %select_n3A_1093, %mul3A_1094 : i32
    %multiple_of3A_1096 = tpu.assume_multiple %mul3A_1095, 8 : i32
    %dma_start3A_1097 = arith.constant 30 : i32
    %dma_start3A_1098 = arith.constant 0 : i32
    %dma_start3A_1099 = arith.constant 0 : i32
    %dma_start3A_1100 = tpu.memref_slice %arg11[%dma_start3A_1097, %dma_start3A_1098, %dma_start3A_1099] : memref<64x8x128xf32, #tpu.memory_space<vmem>> -> memref<1x8x128xf32, #tpu.memory_space<vmem>>
    %dma_start3A_1101 = tpu.memref_squeeze %dma_start3A_1100 : memref<1x8x128xf32, #tpu.memory_space<vmem>> -> memref<8x128xf32, #tpu.memory_space<vmem>>
    %dma_start3A_1102 = tpu.memref_slice %arg2[%multiple_of3A_1096, %multiple_of3A] : memref<10000x10000xf32, #tpu.memory_space<hbm>> -> memref<8x128xf32, #tpu.memory_space<hbm>>
    tpu.enqueue_dma source(%dma_start3A_1102 : memref<8x128xf32, #tpu.memory_space<hbm>>) target(%dma_start3A_1101 : memref<8x128xf32, #tpu.memory_space<vmem>>) target_semaphore(%arg12 : memref<!tpu.dma_semaphore, #tpu.memory_space<semaphore_mem>>)
    %get3A_1103 = arith.constant 31 : index
    %get3A_1104 = memref.load %arg0[%get3A_1103] : memref<64xi32, #tpu.memory_space<smem>>
    %jit3A_1105 = arith.constant 8 : i32
    %div3A_1106 = arith.divsi %get3A_1104, %jit3A_1105 : i32
    %sign3A_1107 = arith.constant 0 : i32
    %sign3A_1108 = arith.cmpi sgt, %get3A_1104, %sign3A_1107 : i32
    %sign3A_1109 = arith.extui %sign3A_1108 : i1 to i32
    %sign3A_1110 = arith.constant 0 : i32
    %sign3A_1111 = arith.cmpi slt, %get3A_1104, %sign3A_1110 : i32
    %sign3A_1112 = arith.extui %sign3A_1111 : i1 to i32
    %sign3A_1113 = arith.subi %sign3A_1109, %sign3A_1112 : i32
    %sign3A_1114 = arith.constant 0 : i32
    %sign3A_1115 = arith.cmpi sgt, %jit3A_1105, %sign3A_1114 : i32
    %sign3A_1116 = arith.extui %sign3A_1115 : i1 to i32
    %sign3A_1117 = arith.constant 0 : i32
    %sign3A_1118 = arith.cmpi slt, %jit3A_1105, %sign3A_1117 : i32
    %sign3A_1119 = arith.extui %sign3A_1118 : i1 to i32
    %sign3A_1120 = arith.subi %sign3A_1116, %sign3A_1119 : i32
    %ne3A_1121 = arith.cmpi ne, %sign3A_1113, %sign3A_1120 : i32
    %rem3A_1122 = arith.remsi %get3A_1104, %jit3A_1105 : i32
    %ne3A_1123 = arith.constant 0 : i32
    %ne3A_1124 = arith.cmpi ne, %rem3A_1122, %ne3A_1123 : i32
    %and3A_1125 = arith.andi %ne3A_1121, %ne3A_1124 : i1
    %sub3A_1126 = arith.constant 1 : i32
    %sub3A_1127 = arith.subi %div3A_1106, %sub3A_1126 : i32
    %select_n3A_1128 = arith.select %and3A_1125, %sub3A_1127, %div3A_1106 : i32
    %mul3A_1129 = arith.constant 8 : i32
    %mul3A_1130 = arith.muli %select_n3A_1128, %mul3A_1129 : i32
    %multiple_of3A_1131 = tpu.assume_multiple %mul3A_1130, 8 : i32
    %dma_start3A_1132 = arith.constant 31 : i32
    %dma_start3A_1133 = arith.constant 0 : i32
    %dma_start3A_1134 = arith.constant 0 : i32
    %dma_start3A_1135 = tpu.memref_slice %arg11[%dma_start3A_1132, %dma_start3A_1133, %dma_start3A_1134] : memref<64x8x128xf32, #tpu.memory_space<vmem>> -> memref<1x8x128xf32, #tpu.memory_space<vmem>>
    %dma_start3A_1136 = tpu.memref_squeeze %dma_start3A_1135 : memref<1x8x128xf32, #tpu.memory_space<vmem>> -> memref<8x128xf32, #tpu.memory_space<vmem>>
    %dma_start3A_1137 = tpu.memref_slice %arg2[%multiple_of3A_1131, %multiple_of3A] : memref<10000x10000xf32, #tpu.memory_space<hbm>> -> memref<8x128xf32, #tpu.memory_space<hbm>>
    tpu.enqueue_dma source(%dma_start3A_1137 : memref<8x128xf32, #tpu.memory_space<hbm>>) target(%dma_start3A_1136 : memref<8x128xf32, #tpu.memory_space<vmem>>) target_semaphore(%arg12 : memref<!tpu.dma_semaphore, #tpu.memory_space<semaphore_mem>>)
    %get3A_1138 = arith.constant 32 : index
    %get3A_1139 = memref.load %arg0[%get3A_1138] : memref<64xi32, #tpu.memory_space<smem>>
    %jit3A_1140 = arith.constant 8 : i32
    %div3A_1141 = arith.divsi %get3A_1139, %jit3A_1140 : i32
    %sign3A_1142 = arith.constant 0 : i32
    %sign3A_1143 = arith.cmpi sgt, %get3A_1139, %sign3A_1142 : i32
    %sign3A_1144 = arith.extui %sign3A_1143 : i1 to i32
    %sign3A_1145 = arith.constant 0 : i32
    %sign3A_1146 = arith.cmpi slt, %get3A_1139, %sign3A_1145 : i32
    %sign3A_1147 = arith.extui %sign3A_1146 : i1 to i32
    %sign3A_1148 = arith.subi %sign3A_1144, %sign3A_1147 : i32
    %sign3A_1149 = arith.constant 0 : i32
    %sign3A_1150 = arith.cmpi sgt, %jit3A_1140, %sign3A_1149 : i32
    %sign3A_1151 = arith.extui %sign3A_1150 : i1 to i32
    %sign3A_1152 = arith.constant 0 : i32
    %sign3A_1153 = arith.cmpi slt, %jit3A_1140, %sign3A_1152 : i32
    %sign3A_1154 = arith.extui %sign3A_1153 : i1 to i32
    %sign3A_1155 = arith.subi %sign3A_1151, %sign3A_1154 : i32
    %ne3A_1156 = arith.cmpi ne, %sign3A_1148, %sign3A_1155 : i32
    %rem3A_1157 = arith.remsi %get3A_1139, %jit3A_1140 : i32
    %ne3A_1158 = arith.constant 0 : i32
    %ne3A_1159 = arith.cmpi ne, %rem3A_1157, %ne3A_1158 : i32
    %and3A_1160 = arith.andi %ne3A_1156, %ne3A_1159 : i1
    %sub3A_1161 = arith.constant 1 : i32
    %sub3A_1162 = arith.subi %div3A_1141, %sub3A_1161 : i32
    %select_n3A_1163 = arith.select %and3A_1160, %sub3A_1162, %div3A_1141 : i32
    %mul3A_1164 = arith.constant 8 : i32
    %mul3A_1165 = arith.muli %select_n3A_1163, %mul3A_1164 : i32
    %multiple_of3A_1166 = tpu.assume_multiple %mul3A_1165, 8 : i32
    %dma_start3A_1167 = arith.constant 32 : i32
    %dma_start3A_1168 = arith.constant 0 : i32
    %dma_start3A_1169 = arith.constant 0 : i32
    %dma_start3A_1170 = tpu.memref_slice %arg11[%dma_start3A_1167, %dma_start3A_1168, %dma_start3A_1169] : memref<64x8x128xf32, #tpu.memory_space<vmem>> -> memref<1x8x128xf32, #tpu.memory_space<vmem>>
    %dma_start3A_1171 = tpu.memref_squeeze %dma_start3A_1170 : memref<1x8x128xf32, #tpu.memory_space<vmem>> -> memref<8x128xf32, #tpu.memory_space<vmem>>
    %dma_start3A_1172 = tpu.memref_slice %arg2[%multiple_of3A_1166, %multiple_of3A] : memref<10000x10000xf32, #tpu.memory_space<hbm>> -> memref<8x128xf32, #tpu.memory_space<hbm>>
    tpu.enqueue_dma source(%dma_start3A_1172 : memref<8x128xf32, #tpu.memory_space<hbm>>) target(%dma_start3A_1171 : memref<8x128xf32, #tpu.memory_space<vmem>>) target_semaphore(%arg12 : memref<!tpu.dma_semaphore, #tpu.memory_space<semaphore_mem>>)
    %get3A_1173 = arith.constant 33 : index
    %get3A_1174 = memref.load %arg0[%get3A_1173] : memref<64xi32, #tpu.memory_space<smem>>
    %jit3A_1175 = arith.constant 8 : i32
    %div3A_1176 = arith.divsi %get3A_1174, %jit3A_1175 : i32
    %sign3A_1177 = arith.constant 0 : i32
    %sign3A_1178 = arith.cmpi sgt, %get3A_1174, %sign3A_1177 : i32
    %sign3A_1179 = arith.extui %sign3A_1178 : i1 to i32
    %sign3A_1180 = arith.constant 0 : i32
    %sign3A_1181 = arith.cmpi slt, %get3A_1174, %sign3A_1180 : i32
    %sign3A_1182 = arith.extui %sign3A_1181 : i1 to i32
    %sign3A_1183 = arith.subi %sign3A_1179, %sign3A_1182 : i32
    %sign3A_1184 = arith.constant 0 : i32
    %sign3A_1185 = arith.cmpi sgt, %jit3A_1175, %sign3A_1184 : i32
    %sign3A_1186 = arith.extui %sign3A_1185 : i1 to i32
    %sign3A_1187 = arith.constant 0 : i32
    %sign3A_1188 = arith.cmpi slt, %jit3A_1175, %sign3A_1187 : i32
    %sign3A_1189 = arith.extui %sign3A_1188 : i1 to i32
    %sign3A_1190 = arith.subi %sign3A_1186, %sign3A_1189 : i32
    %ne3A_1191 = arith.cmpi ne, %sign3A_1183, %sign3A_1190 : i32
    %rem3A_1192 = arith.remsi %get3A_1174, %jit3A_1175 : i32
    %ne3A_1193 = arith.constant 0 : i32
    %ne3A_1194 = arith.cmpi ne, %rem3A_1192, %ne3A_1193 : i32
    %and3A_1195 = arith.andi %ne3A_1191, %ne3A_1194 : i1
    %sub3A_1196 = arith.constant 1 : i32
    %sub3A_1197 = arith.subi %div3A_1176, %sub3A_1196 : i32
    %select_n3A_1198 = arith.select %and3A_1195, %sub3A_1197, %div3A_1176 : i32
    %mul3A_1199 = arith.constant 8 : i32
    %mul3A_1200 = arith.muli %select_n3A_1198, %mul3A_1199 : i32
    %multiple_of3A_1201 = tpu.assume_multiple %mul3A_1200, 8 : i32
    %dma_start3A_1202 = arith.constant 33 : i32
    %dma_start3A_1203 = arith.constant 0 : i32
    %dma_start3A_1204 = arith.constant 0 : i32
    %dma_start3A_1205 = tpu.memref_slice %arg11[%dma_start3A_1202, %dma_start3A_1203, %dma_start3A_1204] : memref<64x8x128xf32, #tpu.memory_space<vmem>> -> memref<1x8x128xf32, #tpu.memory_space<vmem>>
    %dma_start3A_1206 = tpu.memref_squeeze %dma_start3A_1205 : memref<1x8x128xf32, #tpu.memory_space<vmem>> -> memref<8x128xf32, #tpu.memory_space<vmem>>
    %dma_start3A_1207 = tpu.memref_slice %arg2[%multiple_of3A_1201, %multiple_of3A] : memref<10000x10000xf32, #tpu.memory_space<hbm>> -> memref<8x128xf32, #tpu.memory_space<hbm>>
    tpu.enqueue_dma source(%dma_start3A_1207 : memref<8x128xf32, #tpu.memory_space<hbm>>) target(%dma_start3A_1206 : memref<8x128xf32, #tpu.memory_space<vmem>>) target_semaphore(%arg12 : memref<!tpu.dma_semaphore, #tpu.memory_space<semaphore_mem>>)
    %get3A_1208 = arith.constant 34 : index
    %get3A_1209 = memref.load %arg0[%get3A_1208] : memref<64xi32, #tpu.memory_space<smem>>
    %jit3A_1210 = arith.constant 8 : i32
    %div3A_1211 = arith.divsi %get3A_1209, %jit3A_1210 : i32
    %sign3A_1212 = arith.constant 0 : i32
    %sign3A_1213 = arith.cmpi sgt, %get3A_1209, %sign3A_1212 : i32
    %sign3A_1214 = arith.extui %sign3A_1213 : i1 to i32
    %sign3A_1215 = arith.constant 0 : i32
    %sign3A_1216 = arith.cmpi slt, %get3A_1209, %sign3A_1215 : i32
    %sign3A_1217 = arith.extui %sign3A_1216 : i1 to i32
    %sign3A_1218 = arith.subi %sign3A_1214, %sign3A_1217 : i32
    %sign3A_1219 = arith.constant 0 : i32
    %sign3A_1220 = arith.cmpi sgt, %jit3A_1210, %sign3A_1219 : i32
    %sign3A_1221 = arith.extui %sign3A_1220 : i1 to i32
    %sign3A_1222 = arith.constant 0 : i32
    %sign3A_1223 = arith.cmpi slt, %jit3A_1210, %sign3A_1222 : i32
    %sign3A_1224 = arith.extui %sign3A_1223 : i1 to i32
    %sign3A_1225 = arith.subi %sign3A_1221, %sign3A_1224 : i32
    %ne3A_1226 = arith.cmpi ne, %sign3A_1218, %sign3A_1225 : i32
    %rem3A_1227 = arith.remsi %get3A_1209, %jit3A_1210 : i32
    %ne3A_1228 = arith.constant 0 : i32
    %ne3A_1229 = arith.cmpi ne, %rem3A_1227, %ne3A_1228 : i32
    %and3A_1230 = arith.andi %ne3A_1226, %ne3A_1229 : i1
    %sub3A_1231 = arith.constant 1 : i32
    %sub3A_1232 = arith.subi %div3A_1211, %sub3A_1231 : i32
    %select_n3A_1233 = arith.select %and3A_1230, %sub3A_1232, %div3A_1211 : i32
    %mul3A_1234 = arith.constant 8 : i32
    %mul3A_1235 = arith.muli %select_n3A_1233, %mul3A_1234 : i32
    %multiple_of3A_1236 = tpu.assume_multiple %mul3A_1235, 8 : i32
    %dma_start3A_1237 = arith.constant 34 : i32
    %dma_start3A_1238 = arith.constant 0 : i32
    %dma_start3A_1239 = arith.constant 0 : i32
    %dma_start3A_1240 = tpu.memref_slice %arg11[%dma_start3A_1237, %dma_start3A_1238, %dma_start3A_1239] : memref<64x8x128xf32, #tpu.memory_space<vmem>> -> memref<1x8x128xf32, #tpu.memory_space<vmem>>
    %dma_start3A_1241 = tpu.memref_squeeze %dma_start3A_1240 : memref<1x8x128xf32, #tpu.memory_space<vmem>> -> memref<8x128xf32, #tpu.memory_space<vmem>>
    %dma_start3A_1242 = tpu.memref_slice %arg2[%multiple_of3A_1236, %multiple_of3A] : memref<10000x10000xf32, #tpu.memory_space<hbm>> -> memref<8x128xf32, #tpu.memory_space<hbm>>
    tpu.enqueue_dma source(%dma_start3A_1242 : memref<8x128xf32, #tpu.memory_space<hbm>>) target(%dma_start3A_1241 : memref<8x128xf32, #tpu.memory_space<vmem>>) target_semaphore(%arg12 : memref<!tpu.dma_semaphore, #tpu.memory_space<semaphore_mem>>)
    %get3A_1243 = arith.constant 35 : index
    %get3A_1244 = memref.load %arg0[%get3A_1243] : memref<64xi32, #tpu.memory_space<smem>>
    %jit3A_1245 = arith.constant 8 : i32
    %div3A_1246 = arith.divsi %get3A_1244, %jit3A_1245 : i32
    %sign3A_1247 = arith.constant 0 : i32
    %sign3A_1248 = arith.cmpi sgt, %get3A_1244, %sign3A_1247 : i32
    %sign3A_1249 = arith.extui %sign3A_1248 : i1 to i32
    %sign3A_1250 = arith.constant 0 : i32
    %sign3A_1251 = arith.cmpi slt, %get3A_1244, %sign3A_1250 : i32
    %sign3A_1252 = arith.extui %sign3A_1251 : i1 to i32
    %sign3A_1253 = arith.subi %sign3A_1249, %sign3A_1252 : i32
    %sign3A_1254 = arith.constant 0 : i32
    %sign3A_1255 = arith.cmpi sgt, %jit3A_1245, %sign3A_1254 : i32
    %sign3A_1256 = arith.extui %sign3A_1255 : i1 to i32
    %sign3A_1257 = arith.constant 0 : i32
    %sign3A_1258 = arith.cmpi slt, %jit3A_1245, %sign3A_1257 : i32
    %sign3A_1259 = arith.extui %sign3A_1258 : i1 to i32
    %sign3A_1260 = arith.subi %sign3A_1256, %sign3A_1259 : i32
    %ne3A_1261 = arith.cmpi ne, %sign3A_1253, %sign3A_1260 : i32
    %rem3A_1262 = arith.remsi %get3A_1244, %jit3A_1245 : i32
    %ne3A_1263 = arith.constant 0 : i32
    %ne3A_1264 = arith.cmpi ne, %rem3A_1262, %ne3A_1263 : i32
    %and3A_1265 = arith.andi %ne3A_1261, %ne3A_1264 : i1
    %sub3A_1266 = arith.constant 1 : i32
    %sub3A_1267 = arith.subi %div3A_1246, %sub3A_1266 : i32
    %select_n3A_1268 = arith.select %and3A_1265, %sub3A_1267, %div3A_1246 : i32
    %mul3A_1269 = arith.constant 8 : i32
    %mul3A_1270 = arith.muli %select_n3A_1268, %mul3A_1269 : i32
    %multiple_of3A_1271 = tpu.assume_multiple %mul3A_1270, 8 : i32
    %dma_start3A_1272 = arith.constant 35 : i32
    %dma_start3A_1273 = arith.constant 0 : i32
    %dma_start3A_1274 = arith.constant 0 : i32
    %dma_start3A_1275 = tpu.memref_slice %arg11[%dma_start3A_1272, %dma_start3A_1273, %dma_start3A_1274] : memref<64x8x128xf32, #tpu.memory_space<vmem>> -> memref<1x8x128xf32, #tpu.memory_space<vmem>>
    %dma_start3A_1276 = tpu.memref_squeeze %dma_start3A_1275 : memref<1x8x128xf32, #tpu.memory_space<vmem>> -> memref<8x128xf32, #tpu.memory_space<vmem>>
    %dma_start3A_1277 = tpu.memref_slice %arg2[%multiple_of3A_1271, %multiple_of3A] : memref<10000x10000xf32, #tpu.memory_space<hbm>> -> memref<8x128xf32, #tpu.memory_space<hbm>>
    tpu.enqueue_dma source(%dma_start3A_1277 : memref<8x128xf32, #tpu.memory_space<hbm>>) target(%dma_start3A_1276 : memref<8x128xf32, #tpu.memory_space<vmem>>) target_semaphore(%arg12 : memref<!tpu.dma_semaphore, #tpu.memory_space<semaphore_mem>>)
    %get3A_1278 = arith.constant 36 : index
    %get3A_1279 = memref.load %arg0[%get3A_1278] : memref<64xi32, #tpu.memory_space<smem>>
    %jit3A_1280 = arith.constant 8 : i32
    %div3A_1281 = arith.divsi %get3A_1279, %jit3A_1280 : i32
    %sign3A_1282 = arith.constant 0 : i32
    %sign3A_1283 = arith.cmpi sgt, %get3A_1279, %sign3A_1282 : i32
    %sign3A_1284 = arith.extui %sign3A_1283 : i1 to i32
    %sign3A_1285 = arith.constant 0 : i32
    %sign3A_1286 = arith.cmpi slt, %get3A_1279, %sign3A_1285 : i32
    %sign3A_1287 = arith.extui %sign3A_1286 : i1 to i32
    %sign3A_1288 = arith.subi %sign3A_1284, %sign3A_1287 : i32
    %sign3A_1289 = arith.constant 0 : i32
    %sign3A_1290 = arith.cmpi sgt, %jit3A_1280, %sign3A_1289 : i32
    %sign3A_1291 = arith.extui %sign3A_1290 : i1 to i32
    %sign3A_1292 = arith.constant 0 : i32
    %sign3A_1293 = arith.cmpi slt, %jit3A_1280, %sign3A_1292 : i32
    %sign3A_1294 = arith.extui %sign3A_1293 : i1 to i32
    %sign3A_1295 = arith.subi %sign3A_1291, %sign3A_1294 : i32
    %ne3A_1296 = arith.cmpi ne, %sign3A_1288, %sign3A_1295 : i32
    %rem3A_1297 = arith.remsi %get3A_1279, %jit3A_1280 : i32
    %ne3A_1298 = arith.constant 0 : i32
    %ne3A_1299 = arith.cmpi ne, %rem3A_1297, %ne3A_1298 : i32
    %and3A_1300 = arith.andi %ne3A_1296, %ne3A_1299 : i1
    %sub3A_1301 = arith.constant 1 : i32
    %sub3A_1302 = arith.subi %div3A_1281, %sub3A_1301 : i32
    %select_n3A_1303 = arith.select %and3A_1300, %sub3A_1302, %div3A_1281 : i32
    %mul3A_1304 = arith.constant 8 : i32
    %mul3A_1305 = arith.muli %select_n3A_1303, %mul3A_1304 : i32
    %multiple_of3A_1306 = tpu.assume_multiple %mul3A_1305, 8 : i32
    %dma_start3A_1307 = arith.constant 36 : i32
    %dma_start3A_1308 = arith.constant 0 : i32
    %dma_start3A_1309 = arith.constant 0 : i32
    %dma_start3A_1310 = tpu.memref_slice %arg11[%dma_start3A_1307, %dma_start3A_1308, %dma_start3A_1309] : memref<64x8x128xf32, #tpu.memory_space<vmem>> -> memref<1x8x128xf32, #tpu.memory_space<vmem>>
    %dma_start3A_1311 = tpu.memref_squeeze %dma_start3A_1310 : memref<1x8x128xf32, #tpu.memory_space<vmem>> -> memref<8x128xf32, #tpu.memory_space<vmem>>
    %dma_start3A_1312 = tpu.memref_slice %arg2[%multiple_of3A_1306, %multiple_of3A] : memref<10000x10000xf32, #tpu.memory_space<hbm>> -> memref<8x128xf32, #tpu.memory_space<hbm>>
    tpu.enqueue_dma source(%dma_start3A_1312 : memref<8x128xf32, #tpu.memory_space<hbm>>) target(%dma_start3A_1311 : memref<8x128xf32, #tpu.memory_space<vmem>>) target_semaphore(%arg12 : memref<!tpu.dma_semaphore, #tpu.memory_space<semaphore_mem>>)
    %get3A_1313 = arith.constant 37 : index
    %get3A_1314 = memref.load %arg0[%get3A_1313] : memref<64xi32, #tpu.memory_space<smem>>
    %jit3A_1315 = arith.constant 8 : i32
    %div3A_1316 = arith.divsi %get3A_1314, %jit3A_1315 : i32
    %sign3A_1317 = arith.constant 0 : i32
    %sign3A_1318 = arith.cmpi sgt, %get3A_1314, %sign3A_1317 : i32
    %sign3A_1319 = arith.extui %sign3A_1318 : i1 to i32
    %sign3A_1320 = arith.constant 0 : i32
    %sign3A_1321 = arith.cmpi slt, %get3A_1314, %sign3A_1320 : i32
    %sign3A_1322 = arith.extui %sign3A_1321 : i1 to i32
    %sign3A_1323 = arith.subi %sign3A_1319, %sign3A_1322 : i32
    %sign3A_1324 = arith.constant 0 : i32
    %sign3A_1325 = arith.cmpi sgt, %jit3A_1315, %sign3A_1324 : i32
    %sign3A_1326 = arith.extui %sign3A_1325 : i1 to i32
    %sign3A_1327 = arith.constant 0 : i32
    %sign3A_1328 = arith.cmpi slt, %jit3A_1315, %sign3A_1327 : i32
    %sign3A_1329 = arith.extui %sign3A_1328 : i1 to i32
    %sign3A_1330 = arith.subi %sign3A_1326, %sign3A_1329 : i32
    %ne3A_1331 = arith.cmpi ne, %sign3A_1323, %sign3A_1330 : i32
    %rem3A_1332 = arith.remsi %get3A_1314, %jit3A_1315 : i32
    %ne3A_1333 = arith.constant 0 : i32
    %ne3A_1334 = arith.cmpi ne, %rem3A_1332, %ne3A_1333 : i32
    %and3A_1335 = arith.andi %ne3A_1331, %ne3A_1334 : i1
    %sub3A_1336 = arith.constant 1 : i32
    %sub3A_1337 = arith.subi %div3A_1316, %sub3A_1336 : i32
    %select_n3A_1338 = arith.select %and3A_1335, %sub3A_1337, %div3A_1316 : i32
    %mul3A_1339 = arith.constant 8 : i32
    %mul3A_1340 = arith.muli %select_n3A_1338, %mul3A_1339 : i32
    %multiple_of3A_1341 = tpu.assume_multiple %mul3A_1340, 8 : i32
    %dma_start3A_1342 = arith.constant 37 : i32
    %dma_start3A_1343 = arith.constant 0 : i32
    %dma_start3A_1344 = arith.constant 0 : i32
    %dma_start3A_1345 = tpu.memref_slice %arg11[%dma_start3A_1342, %dma_start3A_1343, %dma_start3A_1344] : memref<64x8x128xf32, #tpu.memory_space<vmem>> -> memref<1x8x128xf32, #tpu.memory_space<vmem>>
    %dma_start3A_1346 = tpu.memref_squeeze %dma_start3A_1345 : memref<1x8x128xf32, #tpu.memory_space<vmem>> -> memref<8x128xf32, #tpu.memory_space<vmem>>
    %dma_start3A_1347 = tpu.memref_slice %arg2[%multiple_of3A_1341, %multiple_of3A] : memref<10000x10000xf32, #tpu.memory_space<hbm>> -> memref<8x128xf32, #tpu.memory_space<hbm>>
    tpu.enqueue_dma source(%dma_start3A_1347 : memref<8x128xf32, #tpu.memory_space<hbm>>) target(%dma_start3A_1346 : memref<8x128xf32, #tpu.memory_space<vmem>>) target_semaphore(%arg12 : memref<!tpu.dma_semaphore, #tpu.memory_space<semaphore_mem>>)
    %get3A_1348 = arith.constant 38 : index
    %get3A_1349 = memref.load %arg0[%get3A_1348] : memref<64xi32, #tpu.memory_space<smem>>
    %jit3A_1350 = arith.constant 8 : i32
    %div3A_1351 = arith.divsi %get3A_1349, %jit3A_1350 : i32
    %sign3A_1352 = arith.constant 0 : i32
    %sign3A_1353 = arith.cmpi sgt, %get3A_1349, %sign3A_1352 : i32
    %sign3A_1354 = arith.extui %sign3A_1353 : i1 to i32
    %sign3A_1355 = arith.constant 0 : i32
    %sign3A_1356 = arith.cmpi slt, %get3A_1349, %sign3A_1355 : i32
    %sign3A_1357 = arith.extui %sign3A_1356 : i1 to i32
    %sign3A_1358 = arith.subi %sign3A_1354, %sign3A_1357 : i32
    %sign3A_1359 = arith.constant 0 : i32
    %sign3A_1360 = arith.cmpi sgt, %jit3A_1350, %sign3A_1359 : i32
    %sign3A_1361 = arith.extui %sign3A_1360 : i1 to i32
    %sign3A_1362 = arith.constant 0 : i32
    %sign3A_1363 = arith.cmpi slt, %jit3A_1350, %sign3A_1362 : i32
    %sign3A_1364 = arith.extui %sign3A_1363 : i1 to i32
    %sign3A_1365 = arith.subi %sign3A_1361, %sign3A_1364 : i32
    %ne3A_1366 = arith.cmpi ne, %sign3A_1358, %sign3A_1365 : i32
    %rem3A_1367 = arith.remsi %get3A_1349, %jit3A_1350 : i32
    %ne3A_1368 = arith.constant 0 : i32
    %ne3A_1369 = arith.cmpi ne, %rem3A_1367, %ne3A_1368 : i32
    %and3A_1370 = arith.andi %ne3A_1366, %ne3A_1369 : i1
    %sub3A_1371 = arith.constant 1 : i32
    %sub3A_1372 = arith.subi %div3A_1351, %sub3A_1371 : i32
    %select_n3A_1373 = arith.select %and3A_1370, %sub3A_1372, %div3A_1351 : i32
    %mul3A_1374 = arith.constant 8 : i32
    %mul3A_1375 = arith.muli %select_n3A_1373, %mul3A_1374 : i32
    %multiple_of3A_1376 = tpu.assume_multiple %mul3A_1375, 8 : i32
    %dma_start3A_1377 = arith.constant 38 : i32
    %dma_start3A_1378 = arith.constant 0 : i32
    %dma_start3A_1379 = arith.constant 0 : i32
    %dma_start3A_1380 = tpu.memref_slice %arg11[%dma_start3A_1377, %dma_start3A_1378, %dma_start3A_1379] : memref<64x8x128xf32, #tpu.memory_space<vmem>> -> memref<1x8x128xf32, #tpu.memory_space<vmem>>
    %dma_start3A_1381 = tpu.memref_squeeze %dma_start3A_1380 : memref<1x8x128xf32, #tpu.memory_space<vmem>> -> memref<8x128xf32, #tpu.memory_space<vmem>>
    %dma_start3A_1382 = tpu.memref_slice %arg2[%multiple_of3A_1376, %multiple_of3A] : memref<10000x10000xf32, #tpu.memory_space<hbm>> -> memref<8x128xf32, #tpu.memory_space<hbm>>
    tpu.enqueue_dma source(%dma_start3A_1382 : memref<8x128xf32, #tpu.memory_space<hbm>>) target(%dma_start3A_1381 : memref<8x128xf32, #tpu.memory_space<vmem>>) target_semaphore(%arg12 : memref<!tpu.dma_semaphore, #tpu.memory_space<semaphore_mem>>)
    %get3A_1383 = arith.constant 39 : index
    %get3A_1384 = memref.load %arg0[%get3A_1383] : memref<64xi32, #tpu.memory_space<smem>>
    %jit3A_1385 = arith.constant 8 : i32
    %div3A_1386 = arith.divsi %get3A_1384, %jit3A_1385 : i32
    %sign3A_1387 = arith.constant 0 : i32
    %sign3A_1388 = arith.cmpi sgt, %get3A_1384, %sign3A_1387 : i32
    %sign3A_1389 = arith.extui %sign3A_1388 : i1 to i32
    %sign3A_1390 = arith.constant 0 : i32
    %sign3A_1391 = arith.cmpi slt, %get3A_1384, %sign3A_1390 : i32
    %sign3A_1392 = arith.extui %sign3A_1391 : i1 to i32
    %sign3A_1393 = arith.subi %sign3A_1389, %sign3A_1392 : i32
    %sign3A_1394 = arith.constant 0 : i32
    %sign3A_1395 = arith.cmpi sgt, %jit3A_1385, %sign3A_1394 : i32
    %sign3A_1396 = arith.extui %sign3A_1395 : i1 to i32
    %sign3A_1397 = arith.constant 0 : i32
    %sign3A_1398 = arith.cmpi slt, %jit3A_1385, %sign3A_1397 : i32
    %sign3A_1399 = arith.extui %sign3A_1398 : i1 to i32
    %sign3A_1400 = arith.subi %sign3A_1396, %sign3A_1399 : i32
    %ne3A_1401 = arith.cmpi ne, %sign3A_1393, %sign3A_1400 : i32
    %rem3A_1402 = arith.remsi %get3A_1384, %jit3A_1385 : i32
    %ne3A_1403 = arith.constant 0 : i32
    %ne3A_1404 = arith.cmpi ne, %rem3A_1402, %ne3A_1403 : i32
    %and3A_1405 = arith.andi %ne3A_1401, %ne3A_1404 : i1
    %sub3A_1406 = arith.constant 1 : i32
    %sub3A_1407 = arith.subi %div3A_1386, %sub3A_1406 : i32
    %select_n3A_1408 = arith.select %and3A_1405, %sub3A_1407, %div3A_1386 : i32
    %mul3A_1409 = arith.constant 8 : i32
    %mul3A_1410 = arith.muli %select_n3A_1408, %mul3A_1409 : i32
    %multiple_of3A_1411 = tpu.assume_multiple %mul3A_1410, 8 : i32
    %dma_start3A_1412 = arith.constant 39 : i32
    %dma_start3A_1413 = arith.constant 0 : i32
    %dma_start3A_1414 = arith.constant 0 : i32
    %dma_start3A_1415 = tpu.memref_slice %arg11[%dma_start3A_1412, %dma_start3A_1413, %dma_start3A_1414] : memref<64x8x128xf32, #tpu.memory_space<vmem>> -> memref<1x8x128xf32, #tpu.memory_space<vmem>>
    %dma_start3A_1416 = tpu.memref_squeeze %dma_start3A_1415 : memref<1x8x128xf32, #tpu.memory_space<vmem>> -> memref<8x128xf32, #tpu.memory_space<vmem>>
    %dma_start3A_1417 = tpu.memref_slice %arg2[%multiple_of3A_1411, %multiple_of3A] : memref<10000x10000xf32, #tpu.memory_space<hbm>> -> memref<8x128xf32, #tpu.memory_space<hbm>>
    tpu.enqueue_dma source(%dma_start3A_1417 : memref<8x128xf32, #tpu.memory_space<hbm>>) target(%dma_start3A_1416 : memref<8x128xf32, #tpu.memory_space<vmem>>) target_semaphore(%arg12 : memref<!tpu.dma_semaphore, #tpu.memory_space<semaphore_mem>>)
    %get3A_1418 = arith.constant 40 : index
    %get3A_1419 = memref.load %arg0[%get3A_1418] : memref<64xi32, #tpu.memory_space<smem>>
    %jit3A_1420 = arith.constant 8 : i32
    %div3A_1421 = arith.divsi %get3A_1419, %jit3A_1420 : i32
    %sign3A_1422 = arith.constant 0 : i32
    %sign3A_1423 = arith.cmpi sgt, %get3A_1419, %sign3A_1422 : i32
    %sign3A_1424 = arith.extui %sign3A_1423 : i1 to i32
    %sign3A_1425 = arith.constant 0 : i32
    %sign3A_1426 = arith.cmpi slt, %get3A_1419, %sign3A_1425 : i32
    %sign3A_1427 = arith.extui %sign3A_1426 : i1 to i32
    %sign3A_1428 = arith.subi %sign3A_1424, %sign3A_1427 : i32
    %sign3A_1429 = arith.constant 0 : i32
    %sign3A_1430 = arith.cmpi sgt, %jit3A_1420, %sign3A_1429 : i32
    %sign3A_1431 = arith.extui %sign3A_1430 : i1 to i32
    %sign3A_1432 = arith.constant 0 : i32
    %sign3A_1433 = arith.cmpi slt, %jit3A_1420, %sign3A_1432 : i32
    %sign3A_1434 = arith.extui %sign3A_1433 : i1 to i32
    %sign3A_1435 = arith.subi %sign3A_1431, %sign3A_1434 : i32
    %ne3A_1436 = arith.cmpi ne, %sign3A_1428, %sign3A_1435 : i32
    %rem3A_1437 = arith.remsi %get3A_1419, %jit3A_1420 : i32
    %ne3A_1438 = arith.constant 0 : i32
    %ne3A_1439 = arith.cmpi ne, %rem3A_1437, %ne3A_1438 : i32
    %and3A_1440 = arith.andi %ne3A_1436, %ne3A_1439 : i1
    %sub3A_1441 = arith.constant 1 : i32
    %sub3A_1442 = arith.subi %div3A_1421, %sub3A_1441 : i32
    %select_n3A_1443 = arith.select %and3A_1440, %sub3A_1442, %div3A_1421 : i32
    %mul3A_1444 = arith.constant 8 : i32
    %mul3A_1445 = arith.muli %select_n3A_1443, %mul3A_1444 : i32
    %multiple_of3A_1446 = tpu.assume_multiple %mul3A_1445, 8 : i32
    %dma_start3A_1447 = arith.constant 40 : i32
    %dma_start3A_1448 = arith.constant 0 : i32
    %dma_start3A_1449 = arith.constant 0 : i32
    %dma_start3A_1450 = tpu.memref_slice %arg11[%dma_start3A_1447, %dma_start3A_1448, %dma_start3A_1449] : memref<64x8x128xf32, #tpu.memory_space<vmem>> -> memref<1x8x128xf32, #tpu.memory_space<vmem>>
    %dma_start3A_1451 = tpu.memref_squeeze %dma_start3A_1450 : memref<1x8x128xf32, #tpu.memory_space<vmem>> -> memref<8x128xf32, #tpu.memory_space<vmem>>
    %dma_start3A_1452 = tpu.memref_slice %arg2[%multiple_of3A_1446, %multiple_of3A] : memref<10000x10000xf32, #tpu.memory_space<hbm>> -> memref<8x128xf32, #tpu.memory_space<hbm>>
    tpu.enqueue_dma source(%dma_start3A_1452 : memref<8x128xf32, #tpu.memory_space<hbm>>) target(%dma_start3A_1451 : memref<8x128xf32, #tpu.memory_space<vmem>>) target_semaphore(%arg12 : memref<!tpu.dma_semaphore, #tpu.memory_space<semaphore_mem>>)
    %get3A_1453 = arith.constant 41 : index
    %get3A_1454 = memref.load %arg0[%get3A_1453] : memref<64xi32, #tpu.memory_space<smem>>
    %jit3A_1455 = arith.constant 8 : i32
    %div3A_1456 = arith.divsi %get3A_1454, %jit3A_1455 : i32
    %sign3A_1457 = arith.constant 0 : i32
    %sign3A_1458 = arith.cmpi sgt, %get3A_1454, %sign3A_1457 : i32
    %sign3A_1459 = arith.extui %sign3A_1458 : i1 to i32
    %sign3A_1460 = arith.constant 0 : i32
    %sign3A_1461 = arith.cmpi slt, %get3A_1454, %sign3A_1460 : i32
    %sign3A_1462 = arith.extui %sign3A_1461 : i1 to i32
    %sign3A_1463 = arith.subi %sign3A_1459, %sign3A_1462 : i32
    %sign3A_1464 = arith.constant 0 : i32
    %sign3A_1465 = arith.cmpi sgt, %jit3A_1455, %sign3A_1464 : i32
    %sign3A_1466 = arith.extui %sign3A_1465 : i1 to i32
    %sign3A_1467 = arith.constant 0 : i32
    %sign3A_1468 = arith.cmpi slt, %jit3A_1455, %sign3A_1467 : i32
    %sign3A_1469 = arith.extui %sign3A_1468 : i1 to i32
    %sign3A_1470 = arith.subi %sign3A_1466, %sign3A_1469 : i32
    %ne3A_1471 = arith.cmpi ne, %sign3A_1463, %sign3A_1470 : i32
    %rem3A_1472 = arith.remsi %get3A_1454, %jit3A_1455 : i32
    %ne3A_1473 = arith.constant 0 : i32
    %ne3A_1474 = arith.cmpi ne, %rem3A_1472, %ne3A_1473 : i32
    %and3A_1475 = arith.andi %ne3A_1471, %ne3A_1474 : i1
    %sub3A_1476 = arith.constant 1 : i32
    %sub3A_1477 = arith.subi %div3A_1456, %sub3A_1476 : i32
    %select_n3A_1478 = arith.select %and3A_1475, %sub3A_1477, %div3A_1456 : i32
    %mul3A_1479 = arith.constant 8 : i32
    %mul3A_1480 = arith.muli %select_n3A_1478, %mul3A_1479 : i32
    %multiple_of3A_1481 = tpu.assume_multiple %mul3A_1480, 8 : i32
    %dma_start3A_1482 = arith.constant 41 : i32
    %dma_start3A_1483 = arith.constant 0 : i32
    %dma_start3A_1484 = arith.constant 0 : i32
    %dma_start3A_1485 = tpu.memref_slice %arg11[%dma_start3A_1482, %dma_start3A_1483, %dma_start3A_1484] : memref<64x8x128xf32, #tpu.memory_space<vmem>> -> memref<1x8x128xf32, #tpu.memory_space<vmem>>
    %dma_start3A_1486 = tpu.memref_squeeze %dma_start3A_1485 : memref<1x8x128xf32, #tpu.memory_space<vmem>> -> memref<8x128xf32, #tpu.memory_space<vmem>>
    %dma_start3A_1487 = tpu.memref_slice %arg2[%multiple_of3A_1481, %multiple_of3A] : memref<10000x10000xf32, #tpu.memory_space<hbm>> -> memref<8x128xf32, #tpu.memory_space<hbm>>
    tpu.enqueue_dma source(%dma_start3A_1487 : memref<8x128xf32, #tpu.memory_space<hbm>>) target(%dma_start3A_1486 : memref<8x128xf32, #tpu.memory_space<vmem>>) target_semaphore(%arg12 : memref<!tpu.dma_semaphore, #tpu.memory_space<semaphore_mem>>)
    %get3A_1488 = arith.constant 42 : index
    %get3A_1489 = memref.load %arg0[%get3A_1488] : memref<64xi32, #tpu.memory_space<smem>>
    %jit3A_1490 = arith.constant 8 : i32
    %div3A_1491 = arith.divsi %get3A_1489, %jit3A_1490 : i32
    %sign3A_1492 = arith.constant 0 : i32
    %sign3A_1493 = arith.cmpi sgt, %get3A_1489, %sign3A_1492 : i32
    %sign3A_1494 = arith.extui %sign3A_1493 : i1 to i32
    %sign3A_1495 = arith.constant 0 : i32
    %sign3A_1496 = arith.cmpi slt, %get3A_1489, %sign3A_1495 : i32
    %sign3A_1497 = arith.extui %sign3A_1496 : i1 to i32
    %sign3A_1498 = arith.subi %sign3A_1494, %sign3A_1497 : i32
    %sign3A_1499 = arith.constant 0 : i32
    %sign3A_1500 = arith.cmpi sgt, %jit3A_1490, %sign3A_1499 : i32
    %sign3A_1501 = arith.extui %sign3A_1500 : i1 to i32
    %sign3A_1502 = arith.constant 0 : i32
    %sign3A_1503 = arith.cmpi slt, %jit3A_1490, %sign3A_1502 : i32
    %sign3A_1504 = arith.extui %sign3A_1503 : i1 to i32
    %sign3A_1505 = arith.subi %sign3A_1501, %sign3A_1504 : i32
    %ne3A_1506 = arith.cmpi ne, %sign3A_1498, %sign3A_1505 : i32
    %rem3A_1507 = arith.remsi %get3A_1489, %jit3A_1490 : i32
    %ne3A_1508 = arith.constant 0 : i32
    %ne3A_1509 = arith.cmpi ne, %rem3A_1507, %ne3A_1508 : i32
    %and3A_1510 = arith.andi %ne3A_1506, %ne3A_1509 : i1
    %sub3A_1511 = arith.constant 1 : i32
    %sub3A_1512 = arith.subi %div3A_1491, %sub3A_1511 : i32
    %select_n3A_1513 = arith.select %and3A_1510, %sub3A_1512, %div3A_1491 : i32
    %mul3A_1514 = arith.constant 8 : i32
    %mul3A_1515 = arith.muli %select_n3A_1513, %mul3A_1514 : i32
    %multiple_of3A_1516 = tpu.assume_multiple %mul3A_1515, 8 : i32
    %dma_start3A_1517 = arith.constant 42 : i32
    %dma_start3A_1518 = arith.constant 0 : i32
    %dma_start3A_1519 = arith.constant 0 : i32
    %dma_start3A_1520 = tpu.memref_slice %arg11[%dma_start3A_1517, %dma_start3A_1518, %dma_start3A_1519] : memref<64x8x128xf32, #tpu.memory_space<vmem>> -> memref<1x8x128xf32, #tpu.memory_space<vmem>>
    %dma_start3A_1521 = tpu.memref_squeeze %dma_start3A_1520 : memref<1x8x128xf32, #tpu.memory_space<vmem>> -> memref<8x128xf32, #tpu.memory_space<vmem>>
    %dma_start3A_1522 = tpu.memref_slice %arg2[%multiple_of3A_1516, %multiple_of3A] : memref<10000x10000xf32, #tpu.memory_space<hbm>> -> memref<8x128xf32, #tpu.memory_space<hbm>>
    tpu.enqueue_dma source(%dma_start3A_1522 : memref<8x128xf32, #tpu.memory_space<hbm>>) target(%dma_start3A_1521 : memref<8x128xf32, #tpu.memory_space<vmem>>) target_semaphore(%arg12 : memref<!tpu.dma_semaphore, #tpu.memory_space<semaphore_mem>>)
    %get3A_1523 = arith.constant 43 : index
    %get3A_1524 = memref.load %arg0[%get3A_1523] : memref<64xi32, #tpu.memory_space<smem>>
    %jit3A_1525 = arith.constant 8 : i32
    %div3A_1526 = arith.divsi %get3A_1524, %jit3A_1525 : i32
    %sign3A_1527 = arith.constant 0 : i32
    %sign3A_1528 = arith.cmpi sgt, %get3A_1524, %sign3A_1527 : i32
    %sign3A_1529 = arith.extui %sign3A_1528 : i1 to i32
    %sign3A_1530 = arith.constant 0 : i32
    %sign3A_1531 = arith.cmpi slt, %get3A_1524, %sign3A_1530 : i32
    %sign3A_1532 = arith.extui %sign3A_1531 : i1 to i32
    %sign3A_1533 = arith.subi %sign3A_1529, %sign3A_1532 : i32
    %sign3A_1534 = arith.constant 0 : i32
    %sign3A_1535 = arith.cmpi sgt, %jit3A_1525, %sign3A_1534 : i32
    %sign3A_1536 = arith.extui %sign3A_1535 : i1 to i32
    %sign3A_1537 = arith.constant 0 : i32
    %sign3A_1538 = arith.cmpi slt, %jit3A_1525, %sign3A_1537 : i32
    %sign3A_1539 = arith.extui %sign3A_1538 : i1 to i32
    %sign3A_1540 = arith.subi %sign3A_1536, %sign3A_1539 : i32
    %ne3A_1541 = arith.cmpi ne, %sign3A_1533, %sign3A_1540 : i32
    %rem3A_1542 = arith.remsi %get3A_1524, %jit3A_1525 : i32
    %ne3A_1543 = arith.constant 0 : i32
    %ne3A_1544 = arith.cmpi ne, %rem3A_1542, %ne3A_1543 : i32
    %and3A_1545 = arith.andi %ne3A_1541, %ne3A_1544 : i1
    %sub3A_1546 = arith.constant 1 : i32
    %sub3A_1547 = arith.subi %div3A_1526, %sub3A_1546 : i32
    %select_n3A_1548 = arith.select %and3A_1545, %sub3A_1547, %div3A_1526 : i32
    %mul3A_1549 = arith.constant 8 : i32
    %mul3A_1550 = arith.muli %select_n3A_1548, %mul3A_1549 : i32
    %multiple_of3A_1551 = tpu.assume_multiple %mul3A_1550, 8 : i32
    %dma_start3A_1552 = arith.constant 43 : i32
    %dma_start3A_1553 = arith.constant 0 : i32
    %dma_start3A_1554 = arith.constant 0 : i32
    %dma_start3A_1555 = tpu.memref_slice %arg11[%dma_start3A_1552, %dma_start3A_1553, %dma_start3A_1554] : memref<64x8x128xf32, #tpu.memory_space<vmem>> -> memref<1x8x128xf32, #tpu.memory_space<vmem>>
    %dma_start3A_1556 = tpu.memref_squeeze %dma_start3A_1555 : memref<1x8x128xf32, #tpu.memory_space<vmem>> -> memref<8x128xf32, #tpu.memory_space<vmem>>
    %dma_start3A_1557 = tpu.memref_slice %arg2[%multiple_of3A_1551, %multiple_of3A] : memref<10000x10000xf32, #tpu.memory_space<hbm>> -> memref<8x128xf32, #tpu.memory_space<hbm>>
    tpu.enqueue_dma source(%dma_start3A_1557 : memref<8x128xf32, #tpu.memory_space<hbm>>) target(%dma_start3A_1556 : memref<8x128xf32, #tpu.memory_space<vmem>>) target_semaphore(%arg12 : memref<!tpu.dma_semaphore, #tpu.memory_space<semaphore_mem>>)
    %get3A_1558 = arith.constant 44 : index
    %get3A_1559 = memref.load %arg0[%get3A_1558] : memref<64xi32, #tpu.memory_space<smem>>
    %jit3A_1560 = arith.constant 8 : i32
    %div3A_1561 = arith.divsi %get3A_1559, %jit3A_1560 : i32
    %sign3A_1562 = arith.constant 0 : i32
    %sign3A_1563 = arith.cmpi sgt, %get3A_1559, %sign3A_1562 : i32
    %sign3A_1564 = arith.extui %sign3A_1563 : i1 to i32
    %sign3A_1565 = arith.constant 0 : i32
    %sign3A_1566 = arith.cmpi slt, %get3A_1559, %sign3A_1565 : i32
    %sign3A_1567 = arith.extui %sign3A_1566 : i1 to i32
    %sign3A_1568 = arith.subi %sign3A_1564, %sign3A_1567 : i32
    %sign3A_1569 = arith.constant 0 : i32
    %sign3A_1570 = arith.cmpi sgt, %jit3A_1560, %sign3A_1569 : i32
    %sign3A_1571 = arith.extui %sign3A_1570 : i1 to i32
    %sign3A_1572 = arith.constant 0 : i32
    %sign3A_1573 = arith.cmpi slt, %jit3A_1560, %sign3A_1572 : i32
    %sign3A_1574 = arith.extui %sign3A_1573 : i1 to i32
    %sign3A_1575 = arith.subi %sign3A_1571, %sign3A_1574 : i32
    %ne3A_1576 = arith.cmpi ne, %sign3A_1568, %sign3A_1575 : i32
    %rem3A_1577 = arith.remsi %get3A_1559, %jit3A_1560 : i32
    %ne3A_1578 = arith.constant 0 : i32
    %ne3A_1579 = arith.cmpi ne, %rem3A_1577, %ne3A_1578 : i32
    %and3A_1580 = arith.andi %ne3A_1576, %ne3A_1579 : i1
    %sub3A_1581 = arith.constant 1 : i32
    %sub3A_1582 = arith.subi %div3A_1561, %sub3A_1581 : i32
    %select_n3A_1583 = arith.select %and3A_1580, %sub3A_1582, %div3A_1561 : i32
    %mul3A_1584 = arith.constant 8 : i32
    %mul3A_1585 = arith.muli %select_n3A_1583, %mul3A_1584 : i32
    %multiple_of3A_1586 = tpu.assume_multiple %mul3A_1585, 8 : i32
    %dma_start3A_1587 = arith.constant 44 : i32
    %dma_start3A_1588 = arith.constant 0 : i32
    %dma_start3A_1589 = arith.constant 0 : i32
    %dma_start3A_1590 = tpu.memref_slice %arg11[%dma_start3A_1587, %dma_start3A_1588, %dma_start3A_1589] : memref<64x8x128xf32, #tpu.memory_space<vmem>> -> memref<1x8x128xf32, #tpu.memory_space<vmem>>
    %dma_start3A_1591 = tpu.memref_squeeze %dma_start3A_1590 : memref<1x8x128xf32, #tpu.memory_space<vmem>> -> memref<8x128xf32, #tpu.memory_space<vmem>>
    %dma_start3A_1592 = tpu.memref_slice %arg2[%multiple_of3A_1586, %multiple_of3A] : memref<10000x10000xf32, #tpu.memory_space<hbm>> -> memref<8x128xf32, #tpu.memory_space<hbm>>
    tpu.enqueue_dma source(%dma_start3A_1592 : memref<8x128xf32, #tpu.memory_space<hbm>>) target(%dma_start3A_1591 : memref<8x128xf32, #tpu.memory_space<vmem>>) target_semaphore(%arg12 : memref<!tpu.dma_semaphore, #tpu.memory_space<semaphore_mem>>)
    %get3A_1593 = arith.constant 45 : index
    %get3A_1594 = memref.load %arg0[%get3A_1593] : memref<64xi32, #tpu.memory_space<smem>>
    %jit3A_1595 = arith.constant 8 : i32
    %div3A_1596 = arith.divsi %get3A_1594, %jit3A_1595 : i32
    %sign3A_1597 = arith.constant 0 : i32
    %sign3A_1598 = arith.cmpi sgt, %get3A_1594, %sign3A_1597 : i32
    %sign3A_1599 = arith.extui %sign3A_1598 : i1 to i32
    %sign3A_1600 = arith.constant 0 : i32
    %sign3A_1601 = arith.cmpi slt, %get3A_1594, %sign3A_1600 : i32
    %sign3A_1602 = arith.extui %sign3A_1601 : i1 to i32
    %sign3A_1603 = arith.subi %sign3A_1599, %sign3A_1602 : i32
    %sign3A_1604 = arith.constant 0 : i32
    %sign3A_1605 = arith.cmpi sgt, %jit3A_1595, %sign3A_1604 : i32
    %sign3A_1606 = arith.extui %sign3A_1605 : i1 to i32
    %sign3A_1607 = arith.constant 0 : i32
    %sign3A_1608 = arith.cmpi slt, %jit3A_1595, %sign3A_1607 : i32
    %sign3A_1609 = arith.extui %sign3A_1608 : i1 to i32
    %sign3A_1610 = arith.subi %sign3A_1606, %sign3A_1609 : i32
    %ne3A_1611 = arith.cmpi ne, %sign3A_1603, %sign3A_1610 : i32
    %rem3A_1612 = arith.remsi %get3A_1594, %jit3A_1595 : i32
    %ne3A_1613 = arith.constant 0 : i32
    %ne3A_1614 = arith.cmpi ne, %rem3A_1612, %ne3A_1613 : i32
    %and3A_1615 = arith.andi %ne3A_1611, %ne3A_1614 : i1
    %sub3A_1616 = arith.constant 1 : i32
    %sub3A_1617 = arith.subi %div3A_1596, %sub3A_1616 : i32
    %select_n3A_1618 = arith.select %and3A_1615, %sub3A_1617, %div3A_1596 : i32
    %mul3A_1619 = arith.constant 8 : i32
    %mul3A_1620 = arith.muli %select_n3A_1618, %mul3A_1619 : i32
    %multiple_of3A_1621 = tpu.assume_multiple %mul3A_1620, 8 : i32
    %dma_start3A_1622 = arith.constant 45 : i32
    %dma_start3A_1623 = arith.constant 0 : i32
    %dma_start3A_1624 = arith.constant 0 : i32
    %dma_start3A_1625 = tpu.memref_slice %arg11[%dma_start3A_1622, %dma_start3A_1623, %dma_start3A_1624] : memref<64x8x128xf32, #tpu.memory_space<vmem>> -> memref<1x8x128xf32, #tpu.memory_space<vmem>>
    %dma_start3A_1626 = tpu.memref_squeeze %dma_start3A_1625 : memref<1x8x128xf32, #tpu.memory_space<vmem>> -> memref<8x128xf32, #tpu.memory_space<vmem>>
    %dma_start3A_1627 = tpu.memref_slice %arg2[%multiple_of3A_1621, %multiple_of3A] : memref<10000x10000xf32, #tpu.memory_space<hbm>> -> memref<8x128xf32, #tpu.memory_space<hbm>>
    tpu.enqueue_dma source(%dma_start3A_1627 : memref<8x128xf32, #tpu.memory_space<hbm>>) target(%dma_start3A_1626 : memref<8x128xf32, #tpu.memory_space<vmem>>) target_semaphore(%arg12 : memref<!tpu.dma_semaphore, #tpu.memory_space<semaphore_mem>>)
    %get3A_1628 = arith.constant 46 : index
    %get3A_1629 = memref.load %arg0[%get3A_1628] : memref<64xi32, #tpu.memory_space<smem>>
    %jit3A_1630 = arith.constant 8 : i32
    %div3A_1631 = arith.divsi %get3A_1629, %jit3A_1630 : i32
    %sign3A_1632 = arith.constant 0 : i32
    %sign3A_1633 = arith.cmpi sgt, %get3A_1629, %sign3A_1632 : i32
    %sign3A_1634 = arith.extui %sign3A_1633 : i1 to i32
    %sign3A_1635 = arith.constant 0 : i32
    %sign3A_1636 = arith.cmpi slt, %get3A_1629, %sign3A_1635 : i32
    %sign3A_1637 = arith.extui %sign3A_1636 : i1 to i32
    %sign3A_1638 = arith.subi %sign3A_1634, %sign3A_1637 : i32
    %sign3A_1639 = arith.constant 0 : i32
    %sign3A_1640 = arith.cmpi sgt, %jit3A_1630, %sign3A_1639 : i32
    %sign3A_1641 = arith.extui %sign3A_1640 : i1 to i32
    %sign3A_1642 = arith.constant 0 : i32
    %sign3A_1643 = arith.cmpi slt, %jit3A_1630, %sign3A_1642 : i32
    %sign3A_1644 = arith.extui %sign3A_1643 : i1 to i32
    %sign3A_1645 = arith.subi %sign3A_1641, %sign3A_1644 : i32
    %ne3A_1646 = arith.cmpi ne, %sign3A_1638, %sign3A_1645 : i32
    %rem3A_1647 = arith.remsi %get3A_1629, %jit3A_1630 : i32
    %ne3A_1648 = arith.constant 0 : i32
    %ne3A_1649 = arith.cmpi ne, %rem3A_1647, %ne3A_1648 : i32
    %and3A_1650 = arith.andi %ne3A_1646, %ne3A_1649 : i1
    %sub3A_1651 = arith.constant 1 : i32
    %sub3A_1652 = arith.subi %div3A_1631, %sub3A_1651 : i32
    %select_n3A_1653 = arith.select %and3A_1650, %sub3A_1652, %div3A_1631 : i32
    %mul3A_1654 = arith.constant 8 : i32
    %mul3A_1655 = arith.muli %select_n3A_1653, %mul3A_1654 : i32
    %multiple_of3A_1656 = tpu.assume_multiple %mul3A_1655, 8 : i32
    %dma_start3A_1657 = arith.constant 46 : i32
    %dma_start3A_1658 = arith.constant 0 : i32
    %dma_start3A_1659 = arith.constant 0 : i32
    %dma_start3A_1660 = tpu.memref_slice %arg11[%dma_start3A_1657, %dma_start3A_1658, %dma_start3A_1659] : memref<64x8x128xf32, #tpu.memory_space<vmem>> -> memref<1x8x128xf32, #tpu.memory_space<vmem>>
    %dma_start3A_1661 = tpu.memref_squeeze %dma_start3A_1660 : memref<1x8x128xf32, #tpu.memory_space<vmem>> -> memref<8x128xf32, #tpu.memory_space<vmem>>
    %dma_start3A_1662 = tpu.memref_slice %arg2[%multiple_of3A_1656, %multiple_of3A] : memref<10000x10000xf32, #tpu.memory_space<hbm>> -> memref<8x128xf32, #tpu.memory_space<hbm>>
    tpu.enqueue_dma source(%dma_start3A_1662 : memref<8x128xf32, #tpu.memory_space<hbm>>) target(%dma_start3A_1661 : memref<8x128xf32, #tpu.memory_space<vmem>>) target_semaphore(%arg12 : memref<!tpu.dma_semaphore, #tpu.memory_space<semaphore_mem>>)
    %get3A_1663 = arith.constant 47 : index
    %get3A_1664 = memref.load %arg0[%get3A_1663] : memref<64xi32, #tpu.memory_space<smem>>
    %jit3A_1665 = arith.constant 8 : i32
    %div3A_1666 = arith.divsi %get3A_1664, %jit3A_1665 : i32
    %sign3A_1667 = arith.constant 0 : i32
    %sign3A_1668 = arith.cmpi sgt, %get3A_1664, %sign3A_1667 : i32
    %sign3A_1669 = arith.extui %sign3A_1668 : i1 to i32
    %sign3A_1670 = arith.constant 0 : i32
    %sign3A_1671 = arith.cmpi slt, %get3A_1664, %sign3A_1670 : i32
    %sign3A_1672 = arith.extui %sign3A_1671 : i1 to i32
    %sign3A_1673 = arith.subi %sign3A_1669, %sign3A_1672 : i32
    %sign3A_1674 = arith.constant 0 : i32
    %sign3A_1675 = arith.cmpi sgt, %jit3A_1665, %sign3A_1674 : i32
    %sign3A_1676 = arith.extui %sign3A_1675 : i1 to i32
    %sign3A_1677 = arith.constant 0 : i32
    %sign3A_1678 = arith.cmpi slt, %jit3A_1665, %sign3A_1677 : i32
    %sign3A_1679 = arith.extui %sign3A_1678 : i1 to i32
    %sign3A_1680 = arith.subi %sign3A_1676, %sign3A_1679 : i32
    %ne3A_1681 = arith.cmpi ne, %sign3A_1673, %sign3A_1680 : i32
    %rem3A_1682 = arith.remsi %get3A_1664, %jit3A_1665 : i32
    %ne3A_1683 = arith.constant 0 : i32
    %ne3A_1684 = arith.cmpi ne, %rem3A_1682, %ne3A_1683 : i32
    %and3A_1685 = arith.andi %ne3A_1681, %ne3A_1684 : i1
    %sub3A_1686 = arith.constant 1 : i32
    %sub3A_1687 = arith.subi %div3A_1666, %sub3A_1686 : i32
    %select_n3A_1688 = arith.select %and3A_1685, %sub3A_1687, %div3A_1666 : i32
    %mul3A_1689 = arith.constant 8 : i32
    %mul3A_1690 = arith.muli %select_n3A_1688, %mul3A_1689 : i32
    %multiple_of3A_1691 = tpu.assume_multiple %mul3A_1690, 8 : i32
    %dma_start3A_1692 = arith.constant 47 : i32
    %dma_start3A_1693 = arith.constant 0 : i32
    %dma_start3A_1694 = arith.constant 0 : i32
    %dma_start3A_1695 = tpu.memref_slice %arg11[%dma_start3A_1692, %dma_start3A_1693, %dma_start3A_1694] : memref<64x8x128xf32, #tpu.memory_space<vmem>> -> memref<1x8x128xf32, #tpu.memory_space<vmem>>
    %dma_start3A_1696 = tpu.memref_squeeze %dma_start3A_1695 : memref<1x8x128xf32, #tpu.memory_space<vmem>> -> memref<8x128xf32, #tpu.memory_space<vmem>>
    %dma_start3A_1697 = tpu.memref_slice %arg2[%multiple_of3A_1691, %multiple_of3A] : memref<10000x10000xf32, #tpu.memory_space<hbm>> -> memref<8x128xf32, #tpu.memory_space<hbm>>
    tpu.enqueue_dma source(%dma_start3A_1697 : memref<8x128xf32, #tpu.memory_space<hbm>>) target(%dma_start3A_1696 : memref<8x128xf32, #tpu.memory_space<vmem>>) target_semaphore(%arg12 : memref<!tpu.dma_semaphore, #tpu.memory_space<semaphore_mem>>)
    %get3A_1698 = arith.constant 48 : index
    %get3A_1699 = memref.load %arg0[%get3A_1698] : memref<64xi32, #tpu.memory_space<smem>>
    %jit3A_1700 = arith.constant 8 : i32
    %div3A_1701 = arith.divsi %get3A_1699, %jit3A_1700 : i32
    %sign3A_1702 = arith.constant 0 : i32
    %sign3A_1703 = arith.cmpi sgt, %get3A_1699, %sign3A_1702 : i32
    %sign3A_1704 = arith.extui %sign3A_1703 : i1 to i32
    %sign3A_1705 = arith.constant 0 : i32
    %sign3A_1706 = arith.cmpi slt, %get3A_1699, %sign3A_1705 : i32
    %sign3A_1707 = arith.extui %sign3A_1706 : i1 to i32
    %sign3A_1708 = arith.subi %sign3A_1704, %sign3A_1707 : i32
    %sign3A_1709 = arith.constant 0 : i32
    %sign3A_1710 = arith.cmpi sgt, %jit3A_1700, %sign3A_1709 : i32
    %sign3A_1711 = arith.extui %sign3A_1710 : i1 to i32
    %sign3A_1712 = arith.constant 0 : i32
    %sign3A_1713 = arith.cmpi slt, %jit3A_1700, %sign3A_1712 : i32
    %sign3A_1714 = arith.extui %sign3A_1713 : i1 to i32
    %sign3A_1715 = arith.subi %sign3A_1711, %sign3A_1714 : i32
    %ne3A_1716 = arith.cmpi ne, %sign3A_1708, %sign3A_1715 : i32
    %rem3A_1717 = arith.remsi %get3A_1699, %jit3A_1700 : i32
    %ne3A_1718 = arith.constant 0 : i32
    %ne3A_1719 = arith.cmpi ne, %rem3A_1717, %ne3A_1718 : i32
    %and3A_1720 = arith.andi %ne3A_1716, %ne3A_1719 : i1
    %sub3A_1721 = arith.constant 1 : i32
    %sub3A_1722 = arith.subi %div3A_1701, %sub3A_1721 : i32
    %select_n3A_1723 = arith.select %and3A_1720, %sub3A_1722, %div3A_1701 : i32
    %mul3A_1724 = arith.constant 8 : i32
    %mul3A_1725 = arith.muli %select_n3A_1723, %mul3A_1724 : i32
    %multiple_of3A_1726 = tpu.assume_multiple %mul3A_1725, 8 : i32
    %dma_start3A_1727 = arith.constant 48 : i32
    %dma_start3A_1728 = arith.constant 0 : i32
    %dma_start3A_1729 = arith.constant 0 : i32
    %dma_start3A_1730 = tpu.memref_slice %arg11[%dma_start3A_1727, %dma_start3A_1728, %dma_start3A_1729] : memref<64x8x128xf32, #tpu.memory_space<vmem>> -> memref<1x8x128xf32, #tpu.memory_space<vmem>>
    %dma_start3A_1731 = tpu.memref_squeeze %dma_start3A_1730 : memref<1x8x128xf32, #tpu.memory_space<vmem>> -> memref<8x128xf32, #tpu.memory_space<vmem>>
    %dma_start3A_1732 = tpu.memref_slice %arg2[%multiple_of3A_1726, %multiple_of3A] : memref<10000x10000xf32, #tpu.memory_space<hbm>> -> memref<8x128xf32, #tpu.memory_space<hbm>>
    tpu.enqueue_dma source(%dma_start3A_1732 : memref<8x128xf32, #tpu.memory_space<hbm>>) target(%dma_start3A_1731 : memref<8x128xf32, #tpu.memory_space<vmem>>) target_semaphore(%arg12 : memref<!tpu.dma_semaphore, #tpu.memory_space<semaphore_mem>>)
    %get3A_1733 = arith.constant 49 : index
    %get3A_1734 = memref.load %arg0[%get3A_1733] : memref<64xi32, #tpu.memory_space<smem>>
    %jit3A_1735 = arith.constant 8 : i32
    %div3A_1736 = arith.divsi %get3A_1734, %jit3A_1735 : i32
    %sign3A_1737 = arith.constant 0 : i32
    %sign3A_1738 = arith.cmpi sgt, %get3A_1734, %sign3A_1737 : i32
    %sign3A_1739 = arith.extui %sign3A_1738 : i1 to i32
    %sign3A_1740 = arith.constant 0 : i32
    %sign3A_1741 = arith.cmpi slt, %get3A_1734, %sign3A_1740 : i32
    %sign3A_1742 = arith.extui %sign3A_1741 : i1 to i32
    %sign3A_1743 = arith.subi %sign3A_1739, %sign3A_1742 : i32
    %sign3A_1744 = arith.constant 0 : i32
    %sign3A_1745 = arith.cmpi sgt, %jit3A_1735, %sign3A_1744 : i32
    %sign3A_1746 = arith.extui %sign3A_1745 : i1 to i32
    %sign3A_1747 = arith.constant 0 : i32
    %sign3A_1748 = arith.cmpi slt, %jit3A_1735, %sign3A_1747 : i32
    %sign3A_1749 = arith.extui %sign3A_1748 : i1 to i32
    %sign3A_1750 = arith.subi %sign3A_1746, %sign3A_1749 : i32
    %ne3A_1751 = arith.cmpi ne, %sign3A_1743, %sign3A_1750 : i32
    %rem3A_1752 = arith.remsi %get3A_1734, %jit3A_1735 : i32
    %ne3A_1753 = arith.constant 0 : i32
    %ne3A_1754 = arith.cmpi ne, %rem3A_1752, %ne3A_1753 : i32
    %and3A_1755 = arith.andi %ne3A_1751, %ne3A_1754 : i1
    %sub3A_1756 = arith.constant 1 : i32
    %sub3A_1757 = arith.subi %div3A_1736, %sub3A_1756 : i32
    %select_n3A_1758 = arith.select %and3A_1755, %sub3A_1757, %div3A_1736 : i32
    %mul3A_1759 = arith.constant 8 : i32
    %mul3A_1760 = arith.muli %select_n3A_1758, %mul3A_1759 : i32
    %multiple_of3A_1761 = tpu.assume_multiple %mul3A_1760, 8 : i32
    %dma_start3A_1762 = arith.constant 49 : i32
    %dma_start3A_1763 = arith.constant 0 : i32
    %dma_start3A_1764 = arith.constant 0 : i32
    %dma_start3A_1765 = tpu.memref_slice %arg11[%dma_start3A_1762, %dma_start3A_1763, %dma_start3A_1764] : memref<64x8x128xf32, #tpu.memory_space<vmem>> -> memref<1x8x128xf32, #tpu.memory_space<vmem>>
    %dma_start3A_1766 = tpu.memref_squeeze %dma_start3A_1765 : memref<1x8x128xf32, #tpu.memory_space<vmem>> -> memref<8x128xf32, #tpu.memory_space<vmem>>
    %dma_start3A_1767 = tpu.memref_slice %arg2[%multiple_of3A_1761, %multiple_of3A] : memref<10000x10000xf32, #tpu.memory_space<hbm>> -> memref<8x128xf32, #tpu.memory_space<hbm>>
    tpu.enqueue_dma source(%dma_start3A_1767 : memref<8x128xf32, #tpu.memory_space<hbm>>) target(%dma_start3A_1766 : memref<8x128xf32, #tpu.memory_space<vmem>>) target_semaphore(%arg12 : memref<!tpu.dma_semaphore, #tpu.memory_space<semaphore_mem>>)
    %get3A_1768 = arith.constant 50 : index
    %get3A_1769 = memref.load %arg0[%get3A_1768] : memref<64xi32, #tpu.memory_space<smem>>
    %jit3A_1770 = arith.constant 8 : i32
    %div3A_1771 = arith.divsi %get3A_1769, %jit3A_1770 : i32
    %sign3A_1772 = arith.constant 0 : i32
    %sign3A_1773 = arith.cmpi sgt, %get3A_1769, %sign3A_1772 : i32
    %sign3A_1774 = arith.extui %sign3A_1773 : i1 to i32
    %sign3A_1775 = arith.constant 0 : i32
    %sign3A_1776 = arith.cmpi slt, %get3A_1769, %sign3A_1775 : i32
    %sign3A_1777 = arith.extui %sign3A_1776 : i1 to i32
    %sign3A_1778 = arith.subi %sign3A_1774, %sign3A_1777 : i32
    %sign3A_1779 = arith.constant 0 : i32
    %sign3A_1780 = arith.cmpi sgt, %jit3A_1770, %sign3A_1779 : i32
    %sign3A_1781 = arith.extui %sign3A_1780 : i1 to i32
    %sign3A_1782 = arith.constant 0 : i32
    %sign3A_1783 = arith.cmpi slt, %jit3A_1770, %sign3A_1782 : i32
    %sign3A_1784 = arith.extui %sign3A_1783 : i1 to i32
    %sign3A_1785 = arith.subi %sign3A_1781, %sign3A_1784 : i32
    %ne3A_1786 = arith.cmpi ne, %sign3A_1778, %sign3A_1785 : i32
    %rem3A_1787 = arith.remsi %get3A_1769, %jit3A_1770 : i32
    %ne3A_1788 = arith.constant 0 : i32
    %ne3A_1789 = arith.cmpi ne, %rem3A_1787, %ne3A_1788 : i32
    %and3A_1790 = arith.andi %ne3A_1786, %ne3A_1789 : i1
    %sub3A_1791 = arith.constant 1 : i32
    %sub3A_1792 = arith.subi %div3A_1771, %sub3A_1791 : i32
    %select_n3A_1793 = arith.select %and3A_1790, %sub3A_1792, %div3A_1771 : i32
    %mul3A_1794 = arith.constant 8 : i32
    %mul3A_1795 = arith.muli %select_n3A_1793, %mul3A_1794 : i32
    %multiple_of3A_1796 = tpu.assume_multiple %mul3A_1795, 8 : i32
    %dma_start3A_1797 = arith.constant 50 : i32
    %dma_start3A_1798 = arith.constant 0 : i32
    %dma_start3A_1799 = arith.constant 0 : i32
    %dma_start3A_1800 = tpu.memref_slice %arg11[%dma_start3A_1797, %dma_start3A_1798, %dma_start3A_1799] : memref<64x8x128xf32, #tpu.memory_space<vmem>> -> memref<1x8x128xf32, #tpu.memory_space<vmem>>
    %dma_start3A_1801 = tpu.memref_squeeze %dma_start3A_1800 : memref<1x8x128xf32, #tpu.memory_space<vmem>> -> memref<8x128xf32, #tpu.memory_space<vmem>>
    %dma_start3A_1802 = tpu.memref_slice %arg2[%multiple_of3A_1796, %multiple_of3A] : memref<10000x10000xf32, #tpu.memory_space<hbm>> -> memref<8x128xf32, #tpu.memory_space<hbm>>
    tpu.enqueue_dma source(%dma_start3A_1802 : memref<8x128xf32, #tpu.memory_space<hbm>>) target(%dma_start3A_1801 : memref<8x128xf32, #tpu.memory_space<vmem>>) target_semaphore(%arg12 : memref<!tpu.dma_semaphore, #tpu.memory_space<semaphore_mem>>)
    %get3A_1803 = arith.constant 51 : index
    %get3A_1804 = memref.load %arg0[%get3A_1803] : memref<64xi32, #tpu.memory_space<smem>>
    %jit3A_1805 = arith.constant 8 : i32
    %div3A_1806 = arith.divsi %get3A_1804, %jit3A_1805 : i32
    %sign3A_1807 = arith.constant 0 : i32
    %sign3A_1808 = arith.cmpi sgt, %get3A_1804, %sign3A_1807 : i32
    %sign3A_1809 = arith.extui %sign3A_1808 : i1 to i32
    %sign3A_1810 = arith.constant 0 : i32
    %sign3A_1811 = arith.cmpi slt, %get3A_1804, %sign3A_1810 : i32
    %sign3A_1812 = arith.extui %sign3A_1811 : i1 to i32
    %sign3A_1813 = arith.subi %sign3A_1809, %sign3A_1812 : i32
    %sign3A_1814 = arith.constant 0 : i32
    %sign3A_1815 = arith.cmpi sgt, %jit3A_1805, %sign3A_1814 : i32
    %sign3A_1816 = arith.extui %sign3A_1815 : i1 to i32
    %sign3A_1817 = arith.constant 0 : i32
    %sign3A_1818 = arith.cmpi slt, %jit3A_1805, %sign3A_1817 : i32
    %sign3A_1819 = arith.extui %sign3A_1818 : i1 to i32
    %sign3A_1820 = arith.subi %sign3A_1816, %sign3A_1819 : i32
    %ne3A_1821 = arith.cmpi ne, %sign3A_1813, %sign3A_1820 : i32
    %rem3A_1822 = arith.remsi %get3A_1804, %jit3A_1805 : i32
    %ne3A_1823 = arith.constant 0 : i32
    %ne3A_1824 = arith.cmpi ne, %rem3A_1822, %ne3A_1823 : i32
    %and3A_1825 = arith.andi %ne3A_1821, %ne3A_1824 : i1
    %sub3A_1826 = arith.constant 1 : i32
    %sub3A_1827 = arith.subi %div3A_1806, %sub3A_1826 : i32
    %select_n3A_1828 = arith.select %and3A_1825, %sub3A_1827, %div3A_1806 : i32
    %mul3A_1829 = arith.constant 8 : i32
    %mul3A_1830 = arith.muli %select_n3A_1828, %mul3A_1829 : i32
    %multiple_of3A_1831 = tpu.assume_multiple %mul3A_1830, 8 : i32
    %dma_start3A_1832 = arith.constant 51 : i32
    %dma_start3A_1833 = arith.constant 0 : i32
    %dma_start3A_1834 = arith.constant 0 : i32
    %dma_start3A_1835 = tpu.memref_slice %arg11[%dma_start3A_1832, %dma_start3A_1833, %dma_start3A_1834] : memref<64x8x128xf32, #tpu.memory_space<vmem>> -> memref<1x8x128xf32, #tpu.memory_space<vmem>>
    %dma_start3A_1836 = tpu.memref_squeeze %dma_start3A_1835 : memref<1x8x128xf32, #tpu.memory_space<vmem>> -> memref<8x128xf32, #tpu.memory_space<vmem>>
    %dma_start3A_1837 = tpu.memref_slice %arg2[%multiple_of3A_1831, %multiple_of3A] : memref<10000x10000xf32, #tpu.memory_space<hbm>> -> memref<8x128xf32, #tpu.memory_space<hbm>>
    tpu.enqueue_dma source(%dma_start3A_1837 : memref<8x128xf32, #tpu.memory_space<hbm>>) target(%dma_start3A_1836 : memref<8x128xf32, #tpu.memory_space<vmem>>) target_semaphore(%arg12 : memref<!tpu.dma_semaphore, #tpu.memory_space<semaphore_mem>>)
    %get3A_1838 = arith.constant 52 : index
    %get3A_1839 = memref.load %arg0[%get3A_1838] : memref<64xi32, #tpu.memory_space<smem>>
    %jit3A_1840 = arith.constant 8 : i32
    %div3A_1841 = arith.divsi %get3A_1839, %jit3A_1840 : i32
    %sign3A_1842 = arith.constant 0 : i32
    %sign3A_1843 = arith.cmpi sgt, %get3A_1839, %sign3A_1842 : i32
    %sign3A_1844 = arith.extui %sign3A_1843 : i1 to i32
    %sign3A_1845 = arith.constant 0 : i32
    %sign3A_1846 = arith.cmpi slt, %get3A_1839, %sign3A_1845 : i32
    %sign3A_1847 = arith.extui %sign3A_1846 : i1 to i32
    %sign3A_1848 = arith.subi %sign3A_1844, %sign3A_1847 : i32
    %sign3A_1849 = arith.constant 0 : i32
    %sign3A_1850 = arith.cmpi sgt, %jit3A_1840, %sign3A_1849 : i32
    %sign3A_1851 = arith.extui %sign3A_1850 : i1 to i32
    %sign3A_1852 = arith.constant 0 : i32
    %sign3A_1853 = arith.cmpi slt, %jit3A_1840, %sign3A_1852 : i32
    %sign3A_1854 = arith.extui %sign3A_1853 : i1 to i32
    %sign3A_1855 = arith.subi %sign3A_1851, %sign3A_1854 : i32
    %ne3A_1856 = arith.cmpi ne, %sign3A_1848, %sign3A_1855 : i32
    %rem3A_1857 = arith.remsi %get3A_1839, %jit3A_1840 : i32
    %ne3A_1858 = arith.constant 0 : i32
    %ne3A_1859 = arith.cmpi ne, %rem3A_1857, %ne3A_1858 : i32
    %and3A_1860 = arith.andi %ne3A_1856, %ne3A_1859 : i1
    %sub3A_1861 = arith.constant 1 : i32
    %sub3A_1862 = arith.subi %div3A_1841, %sub3A_1861 : i32
    %select_n3A_1863 = arith.select %and3A_1860, %sub3A_1862, %div3A_1841 : i32
    %mul3A_1864 = arith.constant 8 : i32
    %mul3A_1865 = arith.muli %select_n3A_1863, %mul3A_1864 : i32
    %multiple_of3A_1866 = tpu.assume_multiple %mul3A_1865, 8 : i32
    %dma_start3A_1867 = arith.constant 52 : i32
    %dma_start3A_1868 = arith.constant 0 : i32
    %dma_start3A_1869 = arith.constant 0 : i32
    %dma_start3A_1870 = tpu.memref_slice %arg11[%dma_start3A_1867, %dma_start3A_1868, %dma_start3A_1869] : memref<64x8x128xf32, #tpu.memory_space<vmem>> -> memref<1x8x128xf32, #tpu.memory_space<vmem>>
    %dma_start3A_1871 = tpu.memref_squeeze %dma_start3A_1870 : memref<1x8x128xf32, #tpu.memory_space<vmem>> -> memref<8x128xf32, #tpu.memory_space<vmem>>
    %dma_start3A_1872 = tpu.memref_slice %arg2[%multiple_of3A_1866, %multiple_of3A] : memref<10000x10000xf32, #tpu.memory_space<hbm>> -> memref<8x128xf32, #tpu.memory_space<hbm>>
    tpu.enqueue_dma source(%dma_start3A_1872 : memref<8x128xf32, #tpu.memory_space<hbm>>) target(%dma_start3A_1871 : memref<8x128xf32, #tpu.memory_space<vmem>>) target_semaphore(%arg12 : memref<!tpu.dma_semaphore, #tpu.memory_space<semaphore_mem>>)
    %get3A_1873 = arith.constant 53 : index
    %get3A_1874 = memref.load %arg0[%get3A_1873] : memref<64xi32, #tpu.memory_space<smem>>
    %jit3A_1875 = arith.constant 8 : i32
    %div3A_1876 = arith.divsi %get3A_1874, %jit3A_1875 : i32
    %sign3A_1877 = arith.constant 0 : i32
    %sign3A_1878 = arith.cmpi sgt, %get3A_1874, %sign3A_1877 : i32
    %sign3A_1879 = arith.extui %sign3A_1878 : i1 to i32
    %sign3A_1880 = arith.constant 0 : i32
    %sign3A_1881 = arith.cmpi slt, %get3A_1874, %sign3A_1880 : i32
    %sign3A_1882 = arith.extui %sign3A_1881 : i1 to i32
    %sign3A_1883 = arith.subi %sign3A_1879, %sign3A_1882 : i32
    %sign3A_1884 = arith.constant 0 : i32
    %sign3A_1885 = arith.cmpi sgt, %jit3A_1875, %sign3A_1884 : i32
    %sign3A_1886 = arith.extui %sign3A_1885 : i1 to i32
    %sign3A_1887 = arith.constant 0 : i32
    %sign3A_1888 = arith.cmpi slt, %jit3A_1875, %sign3A_1887 : i32
    %sign3A_1889 = arith.extui %sign3A_1888 : i1 to i32
    %sign3A_1890 = arith.subi %sign3A_1886, %sign3A_1889 : i32
    %ne3A_1891 = arith.cmpi ne, %sign3A_1883, %sign3A_1890 : i32
    %rem3A_1892 = arith.remsi %get3A_1874, %jit3A_1875 : i32
    %ne3A_1893 = arith.constant 0 : i32
    %ne3A_1894 = arith.cmpi ne, %rem3A_1892, %ne3A_1893 : i32
    %and3A_1895 = arith.andi %ne3A_1891, %ne3A_1894 : i1
    %sub3A_1896 = arith.constant 1 : i32
    %sub3A_1897 = arith.subi %div3A_1876, %sub3A_1896 : i32
    %select_n3A_1898 = arith.select %and3A_1895, %sub3A_1897, %div3A_1876 : i32
    %mul3A_1899 = arith.constant 8 : i32
    %mul3A_1900 = arith.muli %select_n3A_1898, %mul3A_1899 : i32
    %multiple_of3A_1901 = tpu.assume_multiple %mul3A_1900, 8 : i32
    %dma_start3A_1902 = arith.constant 53 : i32
    %dma_start3A_1903 = arith.constant 0 : i32
    %dma_start3A_1904 = arith.constant 0 : i32
    %dma_start3A_1905 = tpu.memref_slice %arg11[%dma_start3A_1902, %dma_start3A_1903, %dma_start3A_1904] : memref<64x8x128xf32, #tpu.memory_space<vmem>> -> memref<1x8x128xf32, #tpu.memory_space<vmem>>
    %dma_start3A_1906 = tpu.memref_squeeze %dma_start3A_1905 : memref<1x8x128xf32, #tpu.memory_space<vmem>> -> memref<8x128xf32, #tpu.memory_space<vmem>>
    %dma_start3A_1907 = tpu.memref_slice %arg2[%multiple_of3A_1901, %multiple_of3A] : memref<10000x10000xf32, #tpu.memory_space<hbm>> -> memref<8x128xf32, #tpu.memory_space<hbm>>
    tpu.enqueue_dma source(%dma_start3A_1907 : memref<8x128xf32, #tpu.memory_space<hbm>>) target(%dma_start3A_1906 : memref<8x128xf32, #tpu.memory_space<vmem>>) target_semaphore(%arg12 : memref<!tpu.dma_semaphore, #tpu.memory_space<semaphore_mem>>)
    %get3A_1908 = arith.constant 54 : index
    %get3A_1909 = memref.load %arg0[%get3A_1908] : memref<64xi32, #tpu.memory_space<smem>>
    %jit3A_1910 = arith.constant 8 : i32
    %div3A_1911 = arith.divsi %get3A_1909, %jit3A_1910 : i32
    %sign3A_1912 = arith.constant 0 : i32
    %sign3A_1913 = arith.cmpi sgt, %get3A_1909, %sign3A_1912 : i32
    %sign3A_1914 = arith.extui %sign3A_1913 : i1 to i32
    %sign3A_1915 = arith.constant 0 : i32
    %sign3A_1916 = arith.cmpi slt, %get3A_1909, %sign3A_1915 : i32
    %sign3A_1917 = arith.extui %sign3A_1916 : i1 to i32
    %sign3A_1918 = arith.subi %sign3A_1914, %sign3A_1917 : i32
    %sign3A_1919 = arith.constant 0 : i32
    %sign3A_1920 = arith.cmpi sgt, %jit3A_1910, %sign3A_1919 : i32
    %sign3A_1921 = arith.extui %sign3A_1920 : i1 to i32
    %sign3A_1922 = arith.constant 0 : i32
    %sign3A_1923 = arith.cmpi slt, %jit3A_1910, %sign3A_1922 : i32
    %sign3A_1924 = arith.extui %sign3A_1923 : i1 to i32
    %sign3A_1925 = arith.subi %sign3A_1921, %sign3A_1924 : i32
    %ne3A_1926 = arith.cmpi ne, %sign3A_1918, %sign3A_1925 : i32
    %rem3A_1927 = arith.remsi %get3A_1909, %jit3A_1910 : i32
    %ne3A_1928 = arith.constant 0 : i32
    %ne3A_1929 = arith.cmpi ne, %rem3A_1927, %ne3A_1928 : i32
    %and3A_1930 = arith.andi %ne3A_1926, %ne3A_1929 : i1
    %sub3A_1931 = arith.constant 1 : i32
    %sub3A_1932 = arith.subi %div3A_1911, %sub3A_1931 : i32
    %select_n3A_1933 = arith.select %and3A_1930, %sub3A_1932, %div3A_1911 : i32
    %mul3A_1934 = arith.constant 8 : i32
    %mul3A_1935 = arith.muli %select_n3A_1933, %mul3A_1934 : i32
    %multiple_of3A_1936 = tpu.assume_multiple %mul3A_1935, 8 : i32
    %dma_start3A_1937 = arith.constant 54 : i32
    %dma_start3A_1938 = arith.constant 0 : i32
    %dma_start3A_1939 = arith.constant 0 : i32
    %dma_start3A_1940 = tpu.memref_slice %arg11[%dma_start3A_1937, %dma_start3A_1938, %dma_start3A_1939] : memref<64x8x128xf32, #tpu.memory_space<vmem>> -> memref<1x8x128xf32, #tpu.memory_space<vmem>>
    %dma_start3A_1941 = tpu.memref_squeeze %dma_start3A_1940 : memref<1x8x128xf32, #tpu.memory_space<vmem>> -> memref<8x128xf32, #tpu.memory_space<vmem>>
    %dma_start3A_1942 = tpu.memref_slice %arg2[%multiple_of3A_1936, %multiple_of3A] : memref<10000x10000xf32, #tpu.memory_space<hbm>> -> memref<8x128xf32, #tpu.memory_space<hbm>>
    tpu.enqueue_dma source(%dma_start3A_1942 : memref<8x128xf32, #tpu.memory_space<hbm>>) target(%dma_start3A_1941 : memref<8x128xf32, #tpu.memory_space<vmem>>) target_semaphore(%arg12 : memref<!tpu.dma_semaphore, #tpu.memory_space<semaphore_mem>>)
    %get3A_1943 = arith.constant 55 : index
    %get3A_1944 = memref.load %arg0[%get3A_1943] : memref<64xi32, #tpu.memory_space<smem>>
    %jit3A_1945 = arith.constant 8 : i32
    %div3A_1946 = arith.divsi %get3A_1944, %jit3A_1945 : i32
    %sign3A_1947 = arith.constant 0 : i32
    %sign3A_1948 = arith.cmpi sgt, %get3A_1944, %sign3A_1947 : i32
    %sign3A_1949 = arith.extui %sign3A_1948 : i1 to i32
    %sign3A_1950 = arith.constant 0 : i32
    %sign3A_1951 = arith.cmpi slt, %get3A_1944, %sign3A_1950 : i32
    %sign3A_1952 = arith.extui %sign3A_1951 : i1 to i32
    %sign3A_1953 = arith.subi %sign3A_1949, %sign3A_1952 : i32
    %sign3A_1954 = arith.constant 0 : i32
    %sign3A_1955 = arith.cmpi sgt, %jit3A_1945, %sign3A_1954 : i32
    %sign3A_1956 = arith.extui %sign3A_1955 : i1 to i32
    %sign3A_1957 = arith.constant 0 : i32
    %sign3A_1958 = arith.cmpi slt, %jit3A_1945, %sign3A_1957 : i32
    %sign3A_1959 = arith.extui %sign3A_1958 : i1 to i32
    %sign3A_1960 = arith.subi %sign3A_1956, %sign3A_1959 : i32
    %ne3A_1961 = arith.cmpi ne, %sign3A_1953, %sign3A_1960 : i32
    %rem3A_1962 = arith.remsi %get3A_1944, %jit3A_1945 : i32
    %ne3A_1963 = arith.constant 0 : i32
    %ne3A_1964 = arith.cmpi ne, %rem3A_1962, %ne3A_1963 : i32
    %and3A_1965 = arith.andi %ne3A_1961, %ne3A_1964 : i1
    %sub3A_1966 = arith.constant 1 : i32
    %sub3A_1967 = arith.subi %div3A_1946, %sub3A_1966 : i32
    %select_n3A_1968 = arith.select %and3A_1965, %sub3A_1967, %div3A_1946 : i32
    %mul3A_1969 = arith.constant 8 : i32
    %mul3A_1970 = arith.muli %select_n3A_1968, %mul3A_1969 : i32
    %multiple_of3A_1971 = tpu.assume_multiple %mul3A_1970, 8 : i32
    %dma_start3A_1972 = arith.constant 55 : i32
    %dma_start3A_1973 = arith.constant 0 : i32
    %dma_start3A_1974 = arith.constant 0 : i32
    %dma_start3A_1975 = tpu.memref_slice %arg11[%dma_start3A_1972, %dma_start3A_1973, %dma_start3A_1974] : memref<64x8x128xf32, #tpu.memory_space<vmem>> -> memref<1x8x128xf32, #tpu.memory_space<vmem>>
    %dma_start3A_1976 = tpu.memref_squeeze %dma_start3A_1975 : memref<1x8x128xf32, #tpu.memory_space<vmem>> -> memref<8x128xf32, #tpu.memory_space<vmem>>
    %dma_start3A_1977 = tpu.memref_slice %arg2[%multiple_of3A_1971, %multiple_of3A] : memref<10000x10000xf32, #tpu.memory_space<hbm>> -> memref<8x128xf32, #tpu.memory_space<hbm>>
    tpu.enqueue_dma source(%dma_start3A_1977 : memref<8x128xf32, #tpu.memory_space<hbm>>) target(%dma_start3A_1976 : memref<8x128xf32, #tpu.memory_space<vmem>>) target_semaphore(%arg12 : memref<!tpu.dma_semaphore, #tpu.memory_space<semaphore_mem>>)
    %get3A_1978 = arith.constant 56 : index
    %get3A_1979 = memref.load %arg0[%get3A_1978] : memref<64xi32, #tpu.memory_space<smem>>
    %jit3A_1980 = arith.constant 8 : i32
    %div3A_1981 = arith.divsi %get3A_1979, %jit3A_1980 : i32
    %sign3A_1982 = arith.constant 0 : i32
    %sign3A_1983 = arith.cmpi sgt, %get3A_1979, %sign3A_1982 : i32
    %sign3A_1984 = arith.extui %sign3A_1983 : i1 to i32
    %sign3A_1985 = arith.constant 0 : i32
    %sign3A_1986 = arith.cmpi slt, %get3A_1979, %sign3A_1985 : i32
    %sign3A_1987 = arith.extui %sign3A_1986 : i1 to i32
    %sign3A_1988 = arith.subi %sign3A_1984, %sign3A_1987 : i32
    %sign3A_1989 = arith.constant 0 : i32
    %sign3A_1990 = arith.cmpi sgt, %jit3A_1980, %sign3A_1989 : i32
    %sign3A_1991 = arith.extui %sign3A_1990 : i1 to i32
    %sign3A_1992 = arith.constant 0 : i32
    %sign3A_1993 = arith.cmpi slt, %jit3A_1980, %sign3A_1992 : i32
    %sign3A_1994 = arith.extui %sign3A_1993 : i1 to i32
    %sign3A_1995 = arith.subi %sign3A_1991, %sign3A_1994 : i32
    %ne3A_1996 = arith.cmpi ne, %sign3A_1988, %sign3A_1995 : i32
    %rem3A_1997 = arith.remsi %get3A_1979, %jit3A_1980 : i32
    %ne3A_1998 = arith.constant 0 : i32
    %ne3A_1999 = arith.cmpi ne, %rem3A_1997, %ne3A_1998 : i32
    %and3A_2000 = arith.andi %ne3A_1996, %ne3A_1999 : i1
    %sub3A_2001 = arith.constant 1 : i32
    %sub3A_2002 = arith.subi %div3A_1981, %sub3A_2001 : i32
    %select_n3A_2003 = arith.select %and3A_2000, %sub3A_2002, %div3A_1981 : i32
    %mul3A_2004 = arith.constant 8 : i32
    %mul3A_2005 = arith.muli %select_n3A_2003, %mul3A_2004 : i32
    %multiple_of3A_2006 = tpu.assume_multiple %mul3A_2005, 8 : i32
    %dma_start3A_2007 = arith.constant 56 : i32
    %dma_start3A_2008 = arith.constant 0 : i32
    %dma_start3A_2009 = arith.constant 0 : i32
    %dma_start3A_2010 = tpu.memref_slice %arg11[%dma_start3A_2007, %dma_start3A_2008, %dma_start3A_2009] : memref<64x8x128xf32, #tpu.memory_space<vmem>> -> memref<1x8x128xf32, #tpu.memory_space<vmem>>
    %dma_start3A_2011 = tpu.memref_squeeze %dma_start3A_2010 : memref<1x8x128xf32, #tpu.memory_space<vmem>> -> memref<8x128xf32, #tpu.memory_space<vmem>>
    %dma_start3A_2012 = tpu.memref_slice %arg2[%multiple_of3A_2006, %multiple_of3A] : memref<10000x10000xf32, #tpu.memory_space<hbm>> -> memref<8x128xf32, #tpu.memory_space<hbm>>
    tpu.enqueue_dma source(%dma_start3A_2012 : memref<8x128xf32, #tpu.memory_space<hbm>>) target(%dma_start3A_2011 : memref<8x128xf32, #tpu.memory_space<vmem>>) target_semaphore(%arg12 : memref<!tpu.dma_semaphore, #tpu.memory_space<semaphore_mem>>)
    %get3A_2013 = arith.constant 57 : index
    %get3A_2014 = memref.load %arg0[%get3A_2013] : memref<64xi32, #tpu.memory_space<smem>>
    %jit3A_2015 = arith.constant 8 : i32
    %div3A_2016 = arith.divsi %get3A_2014, %jit3A_2015 : i32
    %sign3A_2017 = arith.constant 0 : i32
    %sign3A_2018 = arith.cmpi sgt, %get3A_2014, %sign3A_2017 : i32
    %sign3A_2019 = arith.extui %sign3A_2018 : i1 to i32
    %sign3A_2020 = arith.constant 0 : i32
    %sign3A_2021 = arith.cmpi slt, %get3A_2014, %sign3A_2020 : i32
    %sign3A_2022 = arith.extui %sign3A_2021 : i1 to i32
    %sign3A_2023 = arith.subi %sign3A_2019, %sign3A_2022 : i32
    %sign3A_2024 = arith.constant 0 : i32
    %sign3A_2025 = arith.cmpi sgt, %jit3A_2015, %sign3A_2024 : i32
    %sign3A_2026 = arith.extui %sign3A_2025 : i1 to i32
    %sign3A_2027 = arith.constant 0 : i32
    %sign3A_2028 = arith.cmpi slt, %jit3A_2015, %sign3A_2027 : i32
    %sign3A_2029 = arith.extui %sign3A_2028 : i1 to i32
    %sign3A_2030 = arith.subi %sign3A_2026, %sign3A_2029 : i32
    %ne3A_2031 = arith.cmpi ne, %sign3A_2023, %sign3A_2030 : i32
    %rem3A_2032 = arith.remsi %get3A_2014, %jit3A_2015 : i32
    %ne3A_2033 = arith.constant 0 : i32
    %ne3A_2034 = arith.cmpi ne, %rem3A_2032, %ne3A_2033 : i32
    %and3A_2035 = arith.andi %ne3A_2031, %ne3A_2034 : i1
    %sub3A_2036 = arith.constant 1 : i32
    %sub3A_2037 = arith.subi %div3A_2016, %sub3A_2036 : i32
    %select_n3A_2038 = arith.select %and3A_2035, %sub3A_2037, %div3A_2016 : i32
    %mul3A_2039 = arith.constant 8 : i32
    %mul3A_2040 = arith.muli %select_n3A_2038, %mul3A_2039 : i32
    %multiple_of3A_2041 = tpu.assume_multiple %mul3A_2040, 8 : i32
    %dma_start3A_2042 = arith.constant 57 : i32
    %dma_start3A_2043 = arith.constant 0 : i32
    %dma_start3A_2044 = arith.constant 0 : i32
    %dma_start3A_2045 = tpu.memref_slice %arg11[%dma_start3A_2042, %dma_start3A_2043, %dma_start3A_2044] : memref<64x8x128xf32, #tpu.memory_space<vmem>> -> memref<1x8x128xf32, #tpu.memory_space<vmem>>
    %dma_start3A_2046 = tpu.memref_squeeze %dma_start3A_2045 : memref<1x8x128xf32, #tpu.memory_space<vmem>> -> memref<8x128xf32, #tpu.memory_space<vmem>>
    %dma_start3A_2047 = tpu.memref_slice %arg2[%multiple_of3A_2041, %multiple_of3A] : memref<10000x10000xf32, #tpu.memory_space<hbm>> -> memref<8x128xf32, #tpu.memory_space<hbm>>
    tpu.enqueue_dma source(%dma_start3A_2047 : memref<8x128xf32, #tpu.memory_space<hbm>>) target(%dma_start3A_2046 : memref<8x128xf32, #tpu.memory_space<vmem>>) target_semaphore(%arg12 : memref<!tpu.dma_semaphore, #tpu.memory_space<semaphore_mem>>)
    %get3A_2048 = arith.constant 58 : index
    %get3A_2049 = memref.load %arg0[%get3A_2048] : memref<64xi32, #tpu.memory_space<smem>>
    %jit3A_2050 = arith.constant 8 : i32
    %div3A_2051 = arith.divsi %get3A_2049, %jit3A_2050 : i32
    %sign3A_2052 = arith.constant 0 : i32
    %sign3A_2053 = arith.cmpi sgt, %get3A_2049, %sign3A_2052 : i32
    %sign3A_2054 = arith.extui %sign3A_2053 : i1 to i32
    %sign3A_2055 = arith.constant 0 : i32
    %sign3A_2056 = arith.cmpi slt, %get3A_2049, %sign3A_2055 : i32
    %sign3A_2057 = arith.extui %sign3A_2056 : i1 to i32
    %sign3A_2058 = arith.subi %sign3A_2054, %sign3A_2057 : i32
    %sign3A_2059 = arith.constant 0 : i32
    %sign3A_2060 = arith.cmpi sgt, %jit3A_2050, %sign3A_2059 : i32
    %sign3A_2061 = arith.extui %sign3A_2060 : i1 to i32
    %sign3A_2062 = arith.constant 0 : i32
    %sign3A_2063 = arith.cmpi slt, %jit3A_2050, %sign3A_2062 : i32
    %sign3A_2064 = arith.extui %sign3A_2063 : i1 to i32
    %sign3A_2065 = arith.subi %sign3A_2061, %sign3A_2064 : i32
    %ne3A_2066 = arith.cmpi ne, %sign3A_2058, %sign3A_2065 : i32
    %rem3A_2067 = arith.remsi %get3A_2049, %jit3A_2050 : i32
    %ne3A_2068 = arith.constant 0 : i32
    %ne3A_2069 = arith.cmpi ne, %rem3A_2067, %ne3A_2068 : i32
    %and3A_2070 = arith.andi %ne3A_2066, %ne3A_2069 : i1
    %sub3A_2071 = arith.constant 1 : i32
    %sub3A_2072 = arith.subi %div3A_2051, %sub3A_2071 : i32
    %select_n3A_2073 = arith.select %and3A_2070, %sub3A_2072, %div3A_2051 : i32
    %mul3A_2074 = arith.constant 8 : i32
    %mul3A_2075 = arith.muli %select_n3A_2073, %mul3A_2074 : i32
    %multiple_of3A_2076 = tpu.assume_multiple %mul3A_2075, 8 : i32
    %dma_start3A_2077 = arith.constant 58 : i32
    %dma_start3A_2078 = arith.constant 0 : i32
    %dma_start3A_2079 = arith.constant 0 : i32
    %dma_start3A_2080 = tpu.memref_slice %arg11[%dma_start3A_2077, %dma_start3A_2078, %dma_start3A_2079] : memref<64x8x128xf32, #tpu.memory_space<vmem>> -> memref<1x8x128xf32, #tpu.memory_space<vmem>>
    %dma_start3A_2081 = tpu.memref_squeeze %dma_start3A_2080 : memref<1x8x128xf32, #tpu.memory_space<vmem>> -> memref<8x128xf32, #tpu.memory_space<vmem>>
    %dma_start3A_2082 = tpu.memref_slice %arg2[%multiple_of3A_2076, %multiple_of3A] : memref<10000x10000xf32, #tpu.memory_space<hbm>> -> memref<8x128xf32, #tpu.memory_space<hbm>>
    tpu.enqueue_dma source(%dma_start3A_2082 : memref<8x128xf32, #tpu.memory_space<hbm>>) target(%dma_start3A_2081 : memref<8x128xf32, #tpu.memory_space<vmem>>) target_semaphore(%arg12 : memref<!tpu.dma_semaphore, #tpu.memory_space<semaphore_mem>>)
    %get3A_2083 = arith.constant 59 : index
    %get3A_2084 = memref.load %arg0[%get3A_2083] : memref<64xi32, #tpu.memory_space<smem>>
    %jit3A_2085 = arith.constant 8 : i32
    %div3A_2086 = arith.divsi %get3A_2084, %jit3A_2085 : i32
    %sign3A_2087 = arith.constant 0 : i32
    %sign3A_2088 = arith.cmpi sgt, %get3A_2084, %sign3A_2087 : i32
    %sign3A_2089 = arith.extui %sign3A_2088 : i1 to i32
    %sign3A_2090 = arith.constant 0 : i32
    %sign3A_2091 = arith.cmpi slt, %get3A_2084, %sign3A_2090 : i32
    %sign3A_2092 = arith.extui %sign3A_2091 : i1 to i32
    %sign3A_2093 = arith.subi %sign3A_2089, %sign3A_2092 : i32
    %sign3A_2094 = arith.constant 0 : i32
    %sign3A_2095 = arith.cmpi sgt, %jit3A_2085, %sign3A_2094 : i32
    %sign3A_2096 = arith.extui %sign3A_2095 : i1 to i32
    %sign3A_2097 = arith.constant 0 : i32
    %sign3A_2098 = arith.cmpi slt, %jit3A_2085, %sign3A_2097 : i32
    %sign3A_2099 = arith.extui %sign3A_2098 : i1 to i32
    %sign3A_2100 = arith.subi %sign3A_2096, %sign3A_2099 : i32
    %ne3A_2101 = arith.cmpi ne, %sign3A_2093, %sign3A_2100 : i32
    %rem3A_2102 = arith.remsi %get3A_2084, %jit3A_2085 : i32
    %ne3A_2103 = arith.constant 0 : i32
    %ne3A_2104 = arith.cmpi ne, %rem3A_2102, %ne3A_2103 : i32
    %and3A_2105 = arith.andi %ne3A_2101, %ne3A_2104 : i1
    %sub3A_2106 = arith.constant 1 : i32
    %sub3A_2107 = arith.subi %div3A_2086, %sub3A_2106 : i32
    %select_n3A_2108 = arith.select %and3A_2105, %sub3A_2107, %div3A_2086 : i32
    %mul3A_2109 = arith.constant 8 : i32
    %mul3A_2110 = arith.muli %select_n3A_2108, %mul3A_2109 : i32
    %multiple_of3A_2111 = tpu.assume_multiple %mul3A_2110, 8 : i32
    %dma_start3A_2112 = arith.constant 59 : i32
    %dma_start3A_2113 = arith.constant 0 : i32
    %dma_start3A_2114 = arith.constant 0 : i32
    %dma_start3A_2115 = tpu.memref_slice %arg11[%dma_start3A_2112, %dma_start3A_2113, %dma_start3A_2114] : memref<64x8x128xf32, #tpu.memory_space<vmem>> -> memref<1x8x128xf32, #tpu.memory_space<vmem>>
    %dma_start3A_2116 = tpu.memref_squeeze %dma_start3A_2115 : memref<1x8x128xf32, #tpu.memory_space<vmem>> -> memref<8x128xf32, #tpu.memory_space<vmem>>
    %dma_start3A_2117 = tpu.memref_slice %arg2[%multiple_of3A_2111, %multiple_of3A] : memref<10000x10000xf32, #tpu.memory_space<hbm>> -> memref<8x128xf32, #tpu.memory_space<hbm>>
    tpu.enqueue_dma source(%dma_start3A_2117 : memref<8x128xf32, #tpu.memory_space<hbm>>) target(%dma_start3A_2116 : memref<8x128xf32, #tpu.memory_space<vmem>>) target_semaphore(%arg12 : memref<!tpu.dma_semaphore, #tpu.memory_space<semaphore_mem>>)
    %get3A_2118 = arith.constant 60 : index
    %get3A_2119 = memref.load %arg0[%get3A_2118] : memref<64xi32, #tpu.memory_space<smem>>
    %jit3A_2120 = arith.constant 8 : i32
    %div3A_2121 = arith.divsi %get3A_2119, %jit3A_2120 : i32
    %sign3A_2122 = arith.constant 0 : i32
    %sign3A_2123 = arith.cmpi sgt, %get3A_2119, %sign3A_2122 : i32
    %sign3A_2124 = arith.extui %sign3A_2123 : i1 to i32
    %sign3A_2125 = arith.constant 0 : i32
    %sign3A_2126 = arith.cmpi slt, %get3A_2119, %sign3A_2125 : i32
    %sign3A_2127 = arith.extui %sign3A_2126 : i1 to i32
    %sign3A_2128 = arith.subi %sign3A_2124, %sign3A_2127 : i32
    %sign3A_2129 = arith.constant 0 : i32
    %sign3A_2130 = arith.cmpi sgt, %jit3A_2120, %sign3A_2129 : i32
    %sign3A_2131 = arith.extui %sign3A_2130 : i1 to i32
    %sign3A_2132 = arith.constant 0 : i32
    %sign3A_2133 = arith.cmpi slt, %jit3A_2120, %sign3A_2132 : i32
    %sign3A_2134 = arith.extui %sign3A_2133 : i1 to i32
    %sign3A_2135 = arith.subi %sign3A_2131, %sign3A_2134 : i32
    %ne3A_2136 = arith.cmpi ne, %sign3A_2128, %sign3A_2135 : i32
    %rem3A_2137 = arith.remsi %get3A_2119, %jit3A_2120 : i32
    %ne3A_2138 = arith.constant 0 : i32
    %ne3A_2139 = arith.cmpi ne, %rem3A_2137, %ne3A_2138 : i32
    %and3A_2140 = arith.andi %ne3A_2136, %ne3A_2139 : i1
    %sub3A_2141 = arith.constant 1 : i32
    %sub3A_2142 = arith.subi %div3A_2121, %sub3A_2141 : i32
    %select_n3A_2143 = arith.select %and3A_2140, %sub3A_2142, %div3A_2121 : i32
    %mul3A_2144 = arith.constant 8 : i32
    %mul3A_2145 = arith.muli %select_n3A_2143, %mul3A_2144 : i32
    %multiple_of3A_2146 = tpu.assume_multiple %mul3A_2145, 8 : i32
    %dma_start3A_2147 = arith.constant 60 : i32
    %dma_start3A_2148 = arith.constant 0 : i32
    %dma_start3A_2149 = arith.constant 0 : i32
    %dma_start3A_2150 = tpu.memref_slice %arg11[%dma_start3A_2147, %dma_start3A_2148, %dma_start3A_2149] : memref<64x8x128xf32, #tpu.memory_space<vmem>> -> memref<1x8x128xf32, #tpu.memory_space<vmem>>
    %dma_start3A_2151 = tpu.memref_squeeze %dma_start3A_2150 : memref<1x8x128xf32, #tpu.memory_space<vmem>> -> memref<8x128xf32, #tpu.memory_space<vmem>>
    %dma_start3A_2152 = tpu.memref_slice %arg2[%multiple_of3A_2146, %multiple_of3A] : memref<10000x10000xf32, #tpu.memory_space<hbm>> -> memref<8x128xf32, #tpu.memory_space<hbm>>
    tpu.enqueue_dma source(%dma_start3A_2152 : memref<8x128xf32, #tpu.memory_space<hbm>>) target(%dma_start3A_2151 : memref<8x128xf32, #tpu.memory_space<vmem>>) target_semaphore(%arg12 : memref<!tpu.dma_semaphore, #tpu.memory_space<semaphore_mem>>)
    %get3A_2153 = arith.constant 61 : index
    %get3A_2154 = memref.load %arg0[%get3A_2153] : memref<64xi32, #tpu.memory_space<smem>>
    %jit3A_2155 = arith.constant 8 : i32
    %div3A_2156 = arith.divsi %get3A_2154, %jit3A_2155 : i32
    %sign3A_2157 = arith.constant 0 : i32
    %sign3A_2158 = arith.cmpi sgt, %get3A_2154, %sign3A_2157 : i32
    %sign3A_2159 = arith.extui %sign3A_2158 : i1 to i32
    %sign3A_2160 = arith.constant 0 : i32
    %sign3A_2161 = arith.cmpi slt, %get3A_2154, %sign3A_2160 : i32
    %sign3A_2162 = arith.extui %sign3A_2161 : i1 to i32
    %sign3A_2163 = arith.subi %sign3A_2159, %sign3A_2162 : i32
    %sign3A_2164 = arith.constant 0 : i32
    %sign3A_2165 = arith.cmpi sgt, %jit3A_2155, %sign3A_2164 : i32
    %sign3A_2166 = arith.extui %sign3A_2165 : i1 to i32
    %sign3A_2167 = arith.constant 0 : i32
    %sign3A_2168 = arith.cmpi slt, %jit3A_2155, %sign3A_2167 : i32
    %sign3A_2169 = arith.extui %sign3A_2168 : i1 to i32
    %sign3A_2170 = arith.subi %sign3A_2166, %sign3A_2169 : i32
    %ne3A_2171 = arith.cmpi ne, %sign3A_2163, %sign3A_2170 : i32
    %rem3A_2172 = arith.remsi %get3A_2154, %jit3A_2155 : i32
    %ne3A_2173 = arith.constant 0 : i32
    %ne3A_2174 = arith.cmpi ne, %rem3A_2172, %ne3A_2173 : i32
    %and3A_2175 = arith.andi %ne3A_2171, %ne3A_2174 : i1
    %sub3A_2176 = arith.constant 1 : i32
    %sub3A_2177 = arith.subi %div3A_2156, %sub3A_2176 : i32
    %select_n3A_2178 = arith.select %and3A_2175, %sub3A_2177, %div3A_2156 : i32
    %mul3A_2179 = arith.constant 8 : i32
    %mul3A_2180 = arith.muli %select_n3A_2178, %mul3A_2179 : i32
    %multiple_of3A_2181 = tpu.assume_multiple %mul3A_2180, 8 : i32
    %dma_start3A_2182 = arith.constant 61 : i32
    %dma_start3A_2183 = arith.constant 0 : i32
    %dma_start3A_2184 = arith.constant 0 : i32
    %dma_start3A_2185 = tpu.memref_slice %arg11[%dma_start3A_2182, %dma_start3A_2183, %dma_start3A_2184] : memref<64x8x128xf32, #tpu.memory_space<vmem>> -> memref<1x8x128xf32, #tpu.memory_space<vmem>>
    %dma_start3A_2186 = tpu.memref_squeeze %dma_start3A_2185 : memref<1x8x128xf32, #tpu.memory_space<vmem>> -> memref<8x128xf32, #tpu.memory_space<vmem>>
    %dma_start3A_2187 = tpu.memref_slice %arg2[%multiple_of3A_2181, %multiple_of3A] : memref<10000x10000xf32, #tpu.memory_space<hbm>> -> memref<8x128xf32, #tpu.memory_space<hbm>>
    tpu.enqueue_dma source(%dma_start3A_2187 : memref<8x128xf32, #tpu.memory_space<hbm>>) target(%dma_start3A_2186 : memref<8x128xf32, #tpu.memory_space<vmem>>) target_semaphore(%arg12 : memref<!tpu.dma_semaphore, #tpu.memory_space<semaphore_mem>>)
    %get3A_2188 = arith.constant 62 : index
    %get3A_2189 = memref.load %arg0[%get3A_2188] : memref<64xi32, #tpu.memory_space<smem>>
    %jit3A_2190 = arith.constant 8 : i32
    %div3A_2191 = arith.divsi %get3A_2189, %jit3A_2190 : i32
    %sign3A_2192 = arith.constant 0 : i32
    %sign3A_2193 = arith.cmpi sgt, %get3A_2189, %sign3A_2192 : i32
    %sign3A_2194 = arith.extui %sign3A_2193 : i1 to i32
    %sign3A_2195 = arith.constant 0 : i32
    %sign3A_2196 = arith.cmpi slt, %get3A_2189, %sign3A_2195 : i32
    %sign3A_2197 = arith.extui %sign3A_2196 : i1 to i32
    %sign3A_2198 = arith.subi %sign3A_2194, %sign3A_2197 : i32
    %sign3A_2199 = arith.constant 0 : i32
    %sign3A_2200 = arith.cmpi sgt, %jit3A_2190, %sign3A_2199 : i32
    %sign3A_2201 = arith.extui %sign3A_2200 : i1 to i32
    %sign3A_2202 = arith.constant 0 : i32
    %sign3A_2203 = arith.cmpi slt, %jit3A_2190, %sign3A_2202 : i32
    %sign3A_2204 = arith.extui %sign3A_2203 : i1 to i32
    %sign3A_2205 = arith.subi %sign3A_2201, %sign3A_2204 : i32
    %ne3A_2206 = arith.cmpi ne, %sign3A_2198, %sign3A_2205 : i32
    %rem3A_2207 = arith.remsi %get3A_2189, %jit3A_2190 : i32
    %ne3A_2208 = arith.constant 0 : i32
    %ne3A_2209 = arith.cmpi ne, %rem3A_2207, %ne3A_2208 : i32
    %and3A_2210 = arith.andi %ne3A_2206, %ne3A_2209 : i1
    %sub3A_2211 = arith.constant 1 : i32
    %sub3A_2212 = arith.subi %div3A_2191, %sub3A_2211 : i32
    %select_n3A_2213 = arith.select %and3A_2210, %sub3A_2212, %div3A_2191 : i32
    %mul3A_2214 = arith.constant 8 : i32
    %mul3A_2215 = arith.muli %select_n3A_2213, %mul3A_2214 : i32
    %multiple_of3A_2216 = tpu.assume_multiple %mul3A_2215, 8 : i32
    %dma_start3A_2217 = arith.constant 62 : i32
    %dma_start3A_2218 = arith.constant 0 : i32
    %dma_start3A_2219 = arith.constant 0 : i32
    %dma_start3A_2220 = tpu.memref_slice %arg11[%dma_start3A_2217, %dma_start3A_2218, %dma_start3A_2219] : memref<64x8x128xf32, #tpu.memory_space<vmem>> -> memref<1x8x128xf32, #tpu.memory_space<vmem>>
    %dma_start3A_2221 = tpu.memref_squeeze %dma_start3A_2220 : memref<1x8x128xf32, #tpu.memory_space<vmem>> -> memref<8x128xf32, #tpu.memory_space<vmem>>
    %dma_start3A_2222 = tpu.memref_slice %arg2[%multiple_of3A_2216, %multiple_of3A] : memref<10000x10000xf32, #tpu.memory_space<hbm>> -> memref<8x128xf32, #tpu.memory_space<hbm>>
    tpu.enqueue_dma source(%dma_start3A_2222 : memref<8x128xf32, #tpu.memory_space<hbm>>) target(%dma_start3A_2221 : memref<8x128xf32, #tpu.memory_space<vmem>>) target_semaphore(%arg12 : memref<!tpu.dma_semaphore, #tpu.memory_space<semaphore_mem>>)
    %get3A_2223 = arith.constant 63 : index
    %get3A_2224 = memref.load %arg0[%get3A_2223] : memref<64xi32, #tpu.memory_space<smem>>
    %jit3A_2225 = arith.constant 8 : i32
    %div3A_2226 = arith.divsi %get3A_2224, %jit3A_2225 : i32
    %sign3A_2227 = arith.constant 0 : i32
    %sign3A_2228 = arith.cmpi sgt, %get3A_2224, %sign3A_2227 : i32
    %sign3A_2229 = arith.extui %sign3A_2228 : i1 to i32
    %sign3A_2230 = arith.constant 0 : i32
    %sign3A_2231 = arith.cmpi slt, %get3A_2224, %sign3A_2230 : i32
    %sign3A_2232 = arith.extui %sign3A_2231 : i1 to i32
    %sign3A_2233 = arith.subi %sign3A_2229, %sign3A_2232 : i32
    %sign3A_2234 = arith.constant 0 : i32
    %sign3A_2235 = arith.cmpi sgt, %jit3A_2225, %sign3A_2234 : i32
    %sign3A_2236 = arith.extui %sign3A_2235 : i1 to i32
    %sign3A_2237 = arith.constant 0 : i32
    %sign3A_2238 = arith.cmpi slt, %jit3A_2225, %sign3A_2237 : i32
    %sign3A_2239 = arith.extui %sign3A_2238 : i1 to i32
    %sign3A_2240 = arith.subi %sign3A_2236, %sign3A_2239 : i32
    %ne3A_2241 = arith.cmpi ne, %sign3A_2233, %sign3A_2240 : i32
    %rem3A_2242 = arith.remsi %get3A_2224, %jit3A_2225 : i32
    %ne3A_2243 = arith.constant 0 : i32
    %ne3A_2244 = arith.cmpi ne, %rem3A_2242, %ne3A_2243 : i32
    %and3A_2245 = arith.andi %ne3A_2241, %ne3A_2244 : i1
    %sub3A_2246 = arith.constant 1 : i32
    %sub3A_2247 = arith.subi %div3A_2226, %sub3A_2246 : i32
    %select_n3A_2248 = arith.select %and3A_2245, %sub3A_2247, %div3A_2226 : i32
    %mul3A_2249 = arith.constant 8 : i32
    %mul3A_2250 = arith.muli %select_n3A_2248, %mul3A_2249 : i32
    %multiple_of3A_2251 = tpu.assume_multiple %mul3A_2250, 8 : i32
    %dma_start3A_2252 = arith.constant 63 : i32
    %dma_start3A_2253 = arith.constant 0 : i32
    %dma_start3A_2254 = arith.constant 0 : i32
    %dma_start3A_2255 = tpu.memref_slice %arg11[%dma_start3A_2252, %dma_start3A_2253, %dma_start3A_2254] : memref<64x8x128xf32, #tpu.memory_space<vmem>> -> memref<1x8x128xf32, #tpu.memory_space<vmem>>
    %dma_start3A_2256 = tpu.memref_squeeze %dma_start3A_2255 : memref<1x8x128xf32, #tpu.memory_space<vmem>> -> memref<8x128xf32, #tpu.memory_space<vmem>>
    %dma_start3A_2257 = tpu.memref_slice %arg2[%multiple_of3A_2251, %multiple_of3A] : memref<10000x10000xf32, #tpu.memory_space<hbm>> -> memref<8x128xf32, #tpu.memory_space<hbm>>
    tpu.enqueue_dma source(%dma_start3A_2257 : memref<8x128xf32, #tpu.memory_space<hbm>>) target(%dma_start3A_2256 : memref<8x128xf32, #tpu.memory_space<vmem>>) target_semaphore(%arg12 : memref<!tpu.dma_semaphore, #tpu.memory_space<semaphore_mem>>)
    %get3A_2258 = arith.constant 0 : index
    %get3A_2259 = arith.constant 0 : index
    %get3A_2260 = vector.load %arg6[%get3A_2258, %get3A_2259] : memref<128x256xf32, #tpu.memory_space<vmem>>, vector<128x256xf32>
    %get3A_2261 = arith.constant 0 : index
    %get3A_2262 = vector.load %arg7[%get3A_2261] : memref<256xf32, #tpu.memory_space<vmem>>, vector<256xf32>
    %get3A_2263 = arith.constant 0 : index
    %get3A_2264 = arith.constant 0 : index
    %get3A_2265 = vector.load %arg4[%get3A_2263, %get3A_2264] : memref<256x128xf32, #tpu.memory_space<vmem>>, vector<64x128xf32>
    %dot_general3A = arith.constant dense<0.000000e+00> : vector<64x256xf32>
    %dot_general3A_2266 = tpu.matmul %get3A_2265, %get3A_2260, %dot_general3A {dimension_numbers = #tpu.dot_dimension_numbers<[1], [0], [0], [1], [0, 0, 1, 1], [], []>, precision = #tpu.contract_precision<fp32>, transpose_lhs_hint = false} : vector<64x128xf32>, vector<128x256xf32>, vector<64x256xf32> -> vector<64x256xf32>
    %broadcast_in_dim3A = vector.shape_cast %get3A_2262 : vector<256xf32> to vector<1x256xf32>
    %add3A = vector.broadcast %broadcast_in_dim3A : vector<1x256xf32> to vector<64x256xf32>
    %add3A_2267 = arith.addf %dot_general3A_2266, %add3A : vector<64x256xf32>
    %ge3A = arith.constant 0.000000e+00 : f32
    %ge3A_2268 = vector.broadcast %ge3A : f32 to vector<64x256xf32>
    %ge3A_2269 = arith.cmpf oge, %add3A_2267, %ge3A_2268 : vector<64x256xf32>
    %mul3A_2270 = arith.constant 3.000000e-01 : f32
    %mul3A_2271 = vector.broadcast %mul3A_2270 : f32 to vector<64x256xf32>
    %mul3A_2272 = arith.mulf %mul3A_2271, %add3A_2267 : vector<64x256xf32>
    %select_n3A_2273 = arith.select %ge3A_2269, %add3A_2267, %mul3A_2272 : vector<64x256xi1>, vector<64x256xf32>
    %get3A_2274 = arith.constant 64 : index
    %get3A_2275 = arith.constant 0 : index
    %get3A_2276 = vector.load %arg4[%get3A_2274, %get3A_2275] : memref<256x128xf32, #tpu.memory_space<vmem>>, vector<64x128xf32>
    %dot_general3A_2277 = arith.constant dense<0.000000e+00> : vector<64x256xf32>
    %dot_general3A_2278 = tpu.matmul %get3A_2276, %get3A_2260, %dot_general3A_2277 {dimension_numbers = #tpu.dot_dimension_numbers<[1], [0], [0], [1], [0, 0, 1, 1], [], []>, precision = #tpu.contract_precision<fp32>, transpose_lhs_hint = false} : vector<64x128xf32>, vector<128x256xf32>, vector<64x256xf32> -> vector<64x256xf32>
    %broadcast_in_dim3A_2279 = vector.shape_cast %get3A_2262 : vector<256xf32> to vector<1x256xf32>
    %add3A_2280 = vector.broadcast %broadcast_in_dim3A_2279 : vector<1x256xf32> to vector<64x256xf32>
    %add3A_2281 = arith.addf %dot_general3A_2278, %add3A_2280 : vector<64x256xf32>
    %ge3A_2282 = arith.constant 0.000000e+00 : f32
    %ge3A_2283 = vector.broadcast %ge3A_2282 : f32 to vector<64x256xf32>
    %ge3A_2284 = arith.cmpf oge, %add3A_2281, %ge3A_2283 : vector<64x256xf32>
    %mul3A_2285 = arith.constant 3.000000e-01 : f32
    %mul3A_2286 = vector.broadcast %mul3A_2285 : f32 to vector<64x256xf32>
    %mul3A_2287 = arith.mulf %mul3A_2286, %add3A_2281 : vector<64x256xf32>
    %select_n3A_2288 = arith.select %ge3A_2284, %add3A_2281, %mul3A_2287 : vector<64x256xi1>, vector<64x256xf32>
    %get3A_2289 = arith.constant 128 : index
    %get3A_2290 = arith.constant 0 : index
    %get3A_2291 = vector.load %arg4[%get3A_2289, %get3A_2290] : memref<256x128xf32, #tpu.memory_space<vmem>>, vector<64x128xf32>
    %dot_general3A_2292 = arith.constant dense<0.000000e+00> : vector<64x256xf32>
    %dot_general3A_2293 = tpu.matmul %get3A_2291, %get3A_2260, %dot_general3A_2292 {dimension_numbers = #tpu.dot_dimension_numbers<[1], [0], [0], [1], [0, 0, 1, 1], [], []>, precision = #tpu.contract_precision<fp32>, transpose_lhs_hint = false} : vector<64x128xf32>, vector<128x256xf32>, vector<64x256xf32> -> vector<64x256xf32>
    %broadcast_in_dim3A_2294 = vector.shape_cast %get3A_2262 : vector<256xf32> to vector<1x256xf32>
    %add3A_2295 = vector.broadcast %broadcast_in_dim3A_2294 : vector<1x256xf32> to vector<64x256xf32>
    %add3A_2296 = arith.addf %dot_general3A_2293, %add3A_2295 : vector<64x256xf32>
    %ge3A_2297 = arith.constant 0.000000e+00 : f32
    %ge3A_2298 = vector.broadcast %ge3A_2297 : f32 to vector<64x256xf32>
    %ge3A_2299 = arith.cmpf oge, %add3A_2296, %ge3A_2298 : vector<64x256xf32>
    %mul3A_2300 = arith.constant 3.000000e-01 : f32
    %mul3A_2301 = vector.broadcast %mul3A_2300 : f32 to vector<64x256xf32>
    %mul3A_2302 = arith.mulf %mul3A_2301, %add3A_2296 : vector<64x256xf32>
    %select_n3A_2303 = arith.select %ge3A_2299, %add3A_2296, %mul3A_2302 : vector<64x256xi1>, vector<64x256xf32>
    %get3A_2304 = arith.constant 192 : index
    %get3A_2305 = arith.constant 0 : index
    %get3A_2306 = vector.load %arg4[%get3A_2304, %get3A_2305] : memref<256x128xf32, #tpu.memory_space<vmem>>, vector<64x128xf32>
    %dot_general3A_2307 = arith.constant dense<0.000000e+00> : vector<64x256xf32>
    %dot_general3A_2308 = tpu.matmul %get3A_2306, %get3A_2260, %dot_general3A_2307 {dimension_numbers = #tpu.dot_dimension_numbers<[1], [0], [0], [1], [0, 0, 1, 1], [], []>, precision = #tpu.contract_precision<fp32>, transpose_lhs_hint = false} : vector<64x128xf32>, vector<128x256xf32>, vector<64x256xf32> -> vector<64x256xf32>
    %broadcast_in_dim3A_2309 = vector.shape_cast %get3A_2262 : vector<256xf32> to vector<1x256xf32>
    %add3A_2310 = vector.broadcast %broadcast_in_dim3A_2309 : vector<1x256xf32> to vector<64x256xf32>
    %add3A_2311 = arith.addf %dot_general3A_2308, %add3A_2310 : vector<64x256xf32>
    %ge3A_2312 = arith.constant 0.000000e+00 : f32
    %ge3A_2313 = vector.broadcast %ge3A_2312 : f32 to vector<64x256xf32>
    %ge3A_2314 = arith.cmpf oge, %add3A_2311, %ge3A_2313 : vector<64x256xf32>
    %mul3A_2315 = arith.constant 3.000000e-01 : f32
    %mul3A_2316 = vector.broadcast %mul3A_2315 : f32 to vector<64x256xf32>
    %mul3A_2317 = arith.mulf %mul3A_2316, %add3A_2311 : vector<64x256xf32>
    %select_n3A_2318 = arith.select %ge3A_2314, %add3A_2311, %mul3A_2317 : vector<64x256xi1>, vector<64x256xf32>
    %dma_wait3A = arith.constant 0 : i32
    %dma_wait3A_2319 = arith.constant 0 : i32
    %dma_wait3A_2320 = arith.constant 0 : i32
    %dma_wait3A_2321 = tpu.memref_slice %arg11[%dma_wait3A, %dma_wait3A_2319, %dma_wait3A_2320] : memref<64x8x128xf32, #tpu.memory_space<vmem>> -> memref<1x8x128xf32, #tpu.memory_space<vmem>>
    %dma_wait3A_2322 = tpu.memref_squeeze %dma_wait3A_2321 : memref<1x8x128xf32, #tpu.memory_space<vmem>> -> memref<8x128xf32, #tpu.memory_space<vmem>>
    %dma_wait3A_2323 = arith.constant 0 : i32
    %dma_wait3A_2324 = tpu.memref_slice %arg2[%dma_wait3A_2323, %multiple_of3A] : memref<10000x10000xf32, #tpu.memory_space<hbm>> -> memref<8x128xf32, #tpu.memory_space<hbm>>
    tpu.wait_dma2 semaphore(%arg12 : memref<!tpu.dma_semaphore, #tpu.memory_space<semaphore_mem>>) src(%dma_wait3A_2324 : memref<8x128xf32, #tpu.memory_space<hbm>>) dst(%dma_wait3A_2322 : memref<8x128xf32, #tpu.memory_space<vmem>>)
    %dma_wait3A_2325 = arith.constant 1 : i32
    %dma_wait3A_2326 = arith.constant 0 : i32
    %dma_wait3A_2327 = arith.constant 0 : i32
    %dma_wait3A_2328 = tpu.memref_slice %arg11[%dma_wait3A_2325, %dma_wait3A_2326, %dma_wait3A_2327] : memref<64x8x128xf32, #tpu.memory_space<vmem>> -> memref<1x8x128xf32, #tpu.memory_space<vmem>>
    %dma_wait3A_2329 = tpu.memref_squeeze %dma_wait3A_2328 : memref<1x8x128xf32, #tpu.memory_space<vmem>> -> memref<8x128xf32, #tpu.memory_space<vmem>>
    %dma_wait3A_2330 = arith.constant 0 : i32
    %dma_wait3A_2331 = tpu.memref_slice %arg2[%dma_wait3A_2330, %multiple_of3A] : memref<10000x10000xf32, #tpu.memory_space<hbm>> -> memref<8x128xf32, #tpu.memory_space<hbm>>
    tpu.wait_dma2 semaphore(%arg12 : memref<!tpu.dma_semaphore, #tpu.memory_space<semaphore_mem>>) src(%dma_wait3A_2331 : memref<8x128xf32, #tpu.memory_space<hbm>>) dst(%dma_wait3A_2329 : memref<8x128xf32, #tpu.memory_space<vmem>>)
    %dma_wait3A_2332 = arith.constant 2 : i32
    %dma_wait3A_2333 = arith.constant 0 : i32
    %dma_wait3A_2334 = arith.constant 0 : i32
    %dma_wait3A_2335 = tpu.memref_slice %arg11[%dma_wait3A_2332, %dma_wait3A_2333, %dma_wait3A_2334] : memref<64x8x128xf32, #tpu.memory_space<vmem>> -> memref<1x8x128xf32, #tpu.memory_space<vmem>>
    %dma_wait3A_2336 = tpu.memref_squeeze %dma_wait3A_2335 : memref<1x8x128xf32, #tpu.memory_space<vmem>> -> memref<8x128xf32, #tpu.memory_space<vmem>>
    %dma_wait3A_2337 = arith.constant 0 : i32
    %dma_wait3A_2338 = tpu.memref_slice %arg2[%dma_wait3A_2337, %multiple_of3A] : memref<10000x10000xf32, #tpu.memory_space<hbm>> -> memref<8x128xf32, #tpu.memory_space<hbm>>
    tpu.wait_dma2 semaphore(%arg12 : memref<!tpu.dma_semaphore, #tpu.memory_space<semaphore_mem>>) src(%dma_wait3A_2338 : memref<8x128xf32, #tpu.memory_space<hbm>>) dst(%dma_wait3A_2336 : memref<8x128xf32, #tpu.memory_space<vmem>>)
    %dma_wait3A_2339 = arith.constant 3 : i32
    %dma_wait3A_2340 = arith.constant 0 : i32
    %dma_wait3A_2341 = arith.constant 0 : i32
    %dma_wait3A_2342 = tpu.memref_slice %arg11[%dma_wait3A_2339, %dma_wait3A_2340, %dma_wait3A_2341] : memref<64x8x128xf32, #tpu.memory_space<vmem>> -> memref<1x8x128xf32, #tpu.memory_space<vmem>>
    %dma_wait3A_2343 = tpu.memref_squeeze %dma_wait3A_2342 : memref<1x8x128xf32, #tpu.memory_space<vmem>> -> memref<8x128xf32, #tpu.memory_space<vmem>>
    %dma_wait3A_2344 = arith.constant 0 : i32
    %dma_wait3A_2345 = tpu.memref_slice %arg2[%dma_wait3A_2344, %multiple_of3A] : memref<10000x10000xf32, #tpu.memory_space<hbm>> -> memref<8x128xf32, #tpu.memory_space<hbm>>
    tpu.wait_dma2 semaphore(%arg12 : memref<!tpu.dma_semaphore, #tpu.memory_space<semaphore_mem>>) src(%dma_wait3A_2345 : memref<8x128xf32, #tpu.memory_space<hbm>>) dst(%dma_wait3A_2343 : memref<8x128xf32, #tpu.memory_space<vmem>>)
    %dma_wait3A_2346 = arith.constant 4 : i32
    %dma_wait3A_2347 = arith.constant 0 : i32
    %dma_wait3A_2348 = arith.constant 0 : i32
    %dma_wait3A_2349 = tpu.memref_slice %arg11[%dma_wait3A_2346, %dma_wait3A_2347, %dma_wait3A_2348] : memref<64x8x128xf32, #tpu.memory_space<vmem>> -> memref<1x8x128xf32, #tpu.memory_space<vmem>>
    %dma_wait3A_2350 = tpu.memref_squeeze %dma_wait3A_2349 : memref<1x8x128xf32, #tpu.memory_space<vmem>> -> memref<8x128xf32, #tpu.memory_space<vmem>>
    %dma_wait3A_2351 = arith.constant 0 : i32
    %dma_wait3A_2352 = tpu.memref_slice %arg2[%dma_wait3A_2351, %multiple_of3A] : memref<10000x10000xf32, #tpu.memory_space<hbm>> -> memref<8x128xf32, #tpu.memory_space<hbm>>
    tpu.wait_dma2 semaphore(%arg12 : memref<!tpu.dma_semaphore, #tpu.memory_space<semaphore_mem>>) src(%dma_wait3A_2352 : memref<8x128xf32, #tpu.memory_space<hbm>>) dst(%dma_wait3A_2350 : memref<8x128xf32, #tpu.memory_space<vmem>>)
    %dma_wait3A_2353 = arith.constant 5 : i32
    %dma_wait3A_2354 = arith.constant 0 : i32
    %dma_wait3A_2355 = arith.constant 0 : i32
    %dma_wait3A_2356 = tpu.memref_slice %arg11[%dma_wait3A_2353, %dma_wait3A_2354, %dma_wait3A_2355] : memref<64x8x128xf32, #tpu.memory_space<vmem>> -> memref<1x8x128xf32, #tpu.memory_space<vmem>>
    %dma_wait3A_2357 = tpu.memref_squeeze %dma_wait3A_2356 : memref<1x8x128xf32, #tpu.memory_space<vmem>> -> memref<8x128xf32, #tpu.memory_space<vmem>>
    %dma_wait3A_2358 = arith.constant 0 : i32
    %dma_wait3A_2359 = tpu.memref_slice %arg2[%dma_wait3A_2358, %multiple_of3A] : memref<10000x10000xf32, #tpu.memory_space<hbm>> -> memref<8x128xf32, #tpu.memory_space<hbm>>
    tpu.wait_dma2 semaphore(%arg12 : memref<!tpu.dma_semaphore, #tpu.memory_space<semaphore_mem>>) src(%dma_wait3A_2359 : memref<8x128xf32, #tpu.memory_space<hbm>>) dst(%dma_wait3A_2357 : memref<8x128xf32, #tpu.memory_space<vmem>>)
    %dma_wait3A_2360 = arith.constant 6 : i32
    %dma_wait3A_2361 = arith.constant 0 : i32
    %dma_wait3A_2362 = arith.constant 0 : i32
    %dma_wait3A_2363 = tpu.memref_slice %arg11[%dma_wait3A_2360, %dma_wait3A_2361, %dma_wait3A_2362] : memref<64x8x128xf32, #tpu.memory_space<vmem>> -> memref<1x8x128xf32, #tpu.memory_space<vmem>>
    %dma_wait3A_2364 = tpu.memref_squeeze %dma_wait3A_2363 : memref<1x8x128xf32, #tpu.memory_space<vmem>> -> memref<8x128xf32, #tpu.memory_space<vmem>>
    %dma_wait3A_2365 = arith.constant 0 : i32
    %dma_wait3A_2366 = tpu.memref_slice %arg2[%dma_wait3A_2365, %multiple_of3A] : memref<10000x10000xf32, #tpu.memory_space<hbm>> -> memref<8x128xf32, #tpu.memory_space<hbm>>
    tpu.wait_dma2 semaphore(%arg12 : memref<!tpu.dma_semaphore, #tpu.memory_space<semaphore_mem>>) src(%dma_wait3A_2366 : memref<8x128xf32, #tpu.memory_space<hbm>>) dst(%dma_wait3A_2364 : memref<8x128xf32, #tpu.memory_space<vmem>>)
    %dma_wait3A_2367 = arith.constant 7 : i32
    %dma_wait3A_2368 = arith.constant 0 : i32
    %dma_wait3A_2369 = arith.constant 0 : i32
    %dma_wait3A_2370 = tpu.memref_slice %arg11[%dma_wait3A_2367, %dma_wait3A_2368, %dma_wait3A_2369] : memref<64x8x128xf32, #tpu.memory_space<vmem>> -> memref<1x8x128xf32, #tpu.memory_space<vmem>>
    %dma_wait3A_2371 = tpu.memref_squeeze %dma_wait3A_2370 : memref<1x8x128xf32, #tpu.memory_space<vmem>> -> memref<8x128xf32, #tpu.memory_space<vmem>>
    %dma_wait3A_2372 = arith.constant 0 : i32
    %dma_wait3A_2373 = tpu.memref_slice %arg2[%dma_wait3A_2372, %multiple_of3A] : memref<10000x10000xf32, #tpu.memory_space<hbm>> -> memref<8x128xf32, #tpu.memory_space<hbm>>
    tpu.wait_dma2 semaphore(%arg12 : memref<!tpu.dma_semaphore, #tpu.memory_space<semaphore_mem>>) src(%dma_wait3A_2373 : memref<8x128xf32, #tpu.memory_space<hbm>>) dst(%dma_wait3A_2371 : memref<8x128xf32, #tpu.memory_space<vmem>>)
    %dma_wait3A_2374 = arith.constant 8 : i32
    %dma_wait3A_2375 = arith.constant 0 : i32
    %dma_wait3A_2376 = arith.constant 0 : i32
    %dma_wait3A_2377 = tpu.memref_slice %arg11[%dma_wait3A_2374, %dma_wait3A_2375, %dma_wait3A_2376] : memref<64x8x128xf32, #tpu.memory_space<vmem>> -> memref<1x8x128xf32, #tpu.memory_space<vmem>>
    %dma_wait3A_2378 = tpu.memref_squeeze %dma_wait3A_2377 : memref<1x8x128xf32, #tpu.memory_space<vmem>> -> memref<8x128xf32, #tpu.memory_space<vmem>>
    %dma_wait3A_2379 = arith.constant 0 : i32
    %dma_wait3A_2380 = tpu.memref_slice %arg2[%dma_wait3A_2379, %multiple_of3A] : memref<10000x10000xf32, #tpu.memory_space<hbm>> -> memref<8x128xf32, #tpu.memory_space<hbm>>
    tpu.wait_dma2 semaphore(%arg12 : memref<!tpu.dma_semaphore, #tpu.memory_space<semaphore_mem>>) src(%dma_wait3A_2380 : memref<8x128xf32, #tpu.memory_space<hbm>>) dst(%dma_wait3A_2378 : memref<8x128xf32, #tpu.memory_space<vmem>>)
    %dma_wait3A_2381 = arith.constant 9 : i32
    %dma_wait3A_2382 = arith.constant 0 : i32
    %dma_wait3A_2383 = arith.constant 0 : i32
    %dma_wait3A_2384 = tpu.memref_slice %arg11[%dma_wait3A_2381, %dma_wait3A_2382, %dma_wait3A_2383] : memref<64x8x128xf32, #tpu.memory_space<vmem>> -> memref<1x8x128xf32, #tpu.memory_space<vmem>>
    %dma_wait3A_2385 = tpu.memref_squeeze %dma_wait3A_2384 : memref<1x8x128xf32, #tpu.memory_space<vmem>> -> memref<8x128xf32, #tpu.memory_space<vmem>>
    %dma_wait3A_2386 = arith.constant 0 : i32
    %dma_wait3A_2387 = tpu.memref_slice %arg2[%dma_wait3A_2386, %multiple_of3A] : memref<10000x10000xf32, #tpu.memory_space<hbm>> -> memref<8x128xf32, #tpu.memory_space<hbm>>
    tpu.wait_dma2 semaphore(%arg12 : memref<!tpu.dma_semaphore, #tpu.memory_space<semaphore_mem>>) src(%dma_wait3A_2387 : memref<8x128xf32, #tpu.memory_space<hbm>>) dst(%dma_wait3A_2385 : memref<8x128xf32, #tpu.memory_space<vmem>>)
    %dma_wait3A_2388 = arith.constant 10 : i32
    %dma_wait3A_2389 = arith.constant 0 : i32
    %dma_wait3A_2390 = arith.constant 0 : i32
    %dma_wait3A_2391 = tpu.memref_slice %arg11[%dma_wait3A_2388, %dma_wait3A_2389, %dma_wait3A_2390] : memref<64x8x128xf32, #tpu.memory_space<vmem>> -> memref<1x8x128xf32, #tpu.memory_space<vmem>>
    %dma_wait3A_2392 = tpu.memref_squeeze %dma_wait3A_2391 : memref<1x8x128xf32, #tpu.memory_space<vmem>> -> memref<8x128xf32, #tpu.memory_space<vmem>>
    %dma_wait3A_2393 = arith.constant 0 : i32
    %dma_wait3A_2394 = tpu.memref_slice %arg2[%dma_wait3A_2393, %multiple_of3A] : memref<10000x10000xf32, #tpu.memory_space<hbm>> -> memref<8x128xf32, #tpu.memory_space<hbm>>
    tpu.wait_dma2 semaphore(%arg12 : memref<!tpu.dma_semaphore, #tpu.memory_space<semaphore_mem>>) src(%dma_wait3A_2394 : memref<8x128xf32, #tpu.memory_space<hbm>>) dst(%dma_wait3A_2392 : memref<8x128xf32, #tpu.memory_space<vmem>>)
    %dma_wait3A_2395 = arith.constant 11 : i32
    %dma_wait3A_2396 = arith.constant 0 : i32
    %dma_wait3A_2397 = arith.constant 0 : i32
    %dma_wait3A_2398 = tpu.memref_slice %arg11[%dma_wait3A_2395, %dma_wait3A_2396, %dma_wait3A_2397] : memref<64x8x128xf32, #tpu.memory_space<vmem>> -> memref<1x8x128xf32, #tpu.memory_space<vmem>>
    %dma_wait3A_2399 = tpu.memref_squeeze %dma_wait3A_2398 : memref<1x8x128xf32, #tpu.memory_space<vmem>> -> memref<8x128xf32, #tpu.memory_space<vmem>>
    %dma_wait3A_2400 = arith.constant 0 : i32
    %dma_wait3A_2401 = tpu.memref_slice %arg2[%dma_wait3A_2400, %multiple_of3A] : memref<10000x10000xf32, #tpu.memory_space<hbm>> -> memref<8x128xf32, #tpu.memory_space<hbm>>
    tpu.wait_dma2 semaphore(%arg12 : memref<!tpu.dma_semaphore, #tpu.memory_space<semaphore_mem>>) src(%dma_wait3A_2401 : memref<8x128xf32, #tpu.memory_space<hbm>>) dst(%dma_wait3A_2399 : memref<8x128xf32, #tpu.memory_space<vmem>>)
    %dma_wait3A_2402 = arith.constant 12 : i32
    %dma_wait3A_2403 = arith.constant 0 : i32
    %dma_wait3A_2404 = arith.constant 0 : i32
    %dma_wait3A_2405 = tpu.memref_slice %arg11[%dma_wait3A_2402, %dma_wait3A_2403, %dma_wait3A_2404] : memref<64x8x128xf32, #tpu.memory_space<vmem>> -> memref<1x8x128xf32, #tpu.memory_space<vmem>>
    %dma_wait3A_2406 = tpu.memref_squeeze %dma_wait3A_2405 : memref<1x8x128xf32, #tpu.memory_space<vmem>> -> memref<8x128xf32, #tpu.memory_space<vmem>>
    %dma_wait3A_2407 = arith.constant 0 : i32
    %dma_wait3A_2408 = tpu.memref_slice %arg2[%dma_wait3A_2407, %multiple_of3A] : memref<10000x10000xf32, #tpu.memory_space<hbm>> -> memref<8x128xf32, #tpu.memory_space<hbm>>
    tpu.wait_dma2 semaphore(%arg12 : memref<!tpu.dma_semaphore, #tpu.memory_space<semaphore_mem>>) src(%dma_wait3A_2408 : memref<8x128xf32, #tpu.memory_space<hbm>>) dst(%dma_wait3A_2406 : memref<8x128xf32, #tpu.memory_space<vmem>>)
    %dma_wait3A_2409 = arith.constant 13 : i32
    %dma_wait3A_2410 = arith.constant 0 : i32
    %dma_wait3A_2411 = arith.constant 0 : i32
    %dma_wait3A_2412 = tpu.memref_slice %arg11[%dma_wait3A_2409, %dma_wait3A_2410, %dma_wait3A_2411] : memref<64x8x128xf32, #tpu.memory_space<vmem>> -> memref<1x8x128xf32, #tpu.memory_space<vmem>>
    %dma_wait3A_2413 = tpu.memref_squeeze %dma_wait3A_2412 : memref<1x8x128xf32, #tpu.memory_space<vmem>> -> memref<8x128xf32, #tpu.memory_space<vmem>>
    %dma_wait3A_2414 = arith.constant 0 : i32
    %dma_wait3A_2415 = tpu.memref_slice %arg2[%dma_wait3A_2414, %multiple_of3A] : memref<10000x10000xf32, #tpu.memory_space<hbm>> -> memref<8x128xf32, #tpu.memory_space<hbm>>
    tpu.wait_dma2 semaphore(%arg12 : memref<!tpu.dma_semaphore, #tpu.memory_space<semaphore_mem>>) src(%dma_wait3A_2415 : memref<8x128xf32, #tpu.memory_space<hbm>>) dst(%dma_wait3A_2413 : memref<8x128xf32, #tpu.memory_space<vmem>>)
    %dma_wait3A_2416 = arith.constant 14 : i32
    %dma_wait3A_2417 = arith.constant 0 : i32
    %dma_wait3A_2418 = arith.constant 0 : i32
    %dma_wait3A_2419 = tpu.memref_slice %arg11[%dma_wait3A_2416, %dma_wait3A_2417, %dma_wait3A_2418] : memref<64x8x128xf32, #tpu.memory_space<vmem>> -> memref<1x8x128xf32, #tpu.memory_space<vmem>>
    %dma_wait3A_2420 = tpu.memref_squeeze %dma_wait3A_2419 : memref<1x8x128xf32, #tpu.memory_space<vmem>> -> memref<8x128xf32, #tpu.memory_space<vmem>>
    %dma_wait3A_2421 = arith.constant 0 : i32
    %dma_wait3A_2422 = tpu.memref_slice %arg2[%dma_wait3A_2421, %multiple_of3A] : memref<10000x10000xf32, #tpu.memory_space<hbm>> -> memref<8x128xf32, #tpu.memory_space<hbm>>
    tpu.wait_dma2 semaphore(%arg12 : memref<!tpu.dma_semaphore, #tpu.memory_space<semaphore_mem>>) src(%dma_wait3A_2422 : memref<8x128xf32, #tpu.memory_space<hbm>>) dst(%dma_wait3A_2420 : memref<8x128xf32, #tpu.memory_space<vmem>>)
    %dma_wait3A_2423 = arith.constant 15 : i32
    %dma_wait3A_2424 = arith.constant 0 : i32
    %dma_wait3A_2425 = arith.constant 0 : i32
    %dma_wait3A_2426 = tpu.memref_slice %arg11[%dma_wait3A_2423, %dma_wait3A_2424, %dma_wait3A_2425] : memref<64x8x128xf32, #tpu.memory_space<vmem>> -> memref<1x8x128xf32, #tpu.memory_space<vmem>>
    %dma_wait3A_2427 = tpu.memref_squeeze %dma_wait3A_2426 : memref<1x8x128xf32, #tpu.memory_space<vmem>> -> memref<8x128xf32, #tpu.memory_space<vmem>>
    %dma_wait3A_2428 = arith.constant 0 : i32
    %dma_wait3A_2429 = tpu.memref_slice %arg2[%dma_wait3A_2428, %multiple_of3A] : memref<10000x10000xf32, #tpu.memory_space<hbm>> -> memref<8x128xf32, #tpu.memory_space<hbm>>
    tpu.wait_dma2 semaphore(%arg12 : memref<!tpu.dma_semaphore, #tpu.memory_space<semaphore_mem>>) src(%dma_wait3A_2429 : memref<8x128xf32, #tpu.memory_space<hbm>>) dst(%dma_wait3A_2427 : memref<8x128xf32, #tpu.memory_space<vmem>>)
    %dma_wait3A_2430 = arith.constant 16 : i32
    %dma_wait3A_2431 = arith.constant 0 : i32
    %dma_wait3A_2432 = arith.constant 0 : i32
    %dma_wait3A_2433 = tpu.memref_slice %arg11[%dma_wait3A_2430, %dma_wait3A_2431, %dma_wait3A_2432] : memref<64x8x128xf32, #tpu.memory_space<vmem>> -> memref<1x8x128xf32, #tpu.memory_space<vmem>>
    %dma_wait3A_2434 = tpu.memref_squeeze %dma_wait3A_2433 : memref<1x8x128xf32, #tpu.memory_space<vmem>> -> memref<8x128xf32, #tpu.memory_space<vmem>>
    %dma_wait3A_2435 = arith.constant 0 : i32
    %dma_wait3A_2436 = tpu.memref_slice %arg2[%dma_wait3A_2435, %multiple_of3A] : memref<10000x10000xf32, #tpu.memory_space<hbm>> -> memref<8x128xf32, #tpu.memory_space<hbm>>
    tpu.wait_dma2 semaphore(%arg12 : memref<!tpu.dma_semaphore, #tpu.memory_space<semaphore_mem>>) src(%dma_wait3A_2436 : memref<8x128xf32, #tpu.memory_space<hbm>>) dst(%dma_wait3A_2434 : memref<8x128xf32, #tpu.memory_space<vmem>>)
    %dma_wait3A_2437 = arith.constant 17 : i32
    %dma_wait3A_2438 = arith.constant 0 : i32
    %dma_wait3A_2439 = arith.constant 0 : i32
    %dma_wait3A_2440 = tpu.memref_slice %arg11[%dma_wait3A_2437, %dma_wait3A_2438, %dma_wait3A_2439] : memref<64x8x128xf32, #tpu.memory_space<vmem>> -> memref<1x8x128xf32, #tpu.memory_space<vmem>>
    %dma_wait3A_2441 = tpu.memref_squeeze %dma_wait3A_2440 : memref<1x8x128xf32, #tpu.memory_space<vmem>> -> memref<8x128xf32, #tpu.memory_space<vmem>>
    %dma_wait3A_2442 = arith.constant 0 : i32
    %dma_wait3A_2443 = tpu.memref_slice %arg2[%dma_wait3A_2442, %multiple_of3A] : memref<10000x10000xf32, #tpu.memory_space<hbm>> -> memref<8x128xf32, #tpu.memory_space<hbm>>
    tpu.wait_dma2 semaphore(%arg12 : memref<!tpu.dma_semaphore, #tpu.memory_space<semaphore_mem>>) src(%dma_wait3A_2443 : memref<8x128xf32, #tpu.memory_space<hbm>>) dst(%dma_wait3A_2441 : memref<8x128xf32, #tpu.memory_space<vmem>>)
    %dma_wait3A_2444 = arith.constant 18 : i32
    %dma_wait3A_2445 = arith.constant 0 : i32
    %dma_wait3A_2446 = arith.constant 0 : i32
    %dma_wait3A_2447 = tpu.memref_slice %arg11[%dma_wait3A_2444, %dma_wait3A_2445, %dma_wait3A_2446] : memref<64x8x128xf32, #tpu.memory_space<vmem>> -> memref<1x8x128xf32, #tpu.memory_space<vmem>>
    %dma_wait3A_2448 = tpu.memref_squeeze %dma_wait3A_2447 : memref<1x8x128xf32, #tpu.memory_space<vmem>> -> memref<8x128xf32, #tpu.memory_space<vmem>>
    %dma_wait3A_2449 = arith.constant 0 : i32
    %dma_wait3A_2450 = tpu.memref_slice %arg2[%dma_wait3A_2449, %multiple_of3A] : memref<10000x10000xf32, #tpu.memory_space<hbm>> -> memref<8x128xf32, #tpu.memory_space<hbm>>
    tpu.wait_dma2 semaphore(%arg12 : memref<!tpu.dma_semaphore, #tpu.memory_space<semaphore_mem>>) src(%dma_wait3A_2450 : memref<8x128xf32, #tpu.memory_space<hbm>>) dst(%dma_wait3A_2448 : memref<8x128xf32, #tpu.memory_space<vmem>>)
    %dma_wait3A_2451 = arith.constant 19 : i32
    %dma_wait3A_2452 = arith.constant 0 : i32
    %dma_wait3A_2453 = arith.constant 0 : i32
    %dma_wait3A_2454 = tpu.memref_slice %arg11[%dma_wait3A_2451, %dma_wait3A_2452, %dma_wait3A_2453] : memref<64x8x128xf32, #tpu.memory_space<vmem>> -> memref<1x8x128xf32, #tpu.memory_space<vmem>>
    %dma_wait3A_2455 = tpu.memref_squeeze %dma_wait3A_2454 : memref<1x8x128xf32, #tpu.memory_space<vmem>> -> memref<8x128xf32, #tpu.memory_space<vmem>>
    %dma_wait3A_2456 = arith.constant 0 : i32
    %dma_wait3A_2457 = tpu.memref_slice %arg2[%dma_wait3A_2456, %multiple_of3A] : memref<10000x10000xf32, #tpu.memory_space<hbm>> -> memref<8x128xf32, #tpu.memory_space<hbm>>
    tpu.wait_dma2 semaphore(%arg12 : memref<!tpu.dma_semaphore, #tpu.memory_space<semaphore_mem>>) src(%dma_wait3A_2457 : memref<8x128xf32, #tpu.memory_space<hbm>>) dst(%dma_wait3A_2455 : memref<8x128xf32, #tpu.memory_space<vmem>>)
    %dma_wait3A_2458 = arith.constant 20 : i32
    %dma_wait3A_2459 = arith.constant 0 : i32
    %dma_wait3A_2460 = arith.constant 0 : i32
    %dma_wait3A_2461 = tpu.memref_slice %arg11[%dma_wait3A_2458, %dma_wait3A_2459, %dma_wait3A_2460] : memref<64x8x128xf32, #tpu.memory_space<vmem>> -> memref<1x8x128xf32, #tpu.memory_space<vmem>>
    %dma_wait3A_2462 = tpu.memref_squeeze %dma_wait3A_2461 : memref<1x8x128xf32, #tpu.memory_space<vmem>> -> memref<8x128xf32, #tpu.memory_space<vmem>>
    %dma_wait3A_2463 = arith.constant 0 : i32
    %dma_wait3A_2464 = tpu.memref_slice %arg2[%dma_wait3A_2463, %multiple_of3A] : memref<10000x10000xf32, #tpu.memory_space<hbm>> -> memref<8x128xf32, #tpu.memory_space<hbm>>
    tpu.wait_dma2 semaphore(%arg12 : memref<!tpu.dma_semaphore, #tpu.memory_space<semaphore_mem>>) src(%dma_wait3A_2464 : memref<8x128xf32, #tpu.memory_space<hbm>>) dst(%dma_wait3A_2462 : memref<8x128xf32, #tpu.memory_space<vmem>>)
    %dma_wait3A_2465 = arith.constant 21 : i32
    %dma_wait3A_2466 = arith.constant 0 : i32
    %dma_wait3A_2467 = arith.constant 0 : i32
    %dma_wait3A_2468 = tpu.memref_slice %arg11[%dma_wait3A_2465, %dma_wait3A_2466, %dma_wait3A_2467] : memref<64x8x128xf32, #tpu.memory_space<vmem>> -> memref<1x8x128xf32, #tpu.memory_space<vmem>>
    %dma_wait3A_2469 = tpu.memref_squeeze %dma_wait3A_2468 : memref<1x8x128xf32, #tpu.memory_space<vmem>> -> memref<8x128xf32, #tpu.memory_space<vmem>>
    %dma_wait3A_2470 = arith.constant 0 : i32
    %dma_wait3A_2471 = tpu.memref_slice %arg2[%dma_wait3A_2470, %multiple_of3A] : memref<10000x10000xf32, #tpu.memory_space<hbm>> -> memref<8x128xf32, #tpu.memory_space<hbm>>
    tpu.wait_dma2 semaphore(%arg12 : memref<!tpu.dma_semaphore, #tpu.memory_space<semaphore_mem>>) src(%dma_wait3A_2471 : memref<8x128xf32, #tpu.memory_space<hbm>>) dst(%dma_wait3A_2469 : memref<8x128xf32, #tpu.memory_space<vmem>>)
    %dma_wait3A_2472 = arith.constant 22 : i32
    %dma_wait3A_2473 = arith.constant 0 : i32
    %dma_wait3A_2474 = arith.constant 0 : i32
    %dma_wait3A_2475 = tpu.memref_slice %arg11[%dma_wait3A_2472, %dma_wait3A_2473, %dma_wait3A_2474] : memref<64x8x128xf32, #tpu.memory_space<vmem>> -> memref<1x8x128xf32, #tpu.memory_space<vmem>>
    %dma_wait3A_2476 = tpu.memref_squeeze %dma_wait3A_2475 : memref<1x8x128xf32, #tpu.memory_space<vmem>> -> memref<8x128xf32, #tpu.memory_space<vmem>>
    %dma_wait3A_2477 = arith.constant 0 : i32
    %dma_wait3A_2478 = tpu.memref_slice %arg2[%dma_wait3A_2477, %multiple_of3A] : memref<10000x10000xf32, #tpu.memory_space<hbm>> -> memref<8x128xf32, #tpu.memory_space<hbm>>
    tpu.wait_dma2 semaphore(%arg12 : memref<!tpu.dma_semaphore, #tpu.memory_space<semaphore_mem>>) src(%dma_wait3A_2478 : memref<8x128xf32, #tpu.memory_space<hbm>>) dst(%dma_wait3A_2476 : memref<8x128xf32, #tpu.memory_space<vmem>>)
    %dma_wait3A_2479 = arith.constant 23 : i32
    %dma_wait3A_2480 = arith.constant 0 : i32
    %dma_wait3A_2481 = arith.constant 0 : i32
    %dma_wait3A_2482 = tpu.memref_slice %arg11[%dma_wait3A_2479, %dma_wait3A_2480, %dma_wait3A_2481] : memref<64x8x128xf32, #tpu.memory_space<vmem>> -> memref<1x8x128xf32, #tpu.memory_space<vmem>>
    %dma_wait3A_2483 = tpu.memref_squeeze %dma_wait3A_2482 : memref<1x8x128xf32, #tpu.memory_space<vmem>> -> memref<8x128xf32, #tpu.memory_space<vmem>>
    %dma_wait3A_2484 = arith.constant 0 : i32
    %dma_wait3A_2485 = tpu.memref_slice %arg2[%dma_wait3A_2484, %multiple_of3A] : memref<10000x10000xf32, #tpu.memory_space<hbm>> -> memref<8x128xf32, #tpu.memory_space<hbm>>
    tpu.wait_dma2 semaphore(%arg12 : memref<!tpu.dma_semaphore, #tpu.memory_space<semaphore_mem>>) src(%dma_wait3A_2485 : memref<8x128xf32, #tpu.memory_space<hbm>>) dst(%dma_wait3A_2483 : memref<8x128xf32, #tpu.memory_space<vmem>>)
    %dma_wait3A_2486 = arith.constant 24 : i32
    %dma_wait3A_2487 = arith.constant 0 : i32
    %dma_wait3A_2488 = arith.constant 0 : i32
    %dma_wait3A_2489 = tpu.memref_slice %arg11[%dma_wait3A_2486, %dma_wait3A_2487, %dma_wait3A_2488] : memref<64x8x128xf32, #tpu.memory_space<vmem>> -> memref<1x8x128xf32, #tpu.memory_space<vmem>>
    %dma_wait3A_2490 = tpu.memref_squeeze %dma_wait3A_2489 : memref<1x8x128xf32, #tpu.memory_space<vmem>> -> memref<8x128xf32, #tpu.memory_space<vmem>>
    %dma_wait3A_2491 = arith.constant 0 : i32
    %dma_wait3A_2492 = tpu.memref_slice %arg2[%dma_wait3A_2491, %multiple_of3A] : memref<10000x10000xf32, #tpu.memory_space<hbm>> -> memref<8x128xf32, #tpu.memory_space<hbm>>
    tpu.wait_dma2 semaphore(%arg12 : memref<!tpu.dma_semaphore, #tpu.memory_space<semaphore_mem>>) src(%dma_wait3A_2492 : memref<8x128xf32, #tpu.memory_space<hbm>>) dst(%dma_wait3A_2490 : memref<8x128xf32, #tpu.memory_space<vmem>>)
    %dma_wait3A_2493 = arith.constant 25 : i32
    %dma_wait3A_2494 = arith.constant 0 : i32
    %dma_wait3A_2495 = arith.constant 0 : i32
    %dma_wait3A_2496 = tpu.memref_slice %arg11[%dma_wait3A_2493, %dma_wait3A_2494, %dma_wait3A_2495] : memref<64x8x128xf32, #tpu.memory_space<vmem>> -> memref<1x8x128xf32, #tpu.memory_space<vmem>>
    %dma_wait3A_2497 = tpu.memref_squeeze %dma_wait3A_2496 : memref<1x8x128xf32, #tpu.memory_space<vmem>> -> memref<8x128xf32, #tpu.memory_space<vmem>>
    %dma_wait3A_2498 = arith.constant 0 : i32
    %dma_wait3A_2499 = tpu.memref_slice %arg2[%dma_wait3A_2498, %multiple_of3A] : memref<10000x10000xf32, #tpu.memory_space<hbm>> -> memref<8x128xf32, #tpu.memory_space<hbm>>
    tpu.wait_dma2 semaphore(%arg12 : memref<!tpu.dma_semaphore, #tpu.memory_space<semaphore_mem>>) src(%dma_wait3A_2499 : memref<8x128xf32, #tpu.memory_space<hbm>>) dst(%dma_wait3A_2497 : memref<8x128xf32, #tpu.memory_space<vmem>>)
    %dma_wait3A_2500 = arith.constant 26 : i32
    %dma_wait3A_2501 = arith.constant 0 : i32
    %dma_wait3A_2502 = arith.constant 0 : i32
    %dma_wait3A_2503 = tpu.memref_slice %arg11[%dma_wait3A_2500, %dma_wait3A_2501, %dma_wait3A_2502] : memref<64x8x128xf32, #tpu.memory_space<vmem>> -> memref<1x8x128xf32, #tpu.memory_space<vmem>>
    %dma_wait3A_2504 = tpu.memref_squeeze %dma_wait3A_2503 : memref<1x8x128xf32, #tpu.memory_space<vmem>> -> memref<8x128xf32, #tpu.memory_space<vmem>>
    %dma_wait3A_2505 = arith.constant 0 : i32
    %dma_wait3A_2506 = tpu.memref_slice %arg2[%dma_wait3A_2505, %multiple_of3A] : memref<10000x10000xf32, #tpu.memory_space<hbm>> -> memref<8x128xf32, #tpu.memory_space<hbm>>
    tpu.wait_dma2 semaphore(%arg12 : memref<!tpu.dma_semaphore, #tpu.memory_space<semaphore_mem>>) src(%dma_wait3A_2506 : memref<8x128xf32, #tpu.memory_space<hbm>>) dst(%dma_wait3A_2504 : memref<8x128xf32, #tpu.memory_space<vmem>>)
    %dma_wait3A_2507 = arith.constant 27 : i32
    %dma_wait3A_2508 = arith.constant 0 : i32
    %dma_wait3A_2509 = arith.constant 0 : i32
    %dma_wait3A_2510 = tpu.memref_slice %arg11[%dma_wait3A_2507, %dma_wait3A_2508, %dma_wait3A_2509] : memref<64x8x128xf32, #tpu.memory_space<vmem>> -> memref<1x8x128xf32, #tpu.memory_space<vmem>>
    %dma_wait3A_2511 = tpu.memref_squeeze %dma_wait3A_2510 : memref<1x8x128xf32, #tpu.memory_space<vmem>> -> memref<8x128xf32, #tpu.memory_space<vmem>>
    %dma_wait3A_2512 = arith.constant 0 : i32
    %dma_wait3A_2513 = tpu.memref_slice %arg2[%dma_wait3A_2512, %multiple_of3A] : memref<10000x10000xf32, #tpu.memory_space<hbm>> -> memref<8x128xf32, #tpu.memory_space<hbm>>
    tpu.wait_dma2 semaphore(%arg12 : memref<!tpu.dma_semaphore, #tpu.memory_space<semaphore_mem>>) src(%dma_wait3A_2513 : memref<8x128xf32, #tpu.memory_space<hbm>>) dst(%dma_wait3A_2511 : memref<8x128xf32, #tpu.memory_space<vmem>>)
    %dma_wait3A_2514 = arith.constant 28 : i32
    %dma_wait3A_2515 = arith.constant 0 : i32
    %dma_wait3A_2516 = arith.constant 0 : i32
    %dma_wait3A_2517 = tpu.memref_slice %arg11[%dma_wait3A_2514, %dma_wait3A_2515, %dma_wait3A_2516] : memref<64x8x128xf32, #tpu.memory_space<vmem>> -> memref<1x8x128xf32, #tpu.memory_space<vmem>>
    %dma_wait3A_2518 = tpu.memref_squeeze %dma_wait3A_2517 : memref<1x8x128xf32, #tpu.memory_space<vmem>> -> memref<8x128xf32, #tpu.memory_space<vmem>>
    %dma_wait3A_2519 = arith.constant 0 : i32
    %dma_wait3A_2520 = tpu.memref_slice %arg2[%dma_wait3A_2519, %multiple_of3A] : memref<10000x10000xf32, #tpu.memory_space<hbm>> -> memref<8x128xf32, #tpu.memory_space<hbm>>
    tpu.wait_dma2 semaphore(%arg12 : memref<!tpu.dma_semaphore, #tpu.memory_space<semaphore_mem>>) src(%dma_wait3A_2520 : memref<8x128xf32, #tpu.memory_space<hbm>>) dst(%dma_wait3A_2518 : memref<8x128xf32, #tpu.memory_space<vmem>>)
    %dma_wait3A_2521 = arith.constant 29 : i32
    %dma_wait3A_2522 = arith.constant 0 : i32
    %dma_wait3A_2523 = arith.constant 0 : i32
    %dma_wait3A_2524 = tpu.memref_slice %arg11[%dma_wait3A_2521, %dma_wait3A_2522, %dma_wait3A_2523] : memref<64x8x128xf32, #tpu.memory_space<vmem>> -> memref<1x8x128xf32, #tpu.memory_space<vmem>>
    %dma_wait3A_2525 = tpu.memref_squeeze %dma_wait3A_2524 : memref<1x8x128xf32, #tpu.memory_space<vmem>> -> memref<8x128xf32, #tpu.memory_space<vmem>>
    %dma_wait3A_2526 = arith.constant 0 : i32
    %dma_wait3A_2527 = tpu.memref_slice %arg2[%dma_wait3A_2526, %multiple_of3A] : memref<10000x10000xf32, #tpu.memory_space<hbm>> -> memref<8x128xf32, #tpu.memory_space<hbm>>
    tpu.wait_dma2 semaphore(%arg12 : memref<!tpu.dma_semaphore, #tpu.memory_space<semaphore_mem>>) src(%dma_wait3A_2527 : memref<8x128xf32, #tpu.memory_space<hbm>>) dst(%dma_wait3A_2525 : memref<8x128xf32, #tpu.memory_space<vmem>>)
    %dma_wait3A_2528 = arith.constant 30 : i32
    %dma_wait3A_2529 = arith.constant 0 : i32
    %dma_wait3A_2530 = arith.constant 0 : i32
    %dma_wait3A_2531 = tpu.memref_slice %arg11[%dma_wait3A_2528, %dma_wait3A_2529, %dma_wait3A_2530] : memref<64x8x128xf32, #tpu.memory_space<vmem>> -> memref<1x8x128xf32, #tpu.memory_space<vmem>>
    %dma_wait3A_2532 = tpu.memref_squeeze %dma_wait3A_2531 : memref<1x8x128xf32, #tpu.memory_space<vmem>> -> memref<8x128xf32, #tpu.memory_space<vmem>>
    %dma_wait3A_2533 = arith.constant 0 : i32
    %dma_wait3A_2534 = tpu.memref_slice %arg2[%dma_wait3A_2533, %multiple_of3A] : memref<10000x10000xf32, #tpu.memory_space<hbm>> -> memref<8x128xf32, #tpu.memory_space<hbm>>
    tpu.wait_dma2 semaphore(%arg12 : memref<!tpu.dma_semaphore, #tpu.memory_space<semaphore_mem>>) src(%dma_wait3A_2534 : memref<8x128xf32, #tpu.memory_space<hbm>>) dst(%dma_wait3A_2532 : memref<8x128xf32, #tpu.memory_space<vmem>>)
    %dma_wait3A_2535 = arith.constant 31 : i32
    %dma_wait3A_2536 = arith.constant 0 : i32
    %dma_wait3A_2537 = arith.constant 0 : i32
    %dma_wait3A_2538 = tpu.memref_slice %arg11[%dma_wait3A_2535, %dma_wait3A_2536, %dma_wait3A_2537] : memref<64x8x128xf32, #tpu.memory_space<vmem>> -> memref<1x8x128xf32, #tpu.memory_space<vmem>>
    %dma_wait3A_2539 = tpu.memref_squeeze %dma_wait3A_2538 : memref<1x8x128xf32, #tpu.memory_space<vmem>> -> memref<8x128xf32, #tpu.memory_space<vmem>>
    %dma_wait3A_2540 = arith.constant 0 : i32
    %dma_wait3A_2541 = tpu.memref_slice %arg2[%dma_wait3A_2540, %multiple_of3A] : memref<10000x10000xf32, #tpu.memory_space<hbm>> -> memref<8x128xf32, #tpu.memory_space<hbm>>
    tpu.wait_dma2 semaphore(%arg12 : memref<!tpu.dma_semaphore, #tpu.memory_space<semaphore_mem>>) src(%dma_wait3A_2541 : memref<8x128xf32, #tpu.memory_space<hbm>>) dst(%dma_wait3A_2539 : memref<8x128xf32, #tpu.memory_space<vmem>>)
    %dma_wait3A_2542 = arith.constant 32 : i32
    %dma_wait3A_2543 = arith.constant 0 : i32
    %dma_wait3A_2544 = arith.constant 0 : i32
    %dma_wait3A_2545 = tpu.memref_slice %arg11[%dma_wait3A_2542, %dma_wait3A_2543, %dma_wait3A_2544] : memref<64x8x128xf32, #tpu.memory_space<vmem>> -> memref<1x8x128xf32, #tpu.memory_space<vmem>>
    %dma_wait3A_2546 = tpu.memref_squeeze %dma_wait3A_2545 : memref<1x8x128xf32, #tpu.memory_space<vmem>> -> memref<8x128xf32, #tpu.memory_space<vmem>>
    %dma_wait3A_2547 = arith.constant 0 : i32
    %dma_wait3A_2548 = tpu.memref_slice %arg2[%dma_wait3A_2547, %multiple_of3A] : memref<10000x10000xf32, #tpu.memory_space<hbm>> -> memref<8x128xf32, #tpu.memory_space<hbm>>
    tpu.wait_dma2 semaphore(%arg12 : memref<!tpu.dma_semaphore, #tpu.memory_space<semaphore_mem>>) src(%dma_wait3A_2548 : memref<8x128xf32, #tpu.memory_space<hbm>>) dst(%dma_wait3A_2546 : memref<8x128xf32, #tpu.memory_space<vmem>>)
    %dma_wait3A_2549 = arith.constant 33 : i32
    %dma_wait3A_2550 = arith.constant 0 : i32
    %dma_wait3A_2551 = arith.constant 0 : i32
    %dma_wait3A_2552 = tpu.memref_slice %arg11[%dma_wait3A_2549, %dma_wait3A_2550, %dma_wait3A_2551] : memref<64x8x128xf32, #tpu.memory_space<vmem>> -> memref<1x8x128xf32, #tpu.memory_space<vmem>>
    %dma_wait3A_2553 = tpu.memref_squeeze %dma_wait3A_2552 : memref<1x8x128xf32, #tpu.memory_space<vmem>> -> memref<8x128xf32, #tpu.memory_space<vmem>>
    %dma_wait3A_2554 = arith.constant 0 : i32
    %dma_wait3A_2555 = tpu.memref_slice %arg2[%dma_wait3A_2554, %multiple_of3A] : memref<10000x10000xf32, #tpu.memory_space<hbm>> -> memref<8x128xf32, #tpu.memory_space<hbm>>
    tpu.wait_dma2 semaphore(%arg12 : memref<!tpu.dma_semaphore, #tpu.memory_space<semaphore_mem>>) src(%dma_wait3A_2555 : memref<8x128xf32, #tpu.memory_space<hbm>>) dst(%dma_wait3A_2553 : memref<8x128xf32, #tpu.memory_space<vmem>>)
    %dma_wait3A_2556 = arith.constant 34 : i32
    %dma_wait3A_2557 = arith.constant 0 : i32
    %dma_wait3A_2558 = arith.constant 0 : i32
    %dma_wait3A_2559 = tpu.memref_slice %arg11[%dma_wait3A_2556, %dma_wait3A_2557, %dma_wait3A_2558] : memref<64x8x128xf32, #tpu.memory_space<vmem>> -> memref<1x8x128xf32, #tpu.memory_space<vmem>>
    %dma_wait3A_2560 = tpu.memref_squeeze %dma_wait3A_2559 : memref<1x8x128xf32, #tpu.memory_space<vmem>> -> memref<8x128xf32, #tpu.memory_space<vmem>>
    %dma_wait3A_2561 = arith.constant 0 : i32
    %dma_wait3A_2562 = tpu.memref_slice %arg2[%dma_wait3A_2561, %multiple_of3A] : memref<10000x10000xf32, #tpu.memory_space<hbm>> -> memref<8x128xf32, #tpu.memory_space<hbm>>
    tpu.wait_dma2 semaphore(%arg12 : memref<!tpu.dma_semaphore, #tpu.memory_space<semaphore_mem>>) src(%dma_wait3A_2562 : memref<8x128xf32, #tpu.memory_space<hbm>>) dst(%dma_wait3A_2560 : memref<8x128xf32, #tpu.memory_space<vmem>>)
    %dma_wait3A_2563 = arith.constant 35 : i32
    %dma_wait3A_2564 = arith.constant 0 : i32
    %dma_wait3A_2565 = arith.constant 0 : i32
    %dma_wait3A_2566 = tpu.memref_slice %arg11[%dma_wait3A_2563, %dma_wait3A_2564, %dma_wait3A_2565] : memref<64x8x128xf32, #tpu.memory_space<vmem>> -> memref<1x8x128xf32, #tpu.memory_space<vmem>>
    %dma_wait3A_2567 = tpu.memref_squeeze %dma_wait3A_2566 : memref<1x8x128xf32, #tpu.memory_space<vmem>> -> memref<8x128xf32, #tpu.memory_space<vmem>>
    %dma_wait3A_2568 = arith.constant 0 : i32
    %dma_wait3A_2569 = tpu.memref_slice %arg2[%dma_wait3A_2568, %multiple_of3A] : memref<10000x10000xf32, #tpu.memory_space<hbm>> -> memref<8x128xf32, #tpu.memory_space<hbm>>
    tpu.wait_dma2 semaphore(%arg12 : memref<!tpu.dma_semaphore, #tpu.memory_space<semaphore_mem>>) src(%dma_wait3A_2569 : memref<8x128xf32, #tpu.memory_space<hbm>>) dst(%dma_wait3A_2567 : memref<8x128xf32, #tpu.memory_space<vmem>>)
    %dma_wait3A_2570 = arith.constant 36 : i32
    %dma_wait3A_2571 = arith.constant 0 : i32
    %dma_wait3A_2572 = arith.constant 0 : i32
    %dma_wait3A_2573 = tpu.memref_slice %arg11[%dma_wait3A_2570, %dma_wait3A_2571, %dma_wait3A_2572] : memref<64x8x128xf32, #tpu.memory_space<vmem>> -> memref<1x8x128xf32, #tpu.memory_space<vmem>>
    %dma_wait3A_2574 = tpu.memref_squeeze %dma_wait3A_2573 : memref<1x8x128xf32, #tpu.memory_space<vmem>> -> memref<8x128xf32, #tpu.memory_space<vmem>>
    %dma_wait3A_2575 = arith.constant 0 : i32
    %dma_wait3A_2576 = tpu.memref_slice %arg2[%dma_wait3A_2575, %multiple_of3A] : memref<10000x10000xf32, #tpu.memory_space<hbm>> -> memref<8x128xf32, #tpu.memory_space<hbm>>
    tpu.wait_dma2 semaphore(%arg12 : memref<!tpu.dma_semaphore, #tpu.memory_space<semaphore_mem>>) src(%dma_wait3A_2576 : memref<8x128xf32, #tpu.memory_space<hbm>>) dst(%dma_wait3A_2574 : memref<8x128xf32, #tpu.memory_space<vmem>>)
    %dma_wait3A_2577 = arith.constant 37 : i32
    %dma_wait3A_2578 = arith.constant 0 : i32
    %dma_wait3A_2579 = arith.constant 0 : i32
    %dma_wait3A_2580 = tpu.memref_slice %arg11[%dma_wait3A_2577, %dma_wait3A_2578, %dma_wait3A_2579] : memref<64x8x128xf32, #tpu.memory_space<vmem>> -> memref<1x8x128xf32, #tpu.memory_space<vmem>>
    %dma_wait3A_2581 = tpu.memref_squeeze %dma_wait3A_2580 : memref<1x8x128xf32, #tpu.memory_space<vmem>> -> memref<8x128xf32, #tpu.memory_space<vmem>>
    %dma_wait3A_2582 = arith.constant 0 : i32
    %dma_wait3A_2583 = tpu.memref_slice %arg2[%dma_wait3A_2582, %multiple_of3A] : memref<10000x10000xf32, #tpu.memory_space<hbm>> -> memref<8x128xf32, #tpu.memory_space<hbm>>
    tpu.wait_dma2 semaphore(%arg12 : memref<!tpu.dma_semaphore, #tpu.memory_space<semaphore_mem>>) src(%dma_wait3A_2583 : memref<8x128xf32, #tpu.memory_space<hbm>>) dst(%dma_wait3A_2581 : memref<8x128xf32, #tpu.memory_space<vmem>>)
    %dma_wait3A_2584 = arith.constant 38 : i32
    %dma_wait3A_2585 = arith.constant 0 : i32
    %dma_wait3A_2586 = arith.constant 0 : i32
    %dma_wait3A_2587 = tpu.memref_slice %arg11[%dma_wait3A_2584, %dma_wait3A_2585, %dma_wait3A_2586] : memref<64x8x128xf32, #tpu.memory_space<vmem>> -> memref<1x8x128xf32, #tpu.memory_space<vmem>>
    %dma_wait3A_2588 = tpu.memref_squeeze %dma_wait3A_2587 : memref<1x8x128xf32, #tpu.memory_space<vmem>> -> memref<8x128xf32, #tpu.memory_space<vmem>>
    %dma_wait3A_2589 = arith.constant 0 : i32
    %dma_wait3A_2590 = tpu.memref_slice %arg2[%dma_wait3A_2589, %multiple_of3A] : memref<10000x10000xf32, #tpu.memory_space<hbm>> -> memref<8x128xf32, #tpu.memory_space<hbm>>
    tpu.wait_dma2 semaphore(%arg12 : memref<!tpu.dma_semaphore, #tpu.memory_space<semaphore_mem>>) src(%dma_wait3A_2590 : memref<8x128xf32, #tpu.memory_space<hbm>>) dst(%dma_wait3A_2588 : memref<8x128xf32, #tpu.memory_space<vmem>>)
    %dma_wait3A_2591 = arith.constant 39 : i32
    %dma_wait3A_2592 = arith.constant 0 : i32
    %dma_wait3A_2593 = arith.constant 0 : i32
    %dma_wait3A_2594 = tpu.memref_slice %arg11[%dma_wait3A_2591, %dma_wait3A_2592, %dma_wait3A_2593] : memref<64x8x128xf32, #tpu.memory_space<vmem>> -> memref<1x8x128xf32, #tpu.memory_space<vmem>>
    %dma_wait3A_2595 = tpu.memref_squeeze %dma_wait3A_2594 : memref<1x8x128xf32, #tpu.memory_space<vmem>> -> memref<8x128xf32, #tpu.memory_space<vmem>>
    %dma_wait3A_2596 = arith.constant 0 : i32
    %dma_wait3A_2597 = tpu.memref_slice %arg2[%dma_wait3A_2596, %multiple_of3A] : memref<10000x10000xf32, #tpu.memory_space<hbm>> -> memref<8x128xf32, #tpu.memory_space<hbm>>
    tpu.wait_dma2 semaphore(%arg12 : memref<!tpu.dma_semaphore, #tpu.memory_space<semaphore_mem>>) src(%dma_wait3A_2597 : memref<8x128xf32, #tpu.memory_space<hbm>>) dst(%dma_wait3A_2595 : memref<8x128xf32, #tpu.memory_space<vmem>>)
    %dma_wait3A_2598 = arith.constant 40 : i32
    %dma_wait3A_2599 = arith.constant 0 : i32
    %dma_wait3A_2600 = arith.constant 0 : i32
    %dma_wait3A_2601 = tpu.memref_slice %arg11[%dma_wait3A_2598, %dma_wait3A_2599, %dma_wait3A_2600] : memref<64x8x128xf32, #tpu.memory_space<vmem>> -> memref<1x8x128xf32, #tpu.memory_space<vmem>>
    %dma_wait3A_2602 = tpu.memref_squeeze %dma_wait3A_2601 : memref<1x8x128xf32, #tpu.memory_space<vmem>> -> memref<8x128xf32, #tpu.memory_space<vmem>>
    %dma_wait3A_2603 = arith.constant 0 : i32
    %dma_wait3A_2604 = tpu.memref_slice %arg2[%dma_wait3A_2603, %multiple_of3A] : memref<10000x10000xf32, #tpu.memory_space<hbm>> -> memref<8x128xf32, #tpu.memory_space<hbm>>
    tpu.wait_dma2 semaphore(%arg12 : memref<!tpu.dma_semaphore, #tpu.memory_space<semaphore_mem>>) src(%dma_wait3A_2604 : memref<8x128xf32, #tpu.memory_space<hbm>>) dst(%dma_wait3A_2602 : memref<8x128xf32, #tpu.memory_space<vmem>>)
    %dma_wait3A_2605 = arith.constant 41 : i32
    %dma_wait3A_2606 = arith.constant 0 : i32
    %dma_wait3A_2607 = arith.constant 0 : i32
    %dma_wait3A_2608 = tpu.memref_slice %arg11[%dma_wait3A_2605, %dma_wait3A_2606, %dma_wait3A_2607] : memref<64x8x128xf32, #tpu.memory_space<vmem>> -> memref<1x8x128xf32, #tpu.memory_space<vmem>>
    %dma_wait3A_2609 = tpu.memref_squeeze %dma_wait3A_2608 : memref<1x8x128xf32, #tpu.memory_space<vmem>> -> memref<8x128xf32, #tpu.memory_space<vmem>>
    %dma_wait3A_2610 = arith.constant 0 : i32
    %dma_wait3A_2611 = tpu.memref_slice %arg2[%dma_wait3A_2610, %multiple_of3A] : memref<10000x10000xf32, #tpu.memory_space<hbm>> -> memref<8x128xf32, #tpu.memory_space<hbm>>
    tpu.wait_dma2 semaphore(%arg12 : memref<!tpu.dma_semaphore, #tpu.memory_space<semaphore_mem>>) src(%dma_wait3A_2611 : memref<8x128xf32, #tpu.memory_space<hbm>>) dst(%dma_wait3A_2609 : memref<8x128xf32, #tpu.memory_space<vmem>>)
    %dma_wait3A_2612 = arith.constant 42 : i32
    %dma_wait3A_2613 = arith.constant 0 : i32
    %dma_wait3A_2614 = arith.constant 0 : i32
    %dma_wait3A_2615 = tpu.memref_slice %arg11[%dma_wait3A_2612, %dma_wait3A_2613, %dma_wait3A_2614] : memref<64x8x128xf32, #tpu.memory_space<vmem>> -> memref<1x8x128xf32, #tpu.memory_space<vmem>>
    %dma_wait3A_2616 = tpu.memref_squeeze %dma_wait3A_2615 : memref<1x8x128xf32, #tpu.memory_space<vmem>> -> memref<8x128xf32, #tpu.memory_space<vmem>>
    %dma_wait3A_2617 = arith.constant 0 : i32
    %dma_wait3A_2618 = tpu.memref_slice %arg2[%dma_wait3A_2617, %multiple_of3A] : memref<10000x10000xf32, #tpu.memory_space<hbm>> -> memref<8x128xf32, #tpu.memory_space<hbm>>
    tpu.wait_dma2 semaphore(%arg12 : memref<!tpu.dma_semaphore, #tpu.memory_space<semaphore_mem>>) src(%dma_wait3A_2618 : memref<8x128xf32, #tpu.memory_space<hbm>>) dst(%dma_wait3A_2616 : memref<8x128xf32, #tpu.memory_space<vmem>>)
    %dma_wait3A_2619 = arith.constant 43 : i32
    %dma_wait3A_2620 = arith.constant 0 : i32
    %dma_wait3A_2621 = arith.constant 0 : i32
    %dma_wait3A_2622 = tpu.memref_slice %arg11[%dma_wait3A_2619, %dma_wait3A_2620, %dma_wait3A_2621] : memref<64x8x128xf32, #tpu.memory_space<vmem>> -> memref<1x8x128xf32, #tpu.memory_space<vmem>>
    %dma_wait3A_2623 = tpu.memref_squeeze %dma_wait3A_2622 : memref<1x8x128xf32, #tpu.memory_space<vmem>> -> memref<8x128xf32, #tpu.memory_space<vmem>>
    %dma_wait3A_2624 = arith.constant 0 : i32
    %dma_wait3A_2625 = tpu.memref_slice %arg2[%dma_wait3A_2624, %multiple_of3A] : memref<10000x10000xf32, #tpu.memory_space<hbm>> -> memref<8x128xf32, #tpu.memory_space<hbm>>
    tpu.wait_dma2 semaphore(%arg12 : memref<!tpu.dma_semaphore, #tpu.memory_space<semaphore_mem>>) src(%dma_wait3A_2625 : memref<8x128xf32, #tpu.memory_space<hbm>>) dst(%dma_wait3A_2623 : memref<8x128xf32, #tpu.memory_space<vmem>>)
    %dma_wait3A_2626 = arith.constant 44 : i32
    %dma_wait3A_2627 = arith.constant 0 : i32
    %dma_wait3A_2628 = arith.constant 0 : i32
    %dma_wait3A_2629 = tpu.memref_slice %arg11[%dma_wait3A_2626, %dma_wait3A_2627, %dma_wait3A_2628] : memref<64x8x128xf32, #tpu.memory_space<vmem>> -> memref<1x8x128xf32, #tpu.memory_space<vmem>>
    %dma_wait3A_2630 = tpu.memref_squeeze %dma_wait3A_2629 : memref<1x8x128xf32, #tpu.memory_space<vmem>> -> memref<8x128xf32, #tpu.memory_space<vmem>>
    %dma_wait3A_2631 = arith.constant 0 : i32
    %dma_wait3A_2632 = tpu.memref_slice %arg2[%dma_wait3A_2631, %multiple_of3A] : memref<10000x10000xf32, #tpu.memory_space<hbm>> -> memref<8x128xf32, #tpu.memory_space<hbm>>
    tpu.wait_dma2 semaphore(%arg12 : memref<!tpu.dma_semaphore, #tpu.memory_space<semaphore_mem>>) src(%dma_wait3A_2632 : memref<8x128xf32, #tpu.memory_space<hbm>>) dst(%dma_wait3A_2630 : memref<8x128xf32, #tpu.memory_space<vmem>>)
    %dma_wait3A_2633 = arith.constant 45 : i32
    %dma_wait3A_2634 = arith.constant 0 : i32
    %dma_wait3A_2635 = arith.constant 0 : i32
    %dma_wait3A_2636 = tpu.memref_slice %arg11[%dma_wait3A_2633, %dma_wait3A_2634, %dma_wait3A_2635] : memref<64x8x128xf32, #tpu.memory_space<vmem>> -> memref<1x8x128xf32, #tpu.memory_space<vmem>>
    %dma_wait3A_2637 = tpu.memref_squeeze %dma_wait3A_2636 : memref<1x8x128xf32, #tpu.memory_space<vmem>> -> memref<8x128xf32, #tpu.memory_space<vmem>>
    %dma_wait3A_2638 = arith.constant 0 : i32
    %dma_wait3A_2639 = tpu.memref_slice %arg2[%dma_wait3A_2638, %multiple_of3A] : memref<10000x10000xf32, #tpu.memory_space<hbm>> -> memref<8x128xf32, #tpu.memory_space<hbm>>
    tpu.wait_dma2 semaphore(%arg12 : memref<!tpu.dma_semaphore, #tpu.memory_space<semaphore_mem>>) src(%dma_wait3A_2639 : memref<8x128xf32, #tpu.memory_space<hbm>>) dst(%dma_wait3A_2637 : memref<8x128xf32, #tpu.memory_space<vmem>>)
    %dma_wait3A_2640 = arith.constant 46 : i32
    %dma_wait3A_2641 = arith.constant 0 : i32
    %dma_wait3A_2642 = arith.constant 0 : i32
    %dma_wait3A_2643 = tpu.memref_slice %arg11[%dma_wait3A_2640, %dma_wait3A_2641, %dma_wait3A_2642] : memref<64x8x128xf32, #tpu.memory_space<vmem>> -> memref<1x8x128xf32, #tpu.memory_space<vmem>>
    %dma_wait3A_2644 = tpu.memref_squeeze %dma_wait3A_2643 : memref<1x8x128xf32, #tpu.memory_space<vmem>> -> memref<8x128xf32, #tpu.memory_space<vmem>>
    %dma_wait3A_2645 = arith.constant 0 : i32
    %dma_wait3A_2646 = tpu.memref_slice %arg2[%dma_wait3A_2645, %multiple_of3A] : memref<10000x10000xf32, #tpu.memory_space<hbm>> -> memref<8x128xf32, #tpu.memory_space<hbm>>
    tpu.wait_dma2 semaphore(%arg12 : memref<!tpu.dma_semaphore, #tpu.memory_space<semaphore_mem>>) src(%dma_wait3A_2646 : memref<8x128xf32, #tpu.memory_space<hbm>>) dst(%dma_wait3A_2644 : memref<8x128xf32, #tpu.memory_space<vmem>>)
    %dma_wait3A_2647 = arith.constant 47 : i32
    %dma_wait3A_2648 = arith.constant 0 : i32
    %dma_wait3A_2649 = arith.constant 0 : i32
    %dma_wait3A_2650 = tpu.memref_slice %arg11[%dma_wait3A_2647, %dma_wait3A_2648, %dma_wait3A_2649] : memref<64x8x128xf32, #tpu.memory_space<vmem>> -> memref<1x8x128xf32, #tpu.memory_space<vmem>>
    %dma_wait3A_2651 = tpu.memref_squeeze %dma_wait3A_2650 : memref<1x8x128xf32, #tpu.memory_space<vmem>> -> memref<8x128xf32, #tpu.memory_space<vmem>>
    %dma_wait3A_2652 = arith.constant 0 : i32
    %dma_wait3A_2653 = tpu.memref_slice %arg2[%dma_wait3A_2652, %multiple_of3A] : memref<10000x10000xf32, #tpu.memory_space<hbm>> -> memref<8x128xf32, #tpu.memory_space<hbm>>
    tpu.wait_dma2 semaphore(%arg12 : memref<!tpu.dma_semaphore, #tpu.memory_space<semaphore_mem>>) src(%dma_wait3A_2653 : memref<8x128xf32, #tpu.memory_space<hbm>>) dst(%dma_wait3A_2651 : memref<8x128xf32, #tpu.memory_space<vmem>>)
    %dma_wait3A_2654 = arith.constant 48 : i32
    %dma_wait3A_2655 = arith.constant 0 : i32
    %dma_wait3A_2656 = arith.constant 0 : i32
    %dma_wait3A_2657 = tpu.memref_slice %arg11[%dma_wait3A_2654, %dma_wait3A_2655, %dma_wait3A_2656] : memref<64x8x128xf32, #tpu.memory_space<vmem>> -> memref<1x8x128xf32, #tpu.memory_space<vmem>>
    %dma_wait3A_2658 = tpu.memref_squeeze %dma_wait3A_2657 : memref<1x8x128xf32, #tpu.memory_space<vmem>> -> memref<8x128xf32, #tpu.memory_space<vmem>>
    %dma_wait3A_2659 = arith.constant 0 : i32
    %dma_wait3A_2660 = tpu.memref_slice %arg2[%dma_wait3A_2659, %multiple_of3A] : memref<10000x10000xf32, #tpu.memory_space<hbm>> -> memref<8x128xf32, #tpu.memory_space<hbm>>
    tpu.wait_dma2 semaphore(%arg12 : memref<!tpu.dma_semaphore, #tpu.memory_space<semaphore_mem>>) src(%dma_wait3A_2660 : memref<8x128xf32, #tpu.memory_space<hbm>>) dst(%dma_wait3A_2658 : memref<8x128xf32, #tpu.memory_space<vmem>>)
    %dma_wait3A_2661 = arith.constant 49 : i32
    %dma_wait3A_2662 = arith.constant 0 : i32
    %dma_wait3A_2663 = arith.constant 0 : i32
    %dma_wait3A_2664 = tpu.memref_slice %arg11[%dma_wait3A_2661, %dma_wait3A_2662, %dma_wait3A_2663] : memref<64x8x128xf32, #tpu.memory_space<vmem>> -> memref<1x8x128xf32, #tpu.memory_space<vmem>>
    %dma_wait3A_2665 = tpu.memref_squeeze %dma_wait3A_2664 : memref<1x8x128xf32, #tpu.memory_space<vmem>> -> memref<8x128xf32, #tpu.memory_space<vmem>>
    %dma_wait3A_2666 = arith.constant 0 : i32
    %dma_wait3A_2667 = tpu.memref_slice %arg2[%dma_wait3A_2666, %multiple_of3A] : memref<10000x10000xf32, #tpu.memory_space<hbm>> -> memref<8x128xf32, #tpu.memory_space<hbm>>
    tpu.wait_dma2 semaphore(%arg12 : memref<!tpu.dma_semaphore, #tpu.memory_space<semaphore_mem>>) src(%dma_wait3A_2667 : memref<8x128xf32, #tpu.memory_space<hbm>>) dst(%dma_wait3A_2665 : memref<8x128xf32, #tpu.memory_space<vmem>>)
    %dma_wait3A_2668 = arith.constant 50 : i32
    %dma_wait3A_2669 = arith.constant 0 : i32
    %dma_wait3A_2670 = arith.constant 0 : i32
    %dma_wait3A_2671 = tpu.memref_slice %arg11[%dma_wait3A_2668, %dma_wait3A_2669, %dma_wait3A_2670] : memref<64x8x128xf32, #tpu.memory_space<vmem>> -> memref<1x8x128xf32, #tpu.memory_space<vmem>>
    %dma_wait3A_2672 = tpu.memref_squeeze %dma_wait3A_2671 : memref<1x8x128xf32, #tpu.memory_space<vmem>> -> memref<8x128xf32, #tpu.memory_space<vmem>>
    %dma_wait3A_2673 = arith.constant 0 : i32
    %dma_wait3A_2674 = tpu.memref_slice %arg2[%dma_wait3A_2673, %multiple_of3A] : memref<10000x10000xf32, #tpu.memory_space<hbm>> -> memref<8x128xf32, #tpu.memory_space<hbm>>
    tpu.wait_dma2 semaphore(%arg12 : memref<!tpu.dma_semaphore, #tpu.memory_space<semaphore_mem>>) src(%dma_wait3A_2674 : memref<8x128xf32, #tpu.memory_space<hbm>>) dst(%dma_wait3A_2672 : memref<8x128xf32, #tpu.memory_space<vmem>>)
    %dma_wait3A_2675 = arith.constant 51 : i32
    %dma_wait3A_2676 = arith.constant 0 : i32
    %dma_wait3A_2677 = arith.constant 0 : i32
    %dma_wait3A_2678 = tpu.memref_slice %arg11[%dma_wait3A_2675, %dma_wait3A_2676, %dma_wait3A_2677] : memref<64x8x128xf32, #tpu.memory_space<vmem>> -> memref<1x8x128xf32, #tpu.memory_space<vmem>>
    %dma_wait3A_2679 = tpu.memref_squeeze %dma_wait3A_2678 : memref<1x8x128xf32, #tpu.memory_space<vmem>> -> memref<8x128xf32, #tpu.memory_space<vmem>>
    %dma_wait3A_2680 = arith.constant 0 : i32
    %dma_wait3A_2681 = tpu.memref_slice %arg2[%dma_wait3A_2680, %multiple_of3A] : memref<10000x10000xf32, #tpu.memory_space<hbm>> -> memref<8x128xf32, #tpu.memory_space<hbm>>
    tpu.wait_dma2 semaphore(%arg12 : memref<!tpu.dma_semaphore, #tpu.memory_space<semaphore_mem>>) src(%dma_wait3A_2681 : memref<8x128xf32, #tpu.memory_space<hbm>>) dst(%dma_wait3A_2679 : memref<8x128xf32, #tpu.memory_space<vmem>>)
    %dma_wait3A_2682 = arith.constant 52 : i32
    %dma_wait3A_2683 = arith.constant 0 : i32
    %dma_wait3A_2684 = arith.constant 0 : i32
    %dma_wait3A_2685 = tpu.memref_slice %arg11[%dma_wait3A_2682, %dma_wait3A_2683, %dma_wait3A_2684] : memref<64x8x128xf32, #tpu.memory_space<vmem>> -> memref<1x8x128xf32, #tpu.memory_space<vmem>>
    %dma_wait3A_2686 = tpu.memref_squeeze %dma_wait3A_2685 : memref<1x8x128xf32, #tpu.memory_space<vmem>> -> memref<8x128xf32, #tpu.memory_space<vmem>>
    %dma_wait3A_2687 = arith.constant 0 : i32
    %dma_wait3A_2688 = tpu.memref_slice %arg2[%dma_wait3A_2687, %multiple_of3A] : memref<10000x10000xf32, #tpu.memory_space<hbm>> -> memref<8x128xf32, #tpu.memory_space<hbm>>
    tpu.wait_dma2 semaphore(%arg12 : memref<!tpu.dma_semaphore, #tpu.memory_space<semaphore_mem>>) src(%dma_wait3A_2688 : memref<8x128xf32, #tpu.memory_space<hbm>>) dst(%dma_wait3A_2686 : memref<8x128xf32, #tpu.memory_space<vmem>>)
    %dma_wait3A_2689 = arith.constant 53 : i32
    %dma_wait3A_2690 = arith.constant 0 : i32
    %dma_wait3A_2691 = arith.constant 0 : i32
    %dma_wait3A_2692 = tpu.memref_slice %arg11[%dma_wait3A_2689, %dma_wait3A_2690, %dma_wait3A_2691] : memref<64x8x128xf32, #tpu.memory_space<vmem>> -> memref<1x8x128xf32, #tpu.memory_space<vmem>>
    %dma_wait3A_2693 = tpu.memref_squeeze %dma_wait3A_2692 : memref<1x8x128xf32, #tpu.memory_space<vmem>> -> memref<8x128xf32, #tpu.memory_space<vmem>>
    %dma_wait3A_2694 = arith.constant 0 : i32
    %dma_wait3A_2695 = tpu.memref_slice %arg2[%dma_wait3A_2694, %multiple_of3A] : memref<10000x10000xf32, #tpu.memory_space<hbm>> -> memref<8x128xf32, #tpu.memory_space<hbm>>
    tpu.wait_dma2 semaphore(%arg12 : memref<!tpu.dma_semaphore, #tpu.memory_space<semaphore_mem>>) src(%dma_wait3A_2695 : memref<8x128xf32, #tpu.memory_space<hbm>>) dst(%dma_wait3A_2693 : memref<8x128xf32, #tpu.memory_space<vmem>>)
    %dma_wait3A_2696 = arith.constant 54 : i32
    %dma_wait3A_2697 = arith.constant 0 : i32
    %dma_wait3A_2698 = arith.constant 0 : i32
    %dma_wait3A_2699 = tpu.memref_slice %arg11[%dma_wait3A_2696, %dma_wait3A_2697, %dma_wait3A_2698] : memref<64x8x128xf32, #tpu.memory_space<vmem>> -> memref<1x8x128xf32, #tpu.memory_space<vmem>>
    %dma_wait3A_2700 = tpu.memref_squeeze %dma_wait3A_2699 : memref<1x8x128xf32, #tpu.memory_space<vmem>> -> memref<8x128xf32, #tpu.memory_space<vmem>>
    %dma_wait3A_2701 = arith.constant 0 : i32
    %dma_wait3A_2702 = tpu.memref_slice %arg2[%dma_wait3A_2701, %multiple_of3A] : memref<10000x10000xf32, #tpu.memory_space<hbm>> -> memref<8x128xf32, #tpu.memory_space<hbm>>
    tpu.wait_dma2 semaphore(%arg12 : memref<!tpu.dma_semaphore, #tpu.memory_space<semaphore_mem>>) src(%dma_wait3A_2702 : memref<8x128xf32, #tpu.memory_space<hbm>>) dst(%dma_wait3A_2700 : memref<8x128xf32, #tpu.memory_space<vmem>>)
    %dma_wait3A_2703 = arith.constant 55 : i32
    %dma_wait3A_2704 = arith.constant 0 : i32
    %dma_wait3A_2705 = arith.constant 0 : i32
    %dma_wait3A_2706 = tpu.memref_slice %arg11[%dma_wait3A_2703, %dma_wait3A_2704, %dma_wait3A_2705] : memref<64x8x128xf32, #tpu.memory_space<vmem>> -> memref<1x8x128xf32, #tpu.memory_space<vmem>>
    %dma_wait3A_2707 = tpu.memref_squeeze %dma_wait3A_2706 : memref<1x8x128xf32, #tpu.memory_space<vmem>> -> memref<8x128xf32, #tpu.memory_space<vmem>>
    %dma_wait3A_2708 = arith.constant 0 : i32
    %dma_wait3A_2709 = tpu.memref_slice %arg2[%dma_wait3A_2708, %multiple_of3A] : memref<10000x10000xf32, #tpu.memory_space<hbm>> -> memref<8x128xf32, #tpu.memory_space<hbm>>
    tpu.wait_dma2 semaphore(%arg12 : memref<!tpu.dma_semaphore, #tpu.memory_space<semaphore_mem>>) src(%dma_wait3A_2709 : memref<8x128xf32, #tpu.memory_space<hbm>>) dst(%dma_wait3A_2707 : memref<8x128xf32, #tpu.memory_space<vmem>>)
    %dma_wait3A_2710 = arith.constant 56 : i32
    %dma_wait3A_2711 = arith.constant 0 : i32
    %dma_wait3A_2712 = arith.constant 0 : i32
    %dma_wait3A_2713 = tpu.memref_slice %arg11[%dma_wait3A_2710, %dma_wait3A_2711, %dma_wait3A_2712] : memref<64x8x128xf32, #tpu.memory_space<vmem>> -> memref<1x8x128xf32, #tpu.memory_space<vmem>>
    %dma_wait3A_2714 = tpu.memref_squeeze %dma_wait3A_2713 : memref<1x8x128xf32, #tpu.memory_space<vmem>> -> memref<8x128xf32, #tpu.memory_space<vmem>>
    %dma_wait3A_2715 = arith.constant 0 : i32
    %dma_wait3A_2716 = tpu.memref_slice %arg2[%dma_wait3A_2715, %multiple_of3A] : memref<10000x10000xf32, #tpu.memory_space<hbm>> -> memref<8x128xf32, #tpu.memory_space<hbm>>
    tpu.wait_dma2 semaphore(%arg12 : memref<!tpu.dma_semaphore, #tpu.memory_space<semaphore_mem>>) src(%dma_wait3A_2716 : memref<8x128xf32, #tpu.memory_space<hbm>>) dst(%dma_wait3A_2714 : memref<8x128xf32, #tpu.memory_space<vmem>>)
    %dma_wait3A_2717 = arith.constant 57 : i32
    %dma_wait3A_2718 = arith.constant 0 : i32
    %dma_wait3A_2719 = arith.constant 0 : i32
    %dma_wait3A_2720 = tpu.memref_slice %arg11[%dma_wait3A_2717, %dma_wait3A_2718, %dma_wait3A_2719] : memref<64x8x128xf32, #tpu.memory_space<vmem>> -> memref<1x8x128xf32, #tpu.memory_space<vmem>>
    %dma_wait3A_2721 = tpu.memref_squeeze %dma_wait3A_2720 : memref<1x8x128xf32, #tpu.memory_space<vmem>> -> memref<8x128xf32, #tpu.memory_space<vmem>>
    %dma_wait3A_2722 = arith.constant 0 : i32
    %dma_wait3A_2723 = tpu.memref_slice %arg2[%dma_wait3A_2722, %multiple_of3A] : memref<10000x10000xf32, #tpu.memory_space<hbm>> -> memref<8x128xf32, #tpu.memory_space<hbm>>
    tpu.wait_dma2 semaphore(%arg12 : memref<!tpu.dma_semaphore, #tpu.memory_space<semaphore_mem>>) src(%dma_wait3A_2723 : memref<8x128xf32, #tpu.memory_space<hbm>>) dst(%dma_wait3A_2721 : memref<8x128xf32, #tpu.memory_space<vmem>>)
    %dma_wait3A_2724 = arith.constant 58 : i32
    %dma_wait3A_2725 = arith.constant 0 : i32
    %dma_wait3A_2726 = arith.constant 0 : i32
    %dma_wait3A_2727 = tpu.memref_slice %arg11[%dma_wait3A_2724, %dma_wait3A_2725, %dma_wait3A_2726] : memref<64x8x128xf32, #tpu.memory_space<vmem>> -> memref<1x8x128xf32, #tpu.memory_space<vmem>>
    %dma_wait3A_2728 = tpu.memref_squeeze %dma_wait3A_2727 : memref<1x8x128xf32, #tpu.memory_space<vmem>> -> memref<8x128xf32, #tpu.memory_space<vmem>>
    %dma_wait3A_2729 = arith.constant 0 : i32
    %dma_wait3A_2730 = tpu.memref_slice %arg2[%dma_wait3A_2729, %multiple_of3A] : memref<10000x10000xf32, #tpu.memory_space<hbm>> -> memref<8x128xf32, #tpu.memory_space<hbm>>
    tpu.wait_dma2 semaphore(%arg12 : memref<!tpu.dma_semaphore, #tpu.memory_space<semaphore_mem>>) src(%dma_wait3A_2730 : memref<8x128xf32, #tpu.memory_space<hbm>>) dst(%dma_wait3A_2728 : memref<8x128xf32, #tpu.memory_space<vmem>>)
    %dma_wait3A_2731 = arith.constant 59 : i32
    %dma_wait3A_2732 = arith.constant 0 : i32
    %dma_wait3A_2733 = arith.constant 0 : i32
    %dma_wait3A_2734 = tpu.memref_slice %arg11[%dma_wait3A_2731, %dma_wait3A_2732, %dma_wait3A_2733] : memref<64x8x128xf32, #tpu.memory_space<vmem>> -> memref<1x8x128xf32, #tpu.memory_space<vmem>>
    %dma_wait3A_2735 = tpu.memref_squeeze %dma_wait3A_2734 : memref<1x8x128xf32, #tpu.memory_space<vmem>> -> memref<8x128xf32, #tpu.memory_space<vmem>>
    %dma_wait3A_2736 = arith.constant 0 : i32
    %dma_wait3A_2737 = tpu.memref_slice %arg2[%dma_wait3A_2736, %multiple_of3A] : memref<10000x10000xf32, #tpu.memory_space<hbm>> -> memref<8x128xf32, #tpu.memory_space<hbm>>
    tpu.wait_dma2 semaphore(%arg12 : memref<!tpu.dma_semaphore, #tpu.memory_space<semaphore_mem>>) src(%dma_wait3A_2737 : memref<8x128xf32, #tpu.memory_space<hbm>>) dst(%dma_wait3A_2735 : memref<8x128xf32, #tpu.memory_space<vmem>>)
    %dma_wait3A_2738 = arith.constant 60 : i32
    %dma_wait3A_2739 = arith.constant 0 : i32
    %dma_wait3A_2740 = arith.constant 0 : i32
    %dma_wait3A_2741 = tpu.memref_slice %arg11[%dma_wait3A_2738, %dma_wait3A_2739, %dma_wait3A_2740] : memref<64x8x128xf32, #tpu.memory_space<vmem>> -> memref<1x8x128xf32, #tpu.memory_space<vmem>>
    %dma_wait3A_2742 = tpu.memref_squeeze %dma_wait3A_2741 : memref<1x8x128xf32, #tpu.memory_space<vmem>> -> memref<8x128xf32, #tpu.memory_space<vmem>>
    %dma_wait3A_2743 = arith.constant 0 : i32
    %dma_wait3A_2744 = tpu.memref_slice %arg2[%dma_wait3A_2743, %multiple_of3A] : memref<10000x10000xf32, #tpu.memory_space<hbm>> -> memref<8x128xf32, #tpu.memory_space<hbm>>
    tpu.wait_dma2 semaphore(%arg12 : memref<!tpu.dma_semaphore, #tpu.memory_space<semaphore_mem>>) src(%dma_wait3A_2744 : memref<8x128xf32, #tpu.memory_space<hbm>>) dst(%dma_wait3A_2742 : memref<8x128xf32, #tpu.memory_space<vmem>>)
    %dma_wait3A_2745 = arith.constant 61 : i32
    %dma_wait3A_2746 = arith.constant 0 : i32
    %dma_wait3A_2747 = arith.constant 0 : i32
    %dma_wait3A_2748 = tpu.memref_slice %arg11[%dma_wait3A_2745, %dma_wait3A_2746, %dma_wait3A_2747] : memref<64x8x128xf32, #tpu.memory_space<vmem>> -> memref<1x8x128xf32, #tpu.memory_space<vmem>>
    %dma_wait3A_2749 = tpu.memref_squeeze %dma_wait3A_2748 : memref<1x8x128xf32, #tpu.memory_space<vmem>> -> memref<8x128xf32, #tpu.memory_space<vmem>>
    %dma_wait3A_2750 = arith.constant 0 : i32
    %dma_wait3A_2751 = tpu.memref_slice %arg2[%dma_wait3A_2750, %multiple_of3A] : memref<10000x10000xf32, #tpu.memory_space<hbm>> -> memref<8x128xf32, #tpu.memory_space<hbm>>
    tpu.wait_dma2 semaphore(%arg12 : memref<!tpu.dma_semaphore, #tpu.memory_space<semaphore_mem>>) src(%dma_wait3A_2751 : memref<8x128xf32, #tpu.memory_space<hbm>>) dst(%dma_wait3A_2749 : memref<8x128xf32, #tpu.memory_space<vmem>>)
    %dma_wait3A_2752 = arith.constant 62 : i32
    %dma_wait3A_2753 = arith.constant 0 : i32
    %dma_wait3A_2754 = arith.constant 0 : i32
    %dma_wait3A_2755 = tpu.memref_slice %arg11[%dma_wait3A_2752, %dma_wait3A_2753, %dma_wait3A_2754] : memref<64x8x128xf32, #tpu.memory_space<vmem>> -> memref<1x8x128xf32, #tpu.memory_space<vmem>>
    %dma_wait3A_2756 = tpu.memref_squeeze %dma_wait3A_2755 : memref<1x8x128xf32, #tpu.memory_space<vmem>> -> memref<8x128xf32, #tpu.memory_space<vmem>>
    %dma_wait3A_2757 = arith.constant 0 : i32
    %dma_wait3A_2758 = tpu.memref_slice %arg2[%dma_wait3A_2757, %multiple_of3A] : memref<10000x10000xf32, #tpu.memory_space<hbm>> -> memref<8x128xf32, #tpu.memory_space<hbm>>
    tpu.wait_dma2 semaphore(%arg12 : memref<!tpu.dma_semaphore, #tpu.memory_space<semaphore_mem>>) src(%dma_wait3A_2758 : memref<8x128xf32, #tpu.memory_space<hbm>>) dst(%dma_wait3A_2756 : memref<8x128xf32, #tpu.memory_space<vmem>>)
    %dma_wait3A_2759 = arith.constant 63 : i32
    %dma_wait3A_2760 = arith.constant 0 : i32
    %dma_wait3A_2761 = arith.constant 0 : i32
    %dma_wait3A_2762 = tpu.memref_slice %arg11[%dma_wait3A_2759, %dma_wait3A_2760, %dma_wait3A_2761] : memref<64x8x128xf32, #tpu.memory_space<vmem>> -> memref<1x8x128xf32, #tpu.memory_space<vmem>>
    %dma_wait3A_2763 = tpu.memref_squeeze %dma_wait3A_2762 : memref<1x8x128xf32, #tpu.memory_space<vmem>> -> memref<8x128xf32, #tpu.memory_space<vmem>>
    %dma_wait3A_2764 = arith.constant 0 : i32
    %dma_wait3A_2765 = tpu.memref_slice %arg2[%dma_wait3A_2764, %multiple_of3A] : memref<10000x10000xf32, #tpu.memory_space<hbm>> -> memref<8x128xf32, #tpu.memory_space<hbm>>
    tpu.wait_dma2 semaphore(%arg12 : memref<!tpu.dma_semaphore, #tpu.memory_space<semaphore_mem>>) src(%dma_wait3A_2765 : memref<8x128xf32, #tpu.memory_space<hbm>>) dst(%dma_wait3A_2763 : memref<8x128xf32, #tpu.memory_space<vmem>>)
    %get3A_2766 = arith.constant 0 : index
    %get3A_2767 = vector.load %arg3[%get3A_2766] : memref<64xi32, #tpu.memory_space<vmem>>, vector<64xi32>
    %jit3A_2768 = arith.constant 8 : i32
    %eq3A = arith.constant 0 : i32
    %eq3A_2769 = arith.cmpi eq, %jit3A_2768, %eq3A : i32
    %jit3A_2770 = arith.constant 1 : i32
    %select_n3A_2771 = arith.select %eq3A_2769, %jit3A_2770, %jit3A_2768 : i32
    %rem3A_2772 = vector.broadcast %select_n3A_2771 : i32 to vector<64xi32>
    %rem3A_2773 = arith.remsi %get3A_2767, %rem3A_2772 : vector<64xi32>
    %ne3A_2774 = arith.constant 0 : i32
    %ne3A_2775 = vector.broadcast %ne3A_2774 : i32 to vector<64xi32>
    %ne3A_2776 = arith.cmpi ne, %rem3A_2773, %ne3A_2775 : vector<64xi32>
    %lt3A = arith.constant 0 : i32
    %lt3A_2777 = vector.broadcast %lt3A : i32 to vector<64xi32>
    %lt3A_2778 = arith.cmpi slt, %rem3A_2773, %lt3A_2777 : vector<64xi32>
    %lt3A_2779 = arith.constant 0 : i32
    %lt3A_2780 = arith.cmpi slt, %select_n3A_2771, %lt3A_2779 : i32
    %ne3A_2781 = vector.broadcast %lt3A_2780 : i1 to vector<64xi1>
    %ne3A_2782 = vector.broadcast %ne3A_2781 : vector<64xi1> to vector<64xi1>
    %ne3A_2783 = arith.xori %lt3A_2778, %ne3A_2782 : vector<64xi1>
    %and3A_2784 = arith.andi %ne3A_2783, %ne3A_2776 : vector<64xi1>
    %add3A_2785 = vector.broadcast %select_n3A_2771 : i32 to vector<64xi32>
    %add3A_2786 = arith.addi %rem3A_2773, %add3A_2785 : vector<64xi32>
    %select_n3A_2787 = arith.select %and3A_2784, %add3A_2786, %rem3A_2773 : vector<64xi1>, vector<64xi32>
    %iota3A = tpu.iota {dimensions = array<i32: 1>} : vector<64x8x128xi32>
    %broadcast_in_dim3A_2788 = vector.shape_cast %select_n3A_2787 : vector<64xi32> to vector<64x1x1xi32>
    %eq3A_2789 = vector.broadcast %broadcast_in_dim3A_2788 : vector<64x1x1xi32> to vector<64x8x128xi32>
    %eq3A_2790 = arith.cmpi eq, %iota3A, %eq3A_2789 : vector<64x8x128xi32>
    %iota3A_2791 = tpu.iota {dimensions = array<i32: 2>} : vector<64x8x128xi32>
    %eq3A_2792 = vector.broadcast %sub3A_18 : i32 to vector<64x8x128xi32>
    %eq3A_2793 = arith.cmpi eq, %iota3A_2791, %eq3A_2792 : vector<64x8x128xi32>
    %and3A_2794 = arith.andi %eq3A_2790, %eq3A_2793 : vector<64x8x128xi1>
    %get3A_2795 = arith.constant 0 : index
    %get3A_2796 = arith.constant 0 : index
    %get3A_2797 = arith.constant 0 : index
    %get3A_2798 = vector.load %arg11[%get3A_2795, %get3A_2796, %get3A_2797] : memref<64x8x128xf32, #tpu.memory_space<vmem>>, vector<64x8x128xf32>
    %jit3A_2799 = arith.constant 0.000000e+00 : f32
    %broadcast_in_dim3A_2800 = vector.broadcast %jit3A_2799 : f32 to vector<64x8x128xf32>
    %select_n3A_2801 = arith.select %and3A_2794, %get3A_2798, %broadcast_in_dim3A_2800 : vector<64x8x128xi1>, vector<64x8x128xf32>
    %reduce_sum3A = arith.constant dense<0.000000e+00> : vector<64xf32>
    %reduce_sum3A_2802 = vector.multi_reduction <add>, %select_n3A_2801, %reduce_sum3A [1, 2] : vector<64x8x128xf32> to vector<64xf32>
    %reduce_sum3A_2803 = vector.shape_cast %reduce_sum3A_2802 : vector<64xf32> to vector<1x64xf32>
    %reduce_sum3A_2804 = arith.constant dense<0.000000e+00> : vector<1xf32>
    %reduce_sum3A_2805 = vector.multi_reduction <add>, %reduce_sum3A_2803, %reduce_sum3A_2804 [1] : vector<1x64xf32> to vector<1xf32>
    %reduce_sum3A_2806 = vector.shape_cast %reduce_sum3A_2805 : vector<1xf32> to vector<1x1xf32>
    %reduce_sum3A_2807 = vector.extract %reduce_sum3A_2806[0, 0] : f32 from vector<1x1xf32>
    %add3A_2808 = arith.constant 9.99999997E-7 : f32
    %add3A_2809 = arith.addf %reduce_sum3A_2807, %add3A_2808 : f32
    %broadcast_in_dim3A_2810 = vector.shape_cast %reduce_sum3A_2802 : vector<64xf32> to vector<64x1xf32>
    %mul3A_2811 = vector.broadcast %broadcast_in_dim3A_2810 : vector<64x1xf32> to vector<64x256xf32>
    %mul3A_2812 = arith.mulf %select_n3A_2273, %mul3A_2811 : vector<64x256xf32>
    %reduce_sum3A_2813 = arith.constant dense<0.000000e+00> : vector<256xf32>
    %reduce_sum3A_2814 = vector.multi_reduction <add>, %mul3A_2812, %reduce_sum3A_2813 [0] : vector<64x256xf32> to vector<256xf32>
    %broadcast_in_dim3A_2815 = vector.shape_cast %reduce_sum3A_2814 : vector<256xf32> to vector<1x256xf32>
    %div3A_2816 = vector.broadcast %add3A_2809 : f32 to vector<1x256xf32>
    %div3A_2817 = arith.divf %broadcast_in_dim3A_2815, %div3A_2816 : vector<1x256xf32>
    %broadcast_in_dim3A_2818 = vector.shape_cast %reduce_sum3A_2802 : vector<64xf32> to vector<64x1xf32>
    %mul3A_2819 = vector.broadcast %broadcast_in_dim3A_2818 : vector<64x1xf32> to vector<64x256xf32>
    %mul3A_2820 = arith.mulf %select_n3A_2288, %mul3A_2819 : vector<64x256xf32>
    %reduce_sum3A_2821 = arith.constant dense<0.000000e+00> : vector<256xf32>
    %reduce_sum3A_2822 = vector.multi_reduction <add>, %mul3A_2820, %reduce_sum3A_2821 [0] : vector<64x256xf32> to vector<256xf32>
    %broadcast_in_dim3A_2823 = vector.shape_cast %reduce_sum3A_2822 : vector<256xf32> to vector<1x256xf32>
    %div3A_2824 = vector.broadcast %add3A_2809 : f32 to vector<1x256xf32>
    %div3A_2825 = arith.divf %broadcast_in_dim3A_2823, %div3A_2824 : vector<1x256xf32>
    %broadcast_in_dim3A_2826 = vector.shape_cast %reduce_sum3A_2802 : vector<64xf32> to vector<64x1xf32>
    %mul3A_2827 = vector.broadcast %broadcast_in_dim3A_2826 : vector<64x1xf32> to vector<64x256xf32>
    %mul3A_2828 = arith.mulf %select_n3A_2303, %mul3A_2827 : vector<64x256xf32>
    %reduce_sum3A_2829 = arith.constant dense<0.000000e+00> : vector<256xf32>
    %reduce_sum3A_2830 = vector.multi_reduction <add>, %mul3A_2828, %reduce_sum3A_2829 [0] : vector<64x256xf32> to vector<256xf32>
    %broadcast_in_dim3A_2831 = vector.shape_cast %reduce_sum3A_2830 : vector<256xf32> to vector<1x256xf32>
    %div3A_2832 = vector.broadcast %add3A_2809 : f32 to vector<1x256xf32>
    %div3A_2833 = arith.divf %broadcast_in_dim3A_2831, %div3A_2832 : vector<1x256xf32>
    %broadcast_in_dim3A_2834 = vector.shape_cast %reduce_sum3A_2802 : vector<64xf32> to vector<64x1xf32>
    %mul3A_2835 = vector.broadcast %broadcast_in_dim3A_2834 : vector<64x1xf32> to vector<64x256xf32>
    %mul3A_2836 = arith.mulf %select_n3A_2318, %mul3A_2835 : vector<64x256xf32>
    %reduce_sum3A_2837 = arith.constant dense<0.000000e+00> : vector<256xf32>
    %reduce_sum3A_2838 = vector.multi_reduction <add>, %mul3A_2836, %reduce_sum3A_2837 [0] : vector<64x256xf32> to vector<256xf32>
    %broadcast_in_dim3A_2839 = vector.shape_cast %reduce_sum3A_2838 : vector<256xf32> to vector<1x256xf32>
    %div3A_2840 = vector.broadcast %add3A_2809 : f32 to vector<1x256xf32>
    %div3A_2841 = arith.divf %broadcast_in_dim3A_2839, %div3A_2840 : vector<1x256xf32>
    %concatenate3A = tpu.concatenate %div3A_2817, %div3A_2825, %div3A_2833, %div3A_2841 in 0 : vector<1x256xf32>, vector<1x256xf32>, vector<1x256xf32>, vector<1x256xf32> -> vector<4x256xf32>
    %get3A_2842 = arith.constant 0 : index
    %get3A_2843 = arith.constant 0 : index
    %get3A_2844 = vector.load %arg5[%get3A_2842, %get3A_2843] : memref<4x128xf32, #tpu.memory_space<vmem>>, vector<4x128xf32>
    %concatenate3A_2845 = tpu.concatenate %get3A_2844, %concatenate3A in 1 : vector<4x128xf32>, vector<4x256xf32> -> vector<4x384xf32>
    %get3A_2846 = arith.constant 0 : index
    %get3A_2847 = arith.constant 0 : index
    %get3A_2848 = vector.load %arg8[%get3A_2846, %get3A_2847] : memref<384x128xf32, #tpu.memory_space<vmem>>, vector<384x128xf32>
    %dot_general3A_2849 = arith.constant dense<0.000000e+00> : vector<4x128xf32>
    %dot_general3A_2850 = tpu.matmul %concatenate3A_2845, %get3A_2848, %dot_general3A_2849 {dimension_numbers = #tpu.dot_dimension_numbers<[1], [0], [0], [1], [0, 0, 1, 1], [], []>, precision = #tpu.contract_precision<fp32>, transpose_lhs_hint = false} : vector<4x384xf32>, vector<384x128xf32>, vector<4x128xf32> -> vector<4x128xf32>
    %get3A_2851 = arith.constant 0 : index
    %get3A_2852 = vector.load %arg9[%get3A_2851] : memref<128xf32, #tpu.memory_space<vmem>>, vector<128xf32>
    %broadcast_in_dim3A_2853 = vector.shape_cast %get3A_2852 : vector<128xf32> to vector<1x128xf32>
    %add3A_2854 = vector.broadcast %broadcast_in_dim3A_2853 : vector<1x128xf32> to vector<4x128xf32>
    %add3A_2855 = arith.addf %dot_general3A_2850, %add3A_2854 : vector<4x128xf32>
    %ge3A_2856 = arith.constant 0.000000e+00 : f32
    %ge3A_2857 = vector.broadcast %ge3A_2856 : f32 to vector<4x128xf32>
    %ge3A_2858 = arith.cmpf oge, %add3A_2855, %ge3A_2857 : vector<4x128xf32>
    %mul3A_2859 = arith.constant 3.000000e-01 : f32
    %mul3A_2860 = vector.broadcast %mul3A_2859 : f32 to vector<4x128xf32>
    %mul3A_2861 = arith.mulf %mul3A_2860, %add3A_2855 : vector<4x128xf32>
    %select_n3A_2862 = arith.select %ge3A_2858, %add3A_2855, %mul3A_2861 : vector<4x128xi1>, vector<4x128xf32>
    %mul3A_2863 = arith.mulf %select_n3A_2862, %select_n3A_2862 : vector<4x128xf32>
    %reduce_sum3A_2864 = arith.constant dense<0.000000e+00> : vector<4xf32>
    %reduce_sum3A_2865 = vector.multi_reduction <add>, %mul3A_2863, %reduce_sum3A_2864 [1] : vector<4x128xf32> to vector<4xf32>
    %broadcast_in_dim3A_2866 = vector.shape_cast %reduce_sum3A_2865 : vector<4xf32> to vector<4x1xf32>
    %sqrt3A = math.sqrt %broadcast_in_dim3A_2866 : vector<4x1xf32>
    %add3A_2867 = arith.constant 9.99999997E-7 : f32
    %add3A_2868 = vector.broadcast %add3A_2867 : f32 to vector<4x1xf32>
    %add3A_2869 = arith.addf %sqrt3A, %add3A_2868 : vector<4x1xf32>
    %div3A_2870 = vector.broadcast %add3A_2869 : vector<4x1xf32> to vector<4x128xf32>
    %div3A_2871 = arith.divf %select_n3A_2862, %div3A_2870 : vector<4x128xf32>
    %swap3A = arith.constant 0 : index
    %swap3A_2872 = arith.constant 0 : index
    %swap3A_2873 = vector.load %arg10[%swap3A, %swap3A_2872] : memref<4x128xf32, #tpu.memory_space<vmem>>, vector<4x128xf32>
    tpu.vector_store %arg10[%swap3A, %swap3A_2872], %div3A_2871 {strides = array<i32>} : memref<4x128xf32, #tpu.memory_space<vmem>>, vector<4x128xf32>,
    return
  }
}

</mosaic_0001>

<sc_bundles>
// kernel: kernel.4.cloned.1.call-start
scs
__scs_entry_jumppad:
0x0: {  	(pc) =	sbr.rel $0x88, $3  }
0x1: {  	(tag) =	ssettag $0x0;
	lr =	simm.s32 $0x1  }
0x2: {  	[smem:$0x3F99] =	sst lr;
	_ =	strace $0xD0000000  }
0x3: {  	_ = 	snop  }
0x4: {  	_ = 	snop  }
0x5: {  	_ = 	snop  }
0x6: {  	_ = 	snop  }
0x7: {  	_ = 	snop  }
__scs_overlays_trampoline_lowered:
0x8: {  	[smem:$0x3FA8] =	sst s0  }
0x9: {  	[smem:$0x3FA9] =	sst s1  }
0xa: {  	[smem:$0x3FAA] =	sst s2  }
0xb: {  	[smem:$0x3FAB] =	sst s3  }
0xc: {  	[smem:$0x3FAC] =	sst s4  }
0xd: {  	[smem:$0x3FAD] =	sst s5  }
0xe: {  	[smem:$0x3FAE] =	sst s6  }
0xf: {  	[smem:$0x3FAF] =	sst s7  }
0x10: {  	[smem:$0x3FB0] =	sst s8  }
0x11: {  	[smem:$0x3FB1] =	sst s9;
	s0 =	simm.s32 @!p0 $0x0  }
0x12: {  	s1 =	sld [smem:$0x3F97];
	s0 =	simm.s32 @p0 $0x1  }
0x13: {  	[smem:$0x3FB2] =	sst s0;
	s0 =	simm.s32 @!p1 $0x0  }
0x14: {  	s2 =	sld [smem:$0x3F96];
	s0 =	simm.s32 @p1 $0x1  }
0x15: {  	[smem:$0x3FB3] =	sst s0;
	s0 =	simm.s32 @!p2 $0x0  }
0x16: {  	s3 =	sld [smem:$0x3FDB];
	s0 =	simm.s32 @p2 $0x1  }
0x17: {  	s4 =	simm.s32 $0x1BF5;
	[smem:$0x3FB5] =	sst s0  }
0x18: {  	s0 =	sld [smem:$0x3F98];
	_ =	swait.ge [sflag:s4], $0x0  }
0x19: {  	s7 =	sld [smem:$0x3F99]  }
0x1a: {  	s8 =	sadd.s32 $0xFFFFE003, lr  }
0x1b: {  	s9 =	sadd.s32 $0xFFFFFEF7, lr;
	s5 =	simm.s32 $0xFFFFFFFF;
	p2 =	slt.u32 s8, $0xFFFFF086  }
0x1c: {  	p1 =	slt.u32 s9, $0xF7A;
	s5 =	simm.s32 @!p2 $0x0  }
0x1d: {  	s5 =	simm.s32 @p1 $0x1;
	p0 =	seq.s32 s7, s2  }
0x1e: {  	s7 =	smul.u32 @!p0 $0xF7A, s2;
	p2 =	seq.s32 @!p0 s5, $0x0  }
0x1f: {  	s9 =	smul.u32 $0xF7A, s1;
	s8 =	simm.s32 @!p0 $0x1BF5;
	p2 =	por !p2, p0  }
0x20: {  	[sflag:s8] =	ssyncset.s32 @!p0 $0xFFFFF086;
	s6 =	sadd.s32 @!p0 s3, s7;
	s7 =	simm.s32 @!p0 $0x108  }
0x21: {  	s3 =	sadd.s32 s3, s9;
	s6 =	sadd.s32 @!p0 $0x88, s6;
	s7 =	simm.s32 @p2 $0x1082  }
0x22: {  	[simem:s7], [sflag:s8] =	dma.local @!p0 [hbm:s6], $0xF7A  }
0x23: {  	s9 =	sor.u32 $0xD0000000, s2;
	s6 =	simm.s32 $0x108;
	_ =	swait.ge @!p0 [sflag:s8], $0x0  }
0x24: {  	s3 =	sadd.s32 $0x88, s3;
	s6 =	simm.s32 @!p1 $0x1082;
	[sflag:s4] =	ssyncset.s32 $0xFFFFF086  }
0x25: {  	[simem:s6], [sflag:s4] =	dma.local [hbm:s3], $0xF7A  }
0x26: {  	[smem:$0x3F99] =	sst s1;
	(tag) =	ssettag s2;
	_ =	strace s9  }
0x27: {  	s1 =	sld [smem:$0x3FA9]  }
0x28: {  	s2 =	sld [smem:$0x3FAA]  }
0x29: {  	s4 =	sld [smem:$0x3FAC]  }
0x2a: {  	p0 =	seq.s32 s5, $0x0;
	s5 =	sld [smem:$0x3FAD]  }
0x2b: {  	s6 =	sld [smem:$0x3FAE]  }
0x2c: {  	s7 =	sld [smem:$0x3FAF]  }
0x2d: {  	s3 =	simm.s32 $0x108;
	s8 =	sld [smem:$0x3FB0]  }
0x2e: {  	s3 =	simm.s32 @!p0 $0x1082;
	s9 =	sld [smem:$0x3FB1]  }
0x2f: {  	lr =	sadd.s32 s0, s3;
	s0 =	sld [smem:$0x3FA8]  }
0x30: {  	s3 =	sld [smem:$0x3FAB]  }
0x31: {  	[smem:$0x3FB4] =	sst s10  }
0x32: {  	s10 =	sld [smem:$0x3FB2];
	_ =	sdelay $0x3  }
0x33: {  	p0 =	seq.s32 s10, $0x1;
	s10 =	sld [smem:$0x3FB4];
	_ =	sdelay $0x3  }
0x34: {  	[smem:$0x3FB4] =	sst s10  }
0x35: {  	s10 =	sld [smem:$0x3FB3];
	_ =	sdelay $0x3  }
0x36: {  	p1 =	seq.s32 s10, $0x1;
	s10 =	sld [smem:$0x3FB4];
	_ =	sdelay $0x3  }
0x37: {  	[smem:$0x3FB4] =	sst s10  }
0x38: {  	s10 =	sld [smem:$0x3FB5]  }
0x39: {  	_ = 	snop;
	(pc) =	sbr.ind lr, $3  }
0x3a: {  	_ = 	snop  }
0x3b: {  	_ = 	snop  }
0x3c: {  	p2 =	seq.s32 s10, $0x1;
	s10 =	sld [smem:$0x3FB4]  }
0x3d: {  	_ =	shalt  }
0x3e: {  	_ =	shalt  }
0x3f: {  	_ =	shalt  }
0x40: {  	_ =	shalt  }
0x41: {  	_ =	shalt  }
0x42: {  	_ =	shalt  }
0x43: {  	_ =	shalt  }
0x44: {  	_ =	shalt  }
0x45: {  	_ =	shalt  }
0x46: {  	_ =	shalt  }
0x47: {  	_ =	shalt  }
0x48: {  	_ =	shalt  }
0x49: {  	_ =	shalt  }
0x4a: {  	_ =	shalt  }
0x4b: {  	_ =	shalt  }
0x4c: {  	_ =	shalt  }
0x4d: {  	_ =	shalt  }
0x4e: {  	_ =	shalt  }
0x4f: {  	_ =	shalt  }
0x50: {  	_ =	shalt  }
0x51: {  	_ =	shalt  }
0x52: {  	_ =	shalt  }
0x53: {  	_ =	shalt  }
0x54: {  	_ =	shalt  }
0x55: {  	_ =	shalt  }
0x56: {  	_ =	shalt  }
0x57: {  	_ =	shalt  }
0x58: {  	_ =	shalt  }
0x59: {  	_ =	shalt  }
0x5a: {  	_ =	shalt  }
0x5b: {  	_ =	shalt  }
0x5c: {  	_ =	shalt  }
0x5d: {  	_ =	shalt  }
0x5e: {  	_ =	shalt  }
0x5f: {  	_ =	shalt  }
0x60: {  	_ =	shalt  }
0x61: {  	_ =	shalt  }
0x62: {  	_ =	shalt  }
0x63: {  	_ =	shalt  }
0x64: {  	_ =	shalt  }
0x65: {  	_ =	shalt  }
0x66: {  	_ =	shalt  }
0x67: {  	_ =	shalt  }
0x68: {  	_ =	shalt  }
0x69: {  	_ =	shalt  }
0x6a: {  	_ =	shalt  }
0x6b: {  	_ =	shalt  }
0x6c: {  	_ =	shalt  }
0x6d: {  	_ =	shalt  }
0x6e: {  	_ =	shalt  }
0x6f: {  	_ =	shalt  }
0x70: {  	_ =	shalt  }
0x71: {  	_ =	shalt  }
0x72: {  	_ =	shalt  }
0x73: {  	_ =	shalt  }
0x74: {  	_ =	shalt  }
0x75: {  	_ =	shalt  }
0x76: {  	_ =	shalt  }
0x77: {  	_ =	shalt  }
0x78: {  	_ =	shalt  }
0x79: {  	_ =	shalt  }
0x7a: {  	_ =	shalt  }
0x7b: {  	_ =	shalt  }
0x7c: {  	_ =	shalt  }
0x7d: {  	_ =	shalt  }
0x7e: {  	_ =	shalt  }
0x7f: {  	_ =	shalt  }
0x80: {  	_ =	shalt  }
0x81: {  	_ =	shalt  }
0x82: {  	_ =	shalt  }
0x83: {  	_ =	shalt  }
0x84: {  	_ =	shalt  }
0x85: {  	_ =	shalt  }
0x86: {  	_ =	shalt  }
0x87: {  	_ =	shalt  }
.Lfunc_end0:
.L_simem_size_0:
called_computation_lowered:
.L_overlay_start_0:
0x88: {  	s0 =	sld [smem:$0x3FD9]  }
0x89: {  	s1 =	sld [smem:$0x3FFE];
	_ =	sdelay $0x3  }
0x8a: {  	s0 =	sadd.s32 s1, s0  }
0x8b: {  	[smem:$0x3FC0] =	sst s0  }
0x8c: {  	_ = 	snop  }
0x8d: {  	s0 =	sld [smem:$0x3FC9]  }
0x8e: {  	s16 =	sld [smem:$0x3FC3]  }
0x8f: {  	s2 =	sld [smem:$0x3FC2]  }
0x90: {  	s3 =	sld [smem:$0x3FD0];
	(tm) =	ssettm $0x1  }
0x91: {  	s4 =	sld [smem:$0x3FFB];
	_ =	sdelay $0x3  }
0x92: {  	_ =	strace s4  }
0x93: {  	s4 =	sld [smem:$0x3FFC];
	_ =	sdelay $0x3  }
0x94: {  	_ =	strace s4  }
0x95: {  	s4 =	sld [smem:$0x3FFD];
	_ =	sdelay $0x3  }
0x96: {  	_ =	strace s4  }
0x97: {  	_ =	strace $0x8FFFFFFF  }
0x98: {  	s17 =	sld [smem:$0x3FDB];
	_ =	sdelay $0x1  }
0x99: {  	s5 =	simm.s32 $_scs_section_size  }
0x9a: {  	s6 =	simm.s32 $_size__tile_overlayer_lowered;
	s7 =	simm.s32 $_tile_overlayer_lowered  }
0x9b: {  	s20 =	simm.s32 $0x1BFF;
	s19 =	sshll.u32 s7, $0x1;
	s4 =	sadd.s32 s5, s17  }
0x9c: {  	s8 =	simm.s32 $0x0;
	s18 =	sshll.u32 s6, $0x1;
	s6 =	sadd.s32 s19, s4  }
0x9d: {  	[timem:s8], [sflag:s20] =	dma.local [hbm:s6], s18  }
0x9e: {  	_ =	swait.ge [sflag:s20], s18  }
0x9f: {  	s5 =	ssub.s32 $0x0, s18;
	[sflag:s20] =	ssyncset.done $0x0  }
0xa0: {  	[sflag:s20] =	ssyncadd.s32 s5;
	_ =	sdelay $0x1  }
0xa1: {  	s21 =	simm.s32 $0x1B8B  }
0xa2: {  	_ =	swait.ge [sflag:s21], $0x1  }
0xa3: {  	[sflag:s21] =	ssyncset.done $0x0  }
0xa4: {  	s23 =	simm.s32 $0x1B8E;
	s22 =	sld [smem:$0x3FFE];
	[sflag:s21] =	ssyncadd.s32 $0xFFFFFFFF  }
0xa5: {  	s24 =	simm.s32 $execute0_lowered;
	[smem:$0x3FD2] =	sst s23  }
0xa6: {  	s6 =	sshll.u32 s24, $0x1;
	_ =	strace $0x80000046;
	[dreg:$0x1] =	wrdreg $0xFFFFFFFF  }
0xa7: {  	s25 =	simm.s32 $_size_execute0_lowered;
	s4 =	sadd.s32 s4, s6;
	[dreg:$0x0] =	wrdreg $0x0  }
0xa8: {  	s6 =	sshll.u32 s25, $0x1;
	[dreg:$0x2] =	wrdreg s4  }
0xa9: {  	[dreg:$0x3] =	wrdreg s6  }
0xaa: {  	[dreg:$0x4] =	wrdreg $0xC0  }
0xab: {  	_ =	task [dreg:s8], $0x5FFFF  }
0xac: {  	[dreg:$0x1] =	wrdreg $0xFFFFFFFF  }
0xad: {  	[dreg:$0x0] =	wrdreg $0x60  }
0xae: {  	[dreg:$0x2] =	wrdreg s0  }
0xaf: {  	[dreg:$0x3] =	wrdreg s16  }
0xb0: {  	[dreg:$0x4] =	wrdreg s2  }
0xb1: {  	[dreg:$0x5] =	wrdreg s22  }
0xb2: {  	[dreg:$0x6] =	wrdreg s3  }
0xb3: {  	[dreg:$0x7] =	wrdreg $0x9  }
0xb4: {  	_ =	task.clear_ibuf [dreg:s8], $0x8FFFF;
	_ =	strace $0x90000046  }
0xb5: {  	s26 =	simm.s32 $0x9;
	_ =	strace $0x80000048  }
0xb6: {  	_ =	swait.ge [sflag:s26], $0x1  }
0xb7: {  	[sflag:s26] =	ssyncadd.s32 $0xFFFFFFFF  }
0xb8: {  	_ =	strace $0x90000048  }
0xb9: {  	_ =	sfence  }
0xba: {  	s28 =	sld [smem:$0x0];
	_ =	sdelay $0x1  }
0xbb: {  	s29 =	srdreg.scid  }
0xbc: {  	s30 =	sshll.u32 s29, $0xD;
	s31 =	sshrl.u32 s29, $0x2  }
0xbd: {  	s1 =	sand.u32 $0x1, s29;
	s2 =	sand.u32 $0x4000, s30;
	s0 =	sadd.s32 s31, s28  }
0xbe: {  	s1 =	sor.u32 s2, s1;
	s0 =	sshll.u32 s0, $0x11  }
0xbf: {  	s0 =	sor.u32 s0, s1  }
0xc0: {  	s0 =	sadd.s32 $0x8F2B, s0  }
0xc1: {  	[sflag:s0] =	ssyncadd.remote.s32 $0x1  }
0xc2: {  	_ =	sfence.sel $0xFFFF  }
0xc3: {  	[dreg:$0x0] =	wrdreg $0xFFFFFFFF;
	(pc) =	sbr.abs _section_cstart, $3  }
0xc4: {  	[dreg:$0x1] =	wrdreg $0xFFFFFFFF  }
0xc5: {  	_ =	task.clear_ibuf [dreg:s8], $0x2FFFF;
	_ =	strace $0x9FFFFFFF  }
0xc6: {  	(tm) =	ssettm $0x7FFFFFFF  }
0xc7: {  	_ =	shalt  }
tec
execute0_lowered:
.L_overlay_start_1:
0x0: {  	(tag) =	ssettag $0x1  }
0x1: {  	s2 =	rddreg [dreg:$0x0]  }
0x2: {  	s3 =	rddreg [dreg:$0x1]  }
0x3: {  	s4 =	rddreg [dreg:$0x2]  }
0x4: {  	s5 =	rddreg [dreg:$0x3]  }
0x5: {  	s1 =	rddreg [dreg:$0x4];
	s6 =	stileid.u32  }
0x6: {  	s0 =	rddreg [dreg:$0x5];
	s7 =	simm.s32 $0x0;
	s8 =	sshll.u32 s6, $0x1  }
0x7: {  	[smem:$0x7FF] =	sst s7;
	s8 =	sand.u32 $0x6, s8  }
0x8: {  	s26 =	simm.s32 $0x2;
	_ =	strace $0x80000047;
	s3 =	sadd.s32 s3, s8  }
0x9: {  	[tilespmem:s7], [sflag:$0x2] =	stream.linear.gather [hbm4b:s3+s7], $0x10, $0x38;
	[tilespmem:$0x980] =	vst v63  }
0xa: {  	_ =	swait.ge [sflag:s26], $0x10  }
0xb: {  	[sflag:s26] =	ssyncset.done $0x0  }
0xc: {  	[sflag:s26] =	ssyncadd.s32 $0xFFFFFFF0  }
0xd: {  	v0 =	vld [tilespmem:$0x0];
	_ =	sdelay $0x1  }
0xe: {  	s28 =	sshrl.u32 s6, $0x2  }
0xf: {  	s8 =	smul.u32 $0x2710, s28;
	_ =	sdelay $0x1  }
0x10: {  	s29 =	simm.s32 $0x10;
	v0 =	vadd.s32 s8, v0  }
0x11: {  	s9 =	simm.s32 $0x80;
	s10 =	simm.s32 $0x100;
	s30 =	simm.s32 $0x1;
	[tilespmem:$0x80] =	vst v0  }
0x12: {  	[tilespmem:s10], [sflag:$0x1] =	stream.indirect.gather [hbm4b:s2+s29], $0x80, s9, s29, $0xb8;
	[tilespmem:$0x980] =	vst v63  }
0x13: {  	s31 =	sshll.u32 s6, $0x8;
	_ =	swait.ge [sflag:s30], $0x800  }
0x14: {  	s5 =	sadd.s32 s31, s5;
	[sflag:s30] =	ssyncset.done $0x0  }
0x15: {  	s5 =	sadd.s32 $0x1600, s5;
	[sflag:s30] =	ssyncadd.s32 $0xFFFFF800  }
0x16: {  	[hbm4b:s5+s7] =	stream.linear.scatter [tilespmem:s10], [sflag:$0x2], $0x800, $0x38;
	[tilespmem:$0x980] =	vst v63  }
0x17: {  	_ =	swait.ge [sflag:s26], $0x800  }
0x18: {  	[sflag:s26] =	ssyncset.done $0x0  }
0x19: {  	p0 =	sne.s32 s6, $0x0;
	[sflag:s26] =	ssyncadd.s32 $0xFFFFF800  }
0x1a: {  	_ =	sfence.sel @p0 $0x180000  }
0x1b: {  	[bflag:$0x0] =	sbarrier.arrive @p0 $0xFFFF  }
0x1c: {  	_ =	strace @p0 $0x90000047  }
0x1d: {  	s3 =	simm.s32 @!p0 $0x0;
	s5 =	simm.s32 @!p0 $0x900;
	[bflag:$0x2] =	sbarrier.arrive @p0 $0xFFFF  }
0x1e: {  	[tilespmem:s5], [sflag:$0x2] =	stream.linear.gather @!p0 [hbm4b:s4+s3], $0x1, $0x38;
	[tilespmem:$0x980] =	vst v63  }
0x1f: {  	s4 =	simm.s32 @!p0 $0x2  }
0x20: {  	_ =	swait.ge @!p0 [sflag:s4], $0x1  }
0x21: {  	[sflag:s4] =	ssyncset.done @!p0 $0x0  }
0x22: {  	[sflag:s4] =	ssyncadd.s32 @!p0 $0xFFFFFFFF  }
0x23: {  	v0 =	vld.msk @!p0 [tilespmem:$0x900 ss:$0x0], $0xffff  }
0x24: {  	v1 =	vimm.s32 @!p0 $0x7530;
	vm0 =	vcmask @!p0 $0x300  }
0x25: {  	v1 =	vsel @!p0 vm0, $0x0, v1;
	vm0 =	vcmask @!p0 $0x704  }
0x26: {  	v1 =	vsel @!p0 vm0, $0x2710, v1;
	vm0 =	vcmask @!p0 $0xB08  }
0x27: {  	v1 =	vsel @!p0 vm0, $0x4E20, v1  }
0x28: {  	v0 =	vadd.s32 @!p0 v1, v0  }
0x29: {  	s6 =	simm.s32 @!p0 $0x80;
	s7 =	simm.s32 @!p0 $0x100;
	s5 =	simm.s32 @!p0 $0x10;
	[tilespmem:$0x80] =	vst @!p0 v0  }
0x2a: {  	[tilespmem:s7], [sflag:$0x1] =	stream.indirect.gather @!p0 [hbm4b:s2+s5], $0x80, s6, s5, $0xb8;
	[tilespmem:$0x980] =	vst v63  }
0x2b: {  	s2 =	simm.s32 @!p0 $0x1  }
0x2c: {  	_ =	swait.ge @!p0 [sflag:s2], $0x800  }
0x2d: {  	[sflag:s2] =	ssyncset.done @!p0 $0x0  }
0x2e: {  	[sflag:s2] =	ssyncadd.s32 @!p0 $0xFFFFF800  }
0x2f: {  	[hbm4b:s1+s3] =	stream.linear.scatter @!p0 [tilespmem:s7], [sflag:$0x2], $0x200, $0x38;
	[tilespmem:$0x980] =	vst v63  }
0x30: {  	_ =	swait.ge @!p0 [sflag:s4], $0x200  }
0x31: {  	[sflag:s4] =	ssyncset.done @!p0 $0x0  }
0x32: {  	[sflag:s4] =	ssyncadd.s32 @!p0 $0xFFFFFE00  }
0x33: {  	_ =	sfence.sel @!p0 $0x180000  }
0x34: {  	[bflag:$0x0] =	sbarrier.arrive @!p0 $0xFFFF  }
0x35: {  	_ =	strace @!p0 $0x90000047  }
0x36: {  	s0 =	sadd.s32 @!p0 $0x100000, s0;
	[bflag:$0x2] =	sbarrier.arrive @!p0 $0xFFFF  }
0x37: {  	[sflag:s0] =	ssyncadd.tile.s32 @!p0 $0x1;
	_ =	shalt  }
.Lfunc_end2:
_tile_overlayer_lowered:
.L_overlay_start_2:
0x38: {  	(tag) =	ssettag $0x2  }
0x39: {  	s0 =	rddreg [dreg:$0x0];
	s2 =	stileid.u32  }
0x3a: {  	s1 =	rddreg [dreg:$0x1];
	p0 =	sne.s32 s2, $0x0  }
0x3b: {  	s3 =	rddreg [dreg:$0x2];
	[bflag:$0x3] =	sbarrier.arrive $0xFFFF;
	s2 =	simm.s32 @!p0 $0x1C02  }
0x3c: {  	[timem:s3], [sflag:s2] =	dma.local @!p0 [hbm:s0], s1  }
0x3d: {  	s0 =	simm.s32 @!p0 $0x2  }
0x3e: {  	_ =	swait.ge @!p0 [sflag:s0], s1  }
0x3f: {  	s1 =	ssub.s32 @!p0 $0x0, s1;
	[sflag:s0] =	ssyncset.done @!p0 $0x0  }
0x40: {  	[sflag:s0] =	ssyncadd.s32 @!p0 s1  }
0x41: {  	[bflag:$0x3] =	sbarrier.arrive $0xFFFF  }
0x42: {  	_ =	shalt  }

</sc_bundles>
